<compile_context>
chip_gen: v7x
topology: tpu7x:2x2x1
jax: 0.10.2.dev20260603
libtpu: 0.0.44.dev20260713+nightly
codegen_flags: <defaults>
</compile_context>

<pallas_src>
import functools
import jax
import jax.numpy as jnp
from jax import lax
from jax.experimental import pallas as pl
from jax.experimental.pallas import tpu as pltpu
from jax.experimental.pallas import tpu_sc as plsc

EMB = 32
GROUPS = 8
CODES = 1024
BLOCK_B = 1024
IDX_MINOR = 128
SLICES = 2


def _vq_argmin_body(f_ref, wtn_ref, w2_ref, iota_ref, j_ref, loss_ref):
    wtn = wtn_ref[...]
    w2 = w2_ref[...]
    b = f_ref.shape[0]
    iota_f = iota_ref[...]
    loss_acc = jnp.zeros((b, 1), jnp.float32)
    js = []
    for g in range(GROUPS):
        f = f_ref[:, g * EMB:(g + 1) * EMB]
        s = jax.lax.dot_general(
            f, wtn, (((1,), (0,)), ((), ())),
            preferred_element_type=jnp.float32)
        q = s + w2
        m = jnp.min(q, axis=1, keepdims=True)
        jf = jnp.min(jnp.where(q == m, iota_f, float(CODES)),
                     axis=1, keepdims=True)
        js.append(jf)
        f2 = jnp.sum(f * f, axis=1, keepdims=True)
        loss_acc = loss_acc + (f2 + m)
    j_ref[...] = jnp.concatenate(js, axis=1).astype(jnp.int32)
    loss_ref[...] = jnp.reshape((1.25 / GROUPS) * loss_acc, (b,))


def _argmin_call(feature, wtn, w2, iota_f, n_half, block_off):
    fl = feature.shape[1]
    grid = n_half // BLOCK_B
    return pl.pallas_call(
        _vq_argmin_body,
        grid=(grid,),
        in_specs=[
            pl.BlockSpec((BLOCK_B, fl), lambda i: (i + block_off, 0)),
            pl.BlockSpec((EMB, CODES), lambda i: (0, 0)),
            pl.BlockSpec((1, CODES), lambda i: (0, 0)),
            pl.BlockSpec((1, CODES), lambda i: (0, 0)),
        ],
        out_specs=[
            pl.BlockSpec((BLOCK_B, GROUPS), lambda i: (i, 0)),
            pl.BlockSpec((BLOCK_B,), lambda i: (i,)),
        ],
        out_shape=[
            jax.ShapeDtypeStruct((n_half, GROUPS), jnp.int32),
            jax.ShapeDtypeStruct((n_half,), jnp.float32),
        ],
    )(feature, wtn, w2, iota_f)


def _make_sc_gather(nrows_half, out_base):
    info = plsc.get_sparse_core_info()
    nw = info.num_cores * info.num_subcores
    b_per_w = nrows_half // nw
    ir_per_w = b_per_w // IDX_MINOR
    n_chunks = 4
    chunk = b_per_w // n_chunks
    spc = chunk // IDX_MINOR
    mesh = plsc.VectorSubcoreMesh(core_axis_name="c", subcore_axis_name="s")

    @functools.partial(
        pl.kernel, mesh=mesh,
        out_type=(),
        scratch_types=[
            pltpu.VMEM((ir_per_w, IDX_MINOR), jnp.int32),
            pltpu.VMEM((chunk, EMB), jnp.float32),
            pltpu.VMEM((chunk, EMB), jnp.float32),
            pltpu.SemaphoreType.DMA,
            pltpu.SemaphoreType.DMA,
        ],
        compiler_params=pltpu.CompilerParams(use_tc_tiling_on_sc=False),
    )
    def gather_k(idx_hbm, w_hbm, out_hbm, idx_v, rows_a, rows_b, sg, sw):
        wid = lax.axis_index("s") * info.num_cores + lax.axis_index("c")
        base = out_base + wid * b_per_w
        bufs = (rows_a, rows_b)
        pltpu.sync_copy(idx_hbm.at[pl.ds(wid * ir_per_w, ir_per_w)], idx_v)

        def fire(c, buf):
            for t in range(spc):
                pltpu.async_copy(
                    w_hbm.at[idx_v.at[c * spc + t]],
                    buf.at[pl.ds(t * IDX_MINOR, IDX_MINOR)],
                    sg)

        wb = []
        fire(0, bufs[0])
        for c in range(n_chunks):
            buf = bufs[c % 2]
            for t in range(spc):
                pltpu.make_async_copy(
                    w_hbm.at[idx_v.at[c * spc + t]],
                    buf.at[pl.ds(t * IDX_MINOR, IDX_MINOR)],
                    sg).wait()
            if c + 1 < n_chunks:
                if c >= 1:
                    wb.pop(0).wait()
                fire(c + 1, bufs[(c + 1) % 2])
            wb.append(pltpu.async_copy(
                buf, out_hbm.at[pl.ds(base + c * chunk, chunk)], sw))
        for h in wb:
            h.wait()

    return gather_k


def kernel(feature, W):
    n, fl = feature.shape
    wtn = -2.0 * W.T
    w2 = jnp.sum(W * W, axis=1)[None, :]
    iota_f = jnp.arange(CODES, dtype=jnp.float32)[None, :]
    n_half = n // SLICES
    nrows_half = n_half * GROUPS
    out_ref = jax.new_ref(jnp.zeros((n * GROUPS, EMB), jnp.float32))
    losses = []
    for s in range(SLICES):
        gather_k = _make_sc_gather(nrows_half, s * nrows_half)
        j, loss = _argmin_call(
            feature, wtn, w2, iota_f, n_half, s * (n_half // BLOCK_B))
        gather_k(j.reshape(nrows_half // IDX_MINOR, IDX_MINOR), W, out_ref)
        losses.append(loss)
    return (jnp.concatenate(losses), out_ref[...].reshape(n, fl))

# --- scband reference (transcript-rebuilt; emitter-appended) ---
"""Pipeline reference for scband-grass-merge-gen-17076789969244 (READ-ONLY COPY).

The authoritative reference and input builder live on the scoring server;
editing this copy changes nothing except your own understanding.
"""

import jax, jax.numpy as jnp
import numpy as np

EMBEDDING_DIM = 32
FEATURE_LENGTH = 256
NUM_EMBEDDINGS = 1024
BATCH = 16384

def setup_inputs(seed: int = 0) -> dict:
    key = jax.random.key(seed)
    k1, k2 = jax.random.split(key)
    feature = jax.random.normal(k1, (BATCH, FEATURE_LENGTH), dtype=jnp.float32)
    W = jax.random.normal(k2, (NUM_EMBEDDINGS, EMBEDDING_DIM), dtype=jnp.float32)
    return {"feature": feature, "W": W}

def reference(feature, W):
    # vqlizationWithLoss from GrassMergeGen
    d = W.shape[1]  # embedding_dim
    f = feature.reshape(-1, d)
    # L2 distance: sum((f[:,None]-W[None,:])**2, axis=2), computed via the
    # algebraically identical expansion ||f||^2 - 2 f.W^T + ||W||^2 to avoid
    # materializing the [N, K, d] broadcast tensor.
    f2 = jnp.sum(f * f, axis=1, keepdims=True)
    W2 = jnp.sum(W * W, axis=1)[None, :]
    dist = f2 - 2.0 * (f @ W.T) + W2
    j = jnp.argmin(dist, axis=1)
    W_j = jnp.take(W, j, axis=0)
    out = W_j.reshape(-1, feature.shape[1])
    f_sg = jax.lax.stop_gradient(f)
    W_j_sg = jax.lax.stop_gradient(W_j)
    loss = jnp.sum((f - W_j_sg) ** 2, axis=1) + jnp.sum((f_sg - W_j) ** 2, axis=1) * 0.25
    groups = feature.shape[1] // d
    loss = loss.reshape(-1, groups)
    loss = jnp.mean(loss, axis=1)
    return (loss, out)

if __name__ == "__main__":
    import jax
    _d = setup_inputs()
    print(jax.jit(kernel)(*tuple(_d.values())))

</pallas_src>

<mosaic_0001>
#map = affine_map<(d0, d1) -> (0, 0)>
module attributes {stable_mosaic.version = 14 : i64} {
  func.func @new_body(%arg0: i32, %arg1: i32, %arg2: memref<512x128xi32, #tpu.memory_space<hbm>>, %arg3: memref<1024x32xf32, #tpu.memory_space<hbm>>, %arg4: memref<131072x32xf32, #tpu.memory_space<hbm>>, %arg5: memref<131072x32xf32, #tpu.memory_space<hbm>>, %arg6: memref<16x128xi32, #tpu.memory_space<vmem>>, %arg7: memref<512x32xf32, #tpu.memory_space<vmem>>, %arg8: memref<512x32xf32, #tpu.memory_space<vmem>>, %arg9: memref<!tpu.dma_semaphore, #tpu.memory_space<semaphore_mem>>, %arg10: memref<!tpu.dma_semaphore, #tpu.memory_space<semaphore_mem>>) attributes {dimension_semantics = [#tpu.dimension_semantics<core_parallel>, #tpu.dimension_semantics<subcore_parallel>], iteration_bounds = array<i64: 2, 16>, scalar_prefetch = 0 : i64, scratch_operands = 5 : i64, tpu.core_type = #tpu.core_type<sc_vector_subcore>, window_params = [{transform_indices = #map}, {transform_indices = #map}, {transform_indices = #map}, {transform_indices = #map}]} {
    %mul3A = arith.constant 2 : i32
    %mul3A_0 = arith.muli %arg1, %mul3A : i32
    %add3A = arith.addi %mul3A_0, %arg0 : i32
    %mul3A_1 = arith.constant 2048 : i32
    %mul3A_2 = arith.muli %add3A, %mul3A_1 : i32
    %add3A_3 = arith.constant 65536 : i32
    %add3A_4 = arith.addi %add3A_3, %mul3A_2 : i32
    %mul3A_5 = arith.constant 16 : i32
    %mul3A_6 = arith.muli %add3A, %mul3A_5 : i32
    "tpu.region"() ({
      %run_scoped3A = tpu.sem_alloc : memref<!tpu.dma_semaphore, #tpu.memory_space<semaphore_mem>>
      %dma_start3A_365 = arith.constant 0 : i32
      %dma_start3A_366 = tpu.memref_slice %arg2[%mul3A_6, %dma_start3A_365] : memref<512x128xi32, #tpu.memory_space<hbm>> -> memref<16x128xi32, #tpu.memory_space<hbm>>
      %dma_start3A_367 = arith.constant 0 : i32
      %dma_start3A_368 = tpu.memref_slice %arg2[%mul3A_6, %dma_start3A_367] : memref<512x128xi32, #tpu.memory_space<hbm>> -> memref<16x128xi32, #tpu.memory_space<hbm>>
      tpu.enqueue_dma source(%dma_start3A_368 : memref<16x128xi32, #tpu.memory_space<hbm>>) target(%arg6 : memref<16x128xi32, #tpu.memory_space<vmem>>) target_semaphore(%run_scoped3A : memref<!tpu.dma_semaphore, #tpu.memory_space<semaphore_mem>>)
      %dma_wait3A_369 = arith.constant 0 : i32
      %dma_wait3A_370 = tpu.memref_slice %arg2[%mul3A_6, %dma_wait3A_369] : memref<512x128xi32, #tpu.memory_space<hbm>> -> memref<16x128xi32, #tpu.memory_space<hbm>>
      %dma_wait3A_371 = arith.constant 0 : i32
      %dma_wait3A_372 = tpu.memref_slice %arg2[%mul3A_6, %dma_wait3A_371] : memref<512x128xi32, #tpu.memory_space<hbm>> -> memref<16x128xi32, #tpu.memory_space<hbm>>
      tpu.wait_dma2 semaphore(%run_scoped3A : memref<!tpu.dma_semaphore, #tpu.memory_space<semaphore_mem>>) src(%dma_wait3A_372 : memref<16x128xi32, #tpu.memory_space<hbm>>) dst(%arg6 : memref<16x128xi32, #tpu.memory_space<vmem>>)
      tpu.yield
    }) : () -> ()
    %dma_start3A = arith.constant 0 : i32
    %dma_start3A_7 = arith.constant 0 : i32
    %dma_start3A_8 = arith.constant 0 : i32
    %dma_start3A_9 = tpu.memref_slice %arg7[%dma_start3A_7, %dma_start3A_8] : memref<512x32xf32, #tpu.memory_space<vmem>> -> memref<128x32xf32, #tpu.memory_space<vmem>>
    %dma_start3A_10 = arith.constant 0 : i32
    %dma_start3A_11 = tpu.memref_slice %arg6[%dma_start3A, %dma_start3A_10] : memref<16x128xi32, #tpu.memory_space<vmem>> -> memref<1x128xi32, #tpu.memory_space<vmem>>
    %dma_start3A_12 = tpu.memref_squeeze %dma_start3A_11 : memref<1x128xi32, #tpu.memory_space<vmem>> -> memref<128xi32, #tpu.memory_space<vmem>>
    %dma_start3A_13 = arith.constant 0 : i32
    %dma_start3A_14 = arith.constant 0 : i32
    %dma_start3A_15 = tpu.memref_slice %arg3[%dma_start3A_13, %dma_start3A_14] : memref<1024x32xf32, #tpu.memory_space<hbm>> -> memref<1024x32xf32, #tpu.memory_space<hbm>>
    tpu.enqueue_indirect_dma source(%dma_start3A_15 : memref<1024x32xf32, #tpu.memory_space<hbm>>) target(%dma_start3A_9 : memref<128x32xf32, #tpu.memory_space<vmem>>) offsets(%dma_start3A_12 : memref<128xi32, #tpu.memory_space<vmem>>) semaphore(%arg9 : memref<!tpu.dma_semaphore, #tpu.memory_space<semaphore_mem>>)
    %dma_start3A_16 = arith.constant 1 : i32
    %dma_start3A_17 = arith.constant 128 : i32
    %dma_start3A_18 = arith.constant 0 : i32
    %dma_start3A_19 = tpu.memref_slice %arg7[%dma_start3A_17, %dma_start3A_18] : memref<512x32xf32, #tpu.memory_space<vmem>> -> memref<128x32xf32, #tpu.memory_space<vmem>>
    %dma_start3A_20 = arith.constant 0 : i32
    %dma_start3A_21 = tpu.memref_slice %arg6[%dma_start3A_16, %dma_start3A_20] : memref<16x128xi32, #tpu.memory_space<vmem>> -> memref<1x128xi32, #tpu.memory_space<vmem>>
    %dma_start3A_22 = tpu.memref_squeeze %dma_start3A_21 : memref<1x128xi32, #tpu.memory_space<vmem>> -> memref<128xi32, #tpu.memory_space<vmem>>
    %dma_start3A_23 = arith.constant 0 : i32
    %dma_start3A_24 = arith.constant 0 : i32
    %dma_start3A_25 = tpu.memref_slice %arg3[%dma_start3A_23, %dma_start3A_24] : memref<1024x32xf32, #tpu.memory_space<hbm>> -> memref<1024x32xf32, #tpu.memory_space<hbm>>
    tpu.enqueue_indirect_dma source(%dma_start3A_25 : memref<1024x32xf32, #tpu.memory_space<hbm>>) target(%dma_start3A_19 : memref<128x32xf32, #tpu.memory_space<vmem>>) offsets(%dma_start3A_22 : memref<128xi32, #tpu.memory_space<vmem>>) semaphore(%arg9 : memref<!tpu.dma_semaphore, #tpu.memory_space<semaphore_mem>>)
    %dma_start3A_26 = arith.constant 2 : i32
    %dma_start3A_27 = arith.constant 256 : i32
    %dma_start3A_28 = arith.constant 0 : i32
    %dma_start3A_29 = tpu.memref_slice %arg7[%dma_start3A_27, %dma_start3A_28] : memref<512x32xf32, #tpu.memory_space<vmem>> -> memref<128x32xf32, #tpu.memory_space<vmem>>
    %dma_start3A_30 = arith.constant 0 : i32
    %dma_start3A_31 = tpu.memref_slice %arg6[%dma_start3A_26, %dma_start3A_30] : memref<16x128xi32, #tpu.memory_space<vmem>> -> memref<1x128xi32, #tpu.memory_space<vmem>>
    %dma_start3A_32 = tpu.memref_squeeze %dma_start3A_31 : memref<1x128xi32, #tpu.memory_space<vmem>> -> memref<128xi32, #tpu.memory_space<vmem>>
    %dma_start3A_33 = arith.constant 0 : i32
    %dma_start3A_34 = arith.constant 0 : i32
    %dma_start3A_35 = tpu.memref_slice %arg3[%dma_start3A_33, %dma_start3A_34] : memref<1024x32xf32, #tpu.memory_space<hbm>> -> memref<1024x32xf32, #tpu.memory_space<hbm>>
    tpu.enqueue_indirect_dma source(%dma_start3A_35 : memref<1024x32xf32, #tpu.memory_space<hbm>>) target(%dma_start3A_29 : memref<128x32xf32, #tpu.memory_space<vmem>>) offsets(%dma_start3A_32 : memref<128xi32, #tpu.memory_space<vmem>>) semaphore(%arg9 : memref<!tpu.dma_semaphore, #tpu.memory_space<semaphore_mem>>)
    %dma_start3A_36 = arith.constant 3 : i32
    %dma_start3A_37 = arith.constant 384 : i32
    %dma_start3A_38 = arith.constant 0 : i32
    %dma_start3A_39 = tpu.memref_slice %arg7[%dma_start3A_37, %dma_start3A_38] : memref<512x32xf32, #tpu.memory_space<vmem>> -> memref<128x32xf32, #tpu.memory_space<vmem>>
    %dma_start3A_40 = arith.constant 0 : i32
    %dma_start3A_41 = tpu.memref_slice %arg6[%dma_start3A_36, %dma_start3A_40] : memref<16x128xi32, #tpu.memory_space<vmem>> -> memref<1x128xi32, #tpu.memory_space<vmem>>
    %dma_start3A_42 = tpu.memref_squeeze %dma_start3A_41 : memref<1x128xi32, #tpu.memory_space<vmem>> -> memref<128xi32, #tpu.memory_space<vmem>>
    %dma_start3A_43 = arith.constant 0 : i32
    %dma_start3A_44 = arith.constant 0 : i32
    %dma_start3A_45 = tpu.memref_slice %arg3[%dma_start3A_43, %dma_start3A_44] : memref<1024x32xf32, #tpu.memory_space<hbm>> -> memref<1024x32xf32, #tpu.memory_space<hbm>>
    tpu.enqueue_indirect_dma source(%dma_start3A_45 : memref<1024x32xf32, #tpu.memory_space<hbm>>) target(%dma_start3A_39 : memref<128x32xf32, #tpu.memory_space<vmem>>) offsets(%dma_start3A_42 : memref<128xi32, #tpu.memory_space<vmem>>) semaphore(%arg9 : memref<!tpu.dma_semaphore, #tpu.memory_space<semaphore_mem>>)
    %dma_wait3A = arith.constant 0 : i32
    %dma_wait3A_46 = arith.constant 0 : i32
    %dma_wait3A_47 = arith.constant 0 : i32
    %dma_wait3A_48 = tpu.memref_slice %arg7[%dma_wait3A_46, %dma_wait3A_47] : memref<512x32xf32, #tpu.memory_space<vmem>> -> memref<128x32xf32, #tpu.memory_space<vmem>>
    %dma_wait3A_49 = arith.constant 0 : i32
    %dma_wait3A_50 = tpu.memref_slice %arg6[%dma_wait3A, %dma_wait3A_49] : memref<16x128xi32, #tpu.memory_space<vmem>> -> memref<1x128xi32, #tpu.memory_space<vmem>>
    %dma_wait3A_51 = tpu.memref_squeeze %dma_wait3A_50 : memref<1x128xi32, #tpu.memory_space<vmem>> -> memref<128xi32, #tpu.memory_space<vmem>>
    %dma_wait3A_52 = arith.constant 0 : i32
    %dma_wait3A_53 = arith.constant 0 : i32
    %dma_wait3A_54 = tpu.memref_slice %arg3[%dma_wait3A_52, %dma_wait3A_53] : memref<1024x32xf32, #tpu.memory_space<hbm>> -> memref<1024x32xf32, #tpu.memory_space<hbm>>
    tpu.wait_indirect_dma semaphore(%arg9 : memref<!tpu.dma_semaphore, #tpu.memory_space<semaphore_mem>>) src(%dma_wait3A_54 : memref<1024x32xf32, #tpu.memory_space<hbm>>) dst(%dma_wait3A_48 : memref<128x32xf32, #tpu.memory_space<vmem>>)
    %dma_wait3A_55 = arith.constant 1 : i32
    %dma_wait3A_56 = arith.constant 128 : i32
    %dma_wait3A_57 = arith.constant 0 : i32
    %dma_wait3A_58 = tpu.memref_slice %arg7[%dma_wait3A_56, %dma_wait3A_57] : memref<512x32xf32, #tpu.memory_space<vmem>> -> memref<128x32xf32, #tpu.memory_space<vmem>>
    %dma_wait3A_59 = arith.constant 0 : i32
    %dma_wait3A_60 = tpu.memref_slice %arg6[%dma_wait3A_55, %dma_wait3A_59] : memref<16x128xi32, #tpu.memory_space<vmem>> -> memref<1x128xi32, #tpu.memory_space<vmem>>
    %dma_wait3A_61 = tpu.memref_squeeze %dma_wait3A_60 : memref<1x128xi32, #tpu.memory_space<vmem>> -> memref<128xi32, #tpu.memory_space<vmem>>
    %dma_wait3A_62 = arith.constant 0 : i32
    %dma_wait3A_63 = arith.constant 0 : i32
    %dma_wait3A_64 = tpu.memref_slice %arg3[%dma_wait3A_62, %dma_wait3A_63] : memref<1024x32xf32, #tpu.memory_space<hbm>> -> memref<1024x32xf32, #tpu.memory_space<hbm>>
    tpu.wait_indirect_dma semaphore(%arg9 : memref<!tpu.dma_semaphore, #tpu.memory_space<semaphore_mem>>) src(%dma_wait3A_64 : memref<1024x32xf32, #tpu.memory_space<hbm>>) dst(%dma_wait3A_58 : memref<128x32xf32, #tpu.memory_space<vmem>>)
    %dma_wait3A_65 = arith.constant 2 : i32
    %dma_wait3A_66 = arith.constant 256 : i32
    %dma_wait3A_67 = arith.constant 0 : i32
    %dma_wait3A_68 = tpu.memref_slice %arg7[%dma_wait3A_66, %dma_wait3A_67] : memref<512x32xf32, #tpu.memory_space<vmem>> -> memref<128x32xf32, #tpu.memory_space<vmem>>
    %dma_wait3A_69 = arith.constant 0 : i32
    %dma_wait3A_70 = tpu.memref_slice %arg6[%dma_wait3A_65, %dma_wait3A_69] : memref<16x128xi32, #tpu.memory_space<vmem>> -> memref<1x128xi32, #tpu.memory_space<vmem>>
    %dma_wait3A_71 = tpu.memref_squeeze %dma_wait3A_70 : memref<1x128xi32, #tpu.memory_space<vmem>> -> memref<128xi32, #tpu.memory_space<vmem>>
    %dma_wait3A_72 = arith.constant 0 : i32
    %dma_wait3A_73 = arith.constant 0 : i32
    %dma_wait3A_74 = tpu.memref_slice %arg3[%dma_wait3A_72, %dma_wait3A_73] : memref<1024x32xf32, #tpu.memory_space<hbm>> -> memref<1024x32xf32, #tpu.memory_space<hbm>>
    tpu.wait_indirect_dma semaphore(%arg9 : memref<!tpu.dma_semaphore, #tpu.memory_space<semaphore_mem>>) src(%dma_wait3A_74 : memref<1024x32xf32, #tpu.memory_space<hbm>>) dst(%dma_wait3A_68 : memref<128x32xf32, #tpu.memory_space<vmem>>)
    %dma_wait3A_75 = arith.constant 3 : i32
    %dma_wait3A_76 = arith.constant 384 : i32
    %dma_wait3A_77 = arith.constant 0 : i32
    %dma_wait3A_78 = tpu.memref_slice %arg7[%dma_wait3A_76, %dma_wait3A_77] : memref<512x32xf32, #tpu.memory_space<vmem>> -> memref<128x32xf32, #tpu.memory_space<vmem>>
    %dma_wait3A_79 = arith.constant 0 : i32
    %dma_wait3A_80 = tpu.memref_slice %arg6[%dma_wait3A_75, %dma_wait3A_79] : memref<16x128xi32, #tpu.memory_space<vmem>> -> memref<1x128xi32, #tpu.memory_space<vmem>>
    %dma_wait3A_81 = tpu.memref_squeeze %dma_wait3A_80 : memref<1x128xi32, #tpu.memory_space<vmem>> -> memref<128xi32, #tpu.memory_space<vmem>>
    %dma_wait3A_82 = arith.constant 0 : i32
    %dma_wait3A_83 = arith.constant 0 : i32
    %dma_wait3A_84 = tpu.memref_slice %arg3[%dma_wait3A_82, %dma_wait3A_83] : memref<1024x32xf32, #tpu.memory_space<hbm>> -> memref<1024x32xf32, #tpu.memory_space<hbm>>
    tpu.wait_indirect_dma semaphore(%arg9 : memref<!tpu.dma_semaphore, #tpu.memory_space<semaphore_mem>>) src(%dma_wait3A_84 : memref<1024x32xf32, #tpu.memory_space<hbm>>) dst(%dma_wait3A_78 : memref<128x32xf32, #tpu.memory_space<vmem>>)
    %dma_start3A_85 = arith.constant 4 : i32
    %dma_start3A_86 = arith.constant 0 : i32
    %dma_start3A_87 = arith.constant 0 : i32
    %dma_start3A_88 = tpu.memref_slice %arg8[%dma_start3A_86, %dma_start3A_87] : memref<512x32xf32, #tpu.memory_space<vmem>> -> memref<128x32xf32, #tpu.memory_space<vmem>>
    %dma_start3A_89 = arith.constant 0 : i32
    %dma_start3A_90 = tpu.memref_slice %arg6[%dma_start3A_85, %dma_start3A_89] : memref<16x128xi32, #tpu.memory_space<vmem>> -> memref<1x128xi32, #tpu.memory_space<vmem>>
    %dma_start3A_91 = tpu.memref_squeeze %dma_start3A_90 : memref<1x128xi32, #tpu.memory_space<vmem>> -> memref<128xi32, #tpu.memory_space<vmem>>
    %dma_start3A_92 = arith.constant 0 : i32
    %dma_start3A_93 = arith.constant 0 : i32
    %dma_start3A_94 = tpu.memref_slice %arg3[%dma_start3A_92, %dma_start3A_93] : memref<1024x32xf32, #tpu.memory_space<hbm>> -> memref<1024x32xf32, #tpu.memory_space<hbm>>
    tpu.enqueue_indirect_dma source(%dma_start3A_94 : memref<1024x32xf32, #tpu.memory_space<hbm>>) target(%dma_start3A_88 : memref<128x32xf32, #tpu.memory_space<vmem>>) offsets(%dma_start3A_91 : memref<128xi32, #tpu.memory_space<vmem>>) semaphore(%arg9 : memref<!tpu.dma_semaphore, #tpu.memory_space<semaphore_mem>>)
    %dma_start3A_95 = arith.constant 5 : i32
    %dma_start3A_96 = arith.constant 128 : i32
    %dma_start3A_97 = arith.constant 0 : i32
    %dma_start3A_98 = tpu.memref_slice %arg8[%dma_start3A_96, %dma_start3A_97] : memref<512x32xf32, #tpu.memory_space<vmem>> -> memref<128x32xf32, #tpu.memory_space<vmem>>
    %dma_start3A_99 = arith.constant 0 : i32
    %dma_start3A_100 = tpu.memref_slice %arg6[%dma_start3A_95, %dma_start3A_99] : memref<16x128xi32, #tpu.memory_space<vmem>> -> memref<1x128xi32, #tpu.memory_space<vmem>>
    %dma_start3A_101 = tpu.memref_squeeze %dma_start3A_100 : memref<1x128xi32, #tpu.memory_space<vmem>> -> memref<128xi32, #tpu.memory_space<vmem>>
    %dma_start3A_102 = arith.constant 0 : i32
    %dma_start3A_103 = arith.constant 0 : i32
    %dma_start3A_104 = tpu.memref_slice %arg3[%dma_start3A_102, %dma_start3A_103] : memref<1024x32xf32, #tpu.memory_space<hbm>> -> memref<1024x32xf32, #tpu.memory_space<hbm>>
    tpu.enqueue_indirect_dma source(%dma_start3A_104 : memref<1024x32xf32, #tpu.memory_space<hbm>>) target(%dma_start3A_98 : memref<128x32xf32, #tpu.memory_space<vmem>>) offsets(%dma_start3A_101 : memref<128xi32, #tpu.memory_space<vmem>>) semaphore(%arg9 : memref<!tpu.dma_semaphore, #tpu.memory_space<semaphore_mem>>)
    %dma_start3A_105 = arith.constant 6 : i32
    %dma_start3A_106 = arith.constant 256 : i32
    %dma_start3A_107 = arith.constant 0 : i32
    %dma_start3A_108 = tpu.memref_slice %arg8[%dma_start3A_106, %dma_start3A_107] : memref<512x32xf32, #tpu.memory_space<vmem>> -> memref<128x32xf32, #tpu.memory_space<vmem>>
    %dma_start3A_109 = arith.constant 0 : i32
    %dma_start3A_110 = tpu.memref_slice %arg6[%dma_start3A_105, %dma_start3A_109] : memref<16x128xi32, #tpu.memory_space<vmem>> -> memref<1x128xi32, #tpu.memory_space<vmem>>
    %dma_start3A_111 = tpu.memref_squeeze %dma_start3A_110 : memref<1x128xi32, #tpu.memory_space<vmem>> -> memref<128xi32, #tpu.memory_space<vmem>>
    %dma_start3A_112 = arith.constant 0 : i32
    %dma_start3A_113 = arith.constant 0 : i32
    %dma_start3A_114 = tpu.memref_slice %arg3[%dma_start3A_112, %dma_start3A_113] : memref<1024x32xf32, #tpu.memory_space<hbm>> -> memref<1024x32xf32, #tpu.memory_space<hbm>>
    tpu.enqueue_indirect_dma source(%dma_start3A_114 : memref<1024x32xf32, #tpu.memory_space<hbm>>) target(%dma_start3A_108 : memref<128x32xf32, #tpu.memory_space<vmem>>) offsets(%dma_start3A_111 : memref<128xi32, #tpu.memory_space<vmem>>) semaphore(%arg9 : memref<!tpu.dma_semaphore, #tpu.memory_space<semaphore_mem>>)
    %dma_start3A_115 = arith.constant 7 : i32
    %dma_start3A_116 = arith.constant 384 : i32
    %dma_start3A_117 = arith.constant 0 : i32
    %dma_start3A_118 = tpu.memref_slice %arg8[%dma_start3A_116, %dma_start3A_117] : memref<512x32xf32, #tpu.memory_space<vmem>> -> memref<128x32xf32, #tpu.memory_space<vmem>>
    %dma_start3A_119 = arith.constant 0 : i32
    %dma_start3A_120 = tpu.memref_slice %arg6[%dma_start3A_115, %dma_start3A_119] : memref<16x128xi32, #tpu.memory_space<vmem>> -> memref<1x128xi32, #tpu.memory_space<vmem>>
    %dma_start3A_121 = tpu.memref_squeeze %dma_start3A_120 : memref<1x128xi32, #tpu.memory_space<vmem>> -> memref<128xi32, #tpu.memory_space<vmem>>
    %dma_start3A_122 = arith.constant 0 : i32
    %dma_start3A_123 = arith.constant 0 : i32
    %dma_start3A_124 = tpu.memref_slice %arg3[%dma_start3A_122, %dma_start3A_123] : memref<1024x32xf32, #tpu.memory_space<hbm>> -> memref<1024x32xf32, #tpu.memory_space<hbm>>
    tpu.enqueue_indirect_dma source(%dma_start3A_124 : memref<1024x32xf32, #tpu.memory_space<hbm>>) target(%dma_start3A_118 : memref<128x32xf32, #tpu.memory_space<vmem>>) offsets(%dma_start3A_121 : memref<128xi32, #tpu.memory_space<vmem>>) semaphore(%arg9 : memref<!tpu.dma_semaphore, #tpu.memory_space<semaphore_mem>>)
    %add3A_125 = arith.constant 0 : i32
    %add3A_126 = arith.addi %add3A_4, %add3A_125 : i32
    %dma_start3A_127 = arith.constant 0 : i32
    %dma_start3A_128 = tpu.memref_slice %arg4[%add3A_126, %dma_start3A_127] : memref<131072x32xf32, #tpu.memory_space<hbm>> -> memref<512x32xf32, #tpu.memory_space<hbm>>
    %dma_start3A_129 = arith.constant 0 : i32
    %dma_start3A_130 = tpu.memref_slice %arg4[%add3A_126, %dma_start3A_129] : memref<131072x32xf32, #tpu.memory_space<hbm>> -> memref<512x32xf32, #tpu.memory_space<hbm>>
    tpu.enqueue_dma source(%arg7 : memref<512x32xf32, #tpu.memory_space<vmem>>) target(%dma_start3A_130 : memref<512x32xf32, #tpu.memory_space<hbm>>) target_semaphore(%arg10 : memref<!tpu.dma_semaphore, #tpu.memory_space<semaphore_mem>>)
    %dma_wait3A_131 = arith.constant 4 : i32
    %dma_wait3A_132 = arith.constant 0 : i32
    %dma_wait3A_133 = arith.constant 0 : i32
    %dma_wait3A_134 = tpu.memref_slice %arg8[%dma_wait3A_132, %dma_wait3A_133] : memref<512x32xf32, #tpu.memory_space<vmem>> -> memref<128x32xf32, #tpu.memory_space<vmem>>
    %dma_wait3A_135 = arith.constant 0 : i32
    %dma_wait3A_136 = tpu.memref_slice %arg6[%dma_wait3A_131, %dma_wait3A_135] : memref<16x128xi32, #tpu.memory_space<vmem>> -> memref<1x128xi32, #tpu.memory_space<vmem>>
    %dma_wait3A_137 = tpu.memref_squeeze %dma_wait3A_136 : memref<1x128xi32, #tpu.memory_space<vmem>> -> memref<128xi32, #tpu.memory_space<vmem>>
    %dma_wait3A_138 = arith.constant 0 : i32
    %dma_wait3A_139 = arith.constant 0 : i32
    %dma_wait3A_140 = tpu.memref_slice %arg3[%dma_wait3A_138, %dma_wait3A_139] : memref<1024x32xf32, #tpu.memory_space<hbm>> -> memref<1024x32xf32, #tpu.memory_space<hbm>>
    tpu.wait_indirect_dma semaphore(%arg9 : memref<!tpu.dma_semaphore, #tpu.memory_space<semaphore_mem>>) src(%dma_wait3A_140 : memref<1024x32xf32, #tpu.memory_space<hbm>>) dst(%dma_wait3A_134 : memref<128x32xf32, #tpu.memory_space<vmem>>)
    %dma_wait3A_141 = arith.constant 5 : i32
    %dma_wait3A_142 = arith.constant 128 : i32
    %dma_wait3A_143 = arith.constant 0 : i32
    %dma_wait3A_144 = tpu.memref_slice %arg8[%dma_wait3A_142, %dma_wait3A_143] : memref<512x32xf32, #tpu.memory_space<vmem>> -> memref<128x32xf32, #tpu.memory_space<vmem>>
    %dma_wait3A_145 = arith.constant 0 : i32
    %dma_wait3A_146 = tpu.memref_slice %arg6[%dma_wait3A_141, %dma_wait3A_145] : memref<16x128xi32, #tpu.memory_space<vmem>> -> memref<1x128xi32, #tpu.memory_space<vmem>>
    %dma_wait3A_147 = tpu.memref_squeeze %dma_wait3A_146 : memref<1x128xi32, #tpu.memory_space<vmem>> -> memref<128xi32, #tpu.memory_space<vmem>>
    %dma_wait3A_148 = arith.constant 0 : i32
    %dma_wait3A_149 = arith.constant 0 : i32
    %dma_wait3A_150 = tpu.memref_slice %arg3[%dma_wait3A_148, %dma_wait3A_149] : memref<1024x32xf32, #tpu.memory_space<hbm>> -> memref<1024x32xf32, #tpu.memory_space<hbm>>
    tpu.wait_indirect_dma semaphore(%arg9 : memref<!tpu.dma_semaphore, #tpu.memory_space<semaphore_mem>>) src(%dma_wait3A_150 : memref<1024x32xf32, #tpu.memory_space<hbm>>) dst(%dma_wait3A_144 : memref<128x32xf32, #tpu.memory_space<vmem>>)
    %dma_wait3A_151 = arith.constant 6 : i32
    %dma_wait3A_152 = arith.constant 256 : i32
    %dma_wait3A_153 = arith.constant 0 : i32
    %dma_wait3A_154 = tpu.memref_slice %arg8[%dma_wait3A_152, %dma_wait3A_153] : memref<512x32xf32, #tpu.memory_space<vmem>> -> memref<128x32xf32, #tpu.memory_space<vmem>>
    %dma_wait3A_155 = arith.constant 0 : i32
    %dma_wait3A_156 = tpu.memref_slice %arg6[%dma_wait3A_151, %dma_wait3A_155] : memref<16x128xi32, #tpu.memory_space<vmem>> -> memref<1x128xi32, #tpu.memory_space<vmem>>
    %dma_wait3A_157 = tpu.memref_squeeze %dma_wait3A_156 : memref<1x128xi32, #tpu.memory_space<vmem>> -> memref<128xi32, #tpu.memory_space<vmem>>
    %dma_wait3A_158 = arith.constant 0 : i32
    %dma_wait3A_159 = arith.constant 0 : i32
    %dma_wait3A_160 = tpu.memref_slice %arg3[%dma_wait3A_158, %dma_wait3A_159] : memref<1024x32xf32, #tpu.memory_space<hbm>> -> memref<1024x32xf32, #tpu.memory_space<hbm>>
    tpu.wait_indirect_dma semaphore(%arg9 : memref<!tpu.dma_semaphore, #tpu.memory_space<semaphore_mem>>) src(%dma_wait3A_160 : memref<1024x32xf32, #tpu.memory_space<hbm>>) dst(%dma_wait3A_154 : memref<128x32xf32, #tpu.memory_space<vmem>>)
    %dma_wait3A_161 = arith.constant 7 : i32
    %dma_wait3A_162 = arith.constant 384 : i32
    %dma_wait3A_163 = arith.constant 0 : i32
    %dma_wait3A_164 = tpu.memref_slice %arg8[%dma_wait3A_162, %dma_wait3A_163] : memref<512x32xf32, #tpu.memory_space<vmem>> -> memref<128x32xf32, #tpu.memory_space<vmem>>
    %dma_wait3A_165 = arith.constant 0 : i32
    %dma_wait3A_166 = tpu.memref_slice %arg6[%dma_wait3A_161, %dma_wait3A_165] : memref<16x128xi32, #tpu.memory_space<vmem>> -> memref<1x128xi32, #tpu.memory_space<vmem>>
    %dma_wait3A_167 = tpu.memref_squeeze %dma_wait3A_166 : memref<1x128xi32, #tpu.memory_space<vmem>> -> memref<128xi32, #tpu.memory_space<vmem>>
    %dma_wait3A_168 = arith.constant 0 : i32
    %dma_wait3A_169 = arith.constant 0 : i32
    %dma_wait3A_170 = tpu.memref_slice %arg3[%dma_wait3A_168, %dma_wait3A_169] : memref<1024x32xf32, #tpu.memory_space<hbm>> -> memref<1024x32xf32, #tpu.memory_space<hbm>>
    tpu.wait_indirect_dma semaphore(%arg9 : memref<!tpu.dma_semaphore, #tpu.memory_space<semaphore_mem>>) src(%dma_wait3A_170 : memref<1024x32xf32, #tpu.memory_space<hbm>>) dst(%dma_wait3A_164 : memref<128x32xf32, #tpu.memory_space<vmem>>)
    %dma_wait3A_171 = arith.constant 0 : i32
    %dma_wait3A_172 = tpu.memref_slice %arg4[%add3A_126, %dma_wait3A_171] : memref<131072x32xf32, #tpu.memory_space<hbm>> -> memref<512x32xf32, #tpu.memory_space<hbm>>
    %dma_wait3A_173 = arith.constant 0 : i32
    %dma_wait3A_174 = tpu.memref_slice %arg4[%add3A_126, %dma_wait3A_173] : memref<131072x32xf32, #tpu.memory_space<hbm>> -> memref<512x32xf32, #tpu.memory_space<hbm>>
    tpu.wait_dma2 semaphore(%arg10 : memref<!tpu.dma_semaphore, #tpu.memory_space<semaphore_mem>>) src(%arg7 : memref<512x32xf32, #tpu.memory_space<vmem>>) dst(%dma_wait3A_174 : memref<512x32xf32, #tpu.memory_space<hbm>>)
    %dma_start3A_175 = arith.constant 8 : i32
    %dma_start3A_176 = arith.constant 0 : i32
    %dma_start3A_177 = arith.constant 0 : i32
    %dma_start3A_178 = tpu.memref_slice %arg7[%dma_start3A_176, %dma_start3A_177] : memref<512x32xf32, #tpu.memory_space<vmem>> -> memref<128x32xf32, #tpu.memory_space<vmem>>
    %dma_start3A_179 = arith.constant 0 : i32
    %dma_start3A_180 = tpu.memref_slice %arg6[%dma_start3A_175, %dma_start3A_179] : memref<16x128xi32, #tpu.memory_space<vmem>> -> memref<1x128xi32, #tpu.memory_space<vmem>>
    %dma_start3A_181 = tpu.memref_squeeze %dma_start3A_180 : memref<1x128xi32, #tpu.memory_space<vmem>> -> memref<128xi32, #tpu.memory_space<vmem>>
    %dma_start3A_182 = arith.constant 0 : i32
    %dma_start3A_183 = arith.constant 0 : i32
    %dma_start3A_184 = tpu.memref_slice %arg3[%dma_start3A_182, %dma_start3A_183] : memref<1024x32xf32, #tpu.memory_space<hbm>> -> memref<1024x32xf32, #tpu.memory_space<hbm>>
    tpu.enqueue_indirect_dma source(%dma_start3A_184 : memref<1024x32xf32, #tpu.memory_space<hbm>>) target(%dma_start3A_178 : memref<128x32xf32, #tpu.memory_space<vmem>>) offsets(%dma_start3A_181 : memref<128xi32, #tpu.memory_space<vmem>>) semaphore(%arg9 : memref<!tpu.dma_semaphore, #tpu.memory_space<semaphore_mem>>)
    %dma_start3A_185 = arith.constant 9 : i32
    %dma_start3A_186 = arith.constant 128 : i32
    %dma_start3A_187 = arith.constant 0 : i32
    %dma_start3A_188 = tpu.memref_slice %arg7[%dma_start3A_186, %dma_start3A_187] : memref<512x32xf32, #tpu.memory_space<vmem>> -> memref<128x32xf32, #tpu.memory_space<vmem>>
    %dma_start3A_189 = arith.constant 0 : i32
    %dma_start3A_190 = tpu.memref_slice %arg6[%dma_start3A_185, %dma_start3A_189] : memref<16x128xi32, #tpu.memory_space<vmem>> -> memref<1x128xi32, #tpu.memory_space<vmem>>
    %dma_start3A_191 = tpu.memref_squeeze %dma_start3A_190 : memref<1x128xi32, #tpu.memory_space<vmem>> -> memref<128xi32, #tpu.memory_space<vmem>>
    %dma_start3A_192 = arith.constant 0 : i32
    %dma_start3A_193 = arith.constant 0 : i32
    %dma_start3A_194 = tpu.memref_slice %arg3[%dma_start3A_192, %dma_start3A_193] : memref<1024x32xf32, #tpu.memory_space<hbm>> -> memref<1024x32xf32, #tpu.memory_space<hbm>>
    tpu.enqueue_indirect_dma source(%dma_start3A_194 : memref<1024x32xf32, #tpu.memory_space<hbm>>) target(%dma_start3A_188 : memref<128x32xf32, #tpu.memory_space<vmem>>) offsets(%dma_start3A_191 : memref<128xi32, #tpu.memory_space<vmem>>) semaphore(%arg9 : memref<!tpu.dma_semaphore, #tpu.memory_space<semaphore_mem>>)
    %dma_start3A_195 = arith.constant 10 : i32
    %dma_start3A_196 = arith.constant 256 : i32
    %dma_start3A_197 = arith.constant 0 : i32
    %dma_start3A_198 = tpu.memref_slice %arg7[%dma_start3A_196, %dma_start3A_197] : memref<512x32xf32, #tpu.memory_space<vmem>> -> memref<128x32xf32, #tpu.memory_space<vmem>>
    %dma_start3A_199 = arith.constant 0 : i32
    %dma_start3A_200 = tpu.memref_slice %arg6[%dma_start3A_195, %dma_start3A_199] : memref<16x128xi32, #tpu.memory_space<vmem>> -> memref<1x128xi32, #tpu.memory_space<vmem>>
    %dma_start3A_201 = tpu.memref_squeeze %dma_start3A_200 : memref<1x128xi32, #tpu.memory_space<vmem>> -> memref<128xi32, #tpu.memory_space<vmem>>
    %dma_start3A_202 = arith.constant 0 : i32
    %dma_start3A_203 = arith.constant 0 : i32
    %dma_start3A_204 = tpu.memref_slice %arg3[%dma_start3A_202, %dma_start3A_203] : memref<1024x32xf32, #tpu.memory_space<hbm>> -> memref<1024x32xf32, #tpu.memory_space<hbm>>
    tpu.enqueue_indirect_dma source(%dma_start3A_204 : memref<1024x32xf32, #tpu.memory_space<hbm>>) target(%dma_start3A_198 : memref<128x32xf32, #tpu.memory_space<vmem>>) offsets(%dma_start3A_201 : memref<128xi32, #tpu.memory_space<vmem>>) semaphore(%arg9 : memref<!tpu.dma_semaphore, #tpu.memory_space<semaphore_mem>>)
    %dma_start3A_205 = arith.constant 11 : i32
    %dma_start3A_206 = arith.constant 384 : i32
    %dma_start3A_207 = arith.constant 0 : i32
    %dma_start3A_208 = tpu.memref_slice %arg7[%dma_start3A_206, %dma_start3A_207] : memref<512x32xf32, #tpu.memory_space<vmem>> -> memref<128x32xf32, #tpu.memory_space<vmem>>
    %dma_start3A_209 = arith.constant 0 : i32
    %dma_start3A_210 = tpu.memref_slice %arg6[%dma_start3A_205, %dma_start3A_209] : memref<16x128xi32, #tpu.memory_space<vmem>> -> memref<1x128xi32, #tpu.memory_space<vmem>>
    %dma_start3A_211 = tpu.memref_squeeze %dma_start3A_210 : memref<1x128xi32, #tpu.memory_space<vmem>> -> memref<128xi32, #tpu.memory_space<vmem>>
    %dma_start3A_212 = arith.constant 0 : i32
    %dma_start3A_213 = arith.constant 0 : i32
    %dma_start3A_214 = tpu.memref_slice %arg3[%dma_start3A_212, %dma_start3A_213] : memref<1024x32xf32, #tpu.memory_space<hbm>> -> memref<1024x32xf32, #tpu.memory_space<hbm>>
    tpu.enqueue_indirect_dma source(%dma_start3A_214 : memref<1024x32xf32, #tpu.memory_space<hbm>>) target(%dma_start3A_208 : memref<128x32xf32, #tpu.memory_space<vmem>>) offsets(%dma_start3A_211 : memref<128xi32, #tpu.memory_space<vmem>>) semaphore(%arg9 : memref<!tpu.dma_semaphore, #tpu.memory_space<semaphore_mem>>)
    %add3A_215 = arith.constant 512 : i32
    %add3A_216 = arith.addi %add3A_4, %add3A_215 : i32
    %dma_start3A_217 = arith.constant 0 : i32
    %dma_start3A_218 = tpu.memref_slice %arg4[%add3A_216, %dma_start3A_217] : memref<131072x32xf32, #tpu.memory_space<hbm>> -> memref<512x32xf32, #tpu.memory_space<hbm>>
    %dma_start3A_219 = arith.constant 0 : i32
    %dma_start3A_220 = tpu.memref_slice %arg4[%add3A_216, %dma_start3A_219] : memref<131072x32xf32, #tpu.memory_space<hbm>> -> memref<512x32xf32, #tpu.memory_space<hbm>>
    tpu.enqueue_dma source(%arg8 : memref<512x32xf32, #tpu.memory_space<vmem>>) target(%dma_start3A_220 : memref<512x32xf32, #tpu.memory_space<hbm>>) target_semaphore(%arg10 : memref<!tpu.dma_semaphore, #tpu.memory_space<semaphore_mem>>)
    %dma_wait3A_221 = arith.constant 8 : i32
    %dma_wait3A_222 = arith.constant 0 : i32
    %dma_wait3A_223 = arith.constant 0 : i32
    %dma_wait3A_224 = tpu.memref_slice %arg7[%dma_wait3A_222, %dma_wait3A_223] : memref<512x32xf32, #tpu.memory_space<vmem>> -> memref<128x32xf32, #tpu.memory_space<vmem>>
    %dma_wait3A_225 = arith.constant 0 : i32
    %dma_wait3A_226 = tpu.memref_slice %arg6[%dma_wait3A_221, %dma_wait3A_225] : memref<16x128xi32, #tpu.memory_space<vmem>> -> memref<1x128xi32, #tpu.memory_space<vmem>>
    %dma_wait3A_227 = tpu.memref_squeeze %dma_wait3A_226 : memref<1x128xi32, #tpu.memory_space<vmem>> -> memref<128xi32, #tpu.memory_space<vmem>>
    %dma_wait3A_228 = arith.constant 0 : i32
    %dma_wait3A_229 = arith.constant 0 : i32
    %dma_wait3A_230 = tpu.memref_slice %arg3[%dma_wait3A_228, %dma_wait3A_229] : memref<1024x32xf32, #tpu.memory_space<hbm>> -> memref<1024x32xf32, #tpu.memory_space<hbm>>
    tpu.wait_indirect_dma semaphore(%arg9 : memref<!tpu.dma_semaphore, #tpu.memory_space<semaphore_mem>>) src(%dma_wait3A_230 : memref<1024x32xf32, #tpu.memory_space<hbm>>) dst(%dma_wait3A_224 : memref<128x32xf32, #tpu.memory_space<vmem>>)
    %dma_wait3A_231 = arith.constant 9 : i32
    %dma_wait3A_232 = arith.constant 128 : i32
    %dma_wait3A_233 = arith.constant 0 : i32
    %dma_wait3A_234 = tpu.memref_slice %arg7[%dma_wait3A_232, %dma_wait3A_233] : memref<512x32xf32, #tpu.memory_space<vmem>> -> memref<128x32xf32, #tpu.memory_space<vmem>>
    %dma_wait3A_235 = arith.constant 0 : i32
    %dma_wait3A_236 = tpu.memref_slice %arg6[%dma_wait3A_231, %dma_wait3A_235] : memref<16x128xi32, #tpu.memory_space<vmem>> -> memref<1x128xi32, #tpu.memory_space<vmem>>
    %dma_wait3A_237 = tpu.memref_squeeze %dma_wait3A_236 : memref<1x128xi32, #tpu.memory_space<vmem>> -> memref<128xi32, #tpu.memory_space<vmem>>
    %dma_wait3A_238 = arith.constant 0 : i32
    %dma_wait3A_239 = arith.constant 0 : i32
    %dma_wait3A_240 = tpu.memref_slice %arg3[%dma_wait3A_238, %dma_wait3A_239] : memref<1024x32xf32, #tpu.memory_space<hbm>> -> memref<1024x32xf32, #tpu.memory_space<hbm>>
    tpu.wait_indirect_dma semaphore(%arg9 : memref<!tpu.dma_semaphore, #tpu.memory_space<semaphore_mem>>) src(%dma_wait3A_240 : memref<1024x32xf32, #tpu.memory_space<hbm>>) dst(%dma_wait3A_234 : memref<128x32xf32, #tpu.memory_space<vmem>>)
    %dma_wait3A_241 = arith.constant 10 : i32
    %dma_wait3A_242 = arith.constant 256 : i32
    %dma_wait3A_243 = arith.constant 0 : i32
    %dma_wait3A_244 = tpu.memref_slice %arg7[%dma_wait3A_242, %dma_wait3A_243] : memref<512x32xf32, #tpu.memory_space<vmem>> -> memref<128x32xf32, #tpu.memory_space<vmem>>
    %dma_wait3A_245 = arith.constant 0 : i32
    %dma_wait3A_246 = tpu.memref_slice %arg6[%dma_wait3A_241, %dma_wait3A_245] : memref<16x128xi32, #tpu.memory_space<vmem>> -> memref<1x128xi32, #tpu.memory_space<vmem>>
    %dma_wait3A_247 = tpu.memref_squeeze %dma_wait3A_246 : memref<1x128xi32, #tpu.memory_space<vmem>> -> memref<128xi32, #tpu.memory_space<vmem>>
    %dma_wait3A_248 = arith.constant 0 : i32
    %dma_wait3A_249 = arith.constant 0 : i32
    %dma_wait3A_250 = tpu.memref_slice %arg3[%dma_wait3A_248, %dma_wait3A_249] : memref<1024x32xf32, #tpu.memory_space<hbm>> -> memref<1024x32xf32, #tpu.memory_space<hbm>>
    tpu.wait_indirect_dma semaphore(%arg9 : memref<!tpu.dma_semaphore, #tpu.memory_space<semaphore_mem>>) src(%dma_wait3A_250 : memref<1024x32xf32, #tpu.memory_space<hbm>>) dst(%dma_wait3A_244 : memref<128x32xf32, #tpu.memory_space<vmem>>)
    %dma_wait3A_251 = arith.constant 11 : i32
    %dma_wait3A_252 = arith.constant 384 : i32
    %dma_wait3A_253 = arith.constant 0 : i32
    %dma_wait3A_254 = tpu.memref_slice %arg7[%dma_wait3A_252, %dma_wait3A_253] : memref<512x32xf32, #tpu.memory_space<vmem>> -> memref<128x32xf32, #tpu.memory_space<vmem>>
    %dma_wait3A_255 = arith.constant 0 : i32
    %dma_wait3A_256 = tpu.memref_slice %arg6[%dma_wait3A_251, %dma_wait3A_255] : memref<16x128xi32, #tpu.memory_space<vmem>> -> memref<1x128xi32, #tpu.memory_space<vmem>>
    %dma_wait3A_257 = tpu.memref_squeeze %dma_wait3A_256 : memref<1x128xi32, #tpu.memory_space<vmem>> -> memref<128xi32, #tpu.memory_space<vmem>>
    %dma_wait3A_258 = arith.constant 0 : i32
    %dma_wait3A_259 = arith.constant 0 : i32
    %dma_wait3A_260 = tpu.memref_slice %arg3[%dma_wait3A_258, %dma_wait3A_259] : memref<1024x32xf32, #tpu.memory_space<hbm>> -> memref<1024x32xf32, #tpu.memory_space<hbm>>
    tpu.wait_indirect_dma semaphore(%arg9 : memref<!tpu.dma_semaphore, #tpu.memory_space<semaphore_mem>>) src(%dma_wait3A_260 : memref<1024x32xf32, #tpu.memory_space<hbm>>) dst(%dma_wait3A_254 : memref<128x32xf32, #tpu.memory_space<vmem>>)
    %dma_wait3A_261 = arith.constant 0 : i32
    %dma_wait3A_262 = tpu.memref_slice %arg4[%add3A_216, %dma_wait3A_261] : memref<131072x32xf32, #tpu.memory_space<hbm>> -> memref<512x32xf32, #tpu.memory_space<hbm>>
    %dma_wait3A_263 = arith.constant 0 : i32
    %dma_wait3A_264 = tpu.memref_slice %arg4[%add3A_216, %dma_wait3A_263] : memref<131072x32xf32, #tpu.memory_space<hbm>> -> memref<512x32xf32, #tpu.memory_space<hbm>>
    tpu.wait_dma2 semaphore(%arg10 : memref<!tpu.dma_semaphore, #tpu.memory_space<semaphore_mem>>) src(%arg8 : memref<512x32xf32, #tpu.memory_space<vmem>>) dst(%dma_wait3A_264 : memref<512x32xf32, #tpu.memory_space<hbm>>)
    %dma_start3A_265 = arith.constant 12 : i32
    %dma_start3A_266 = arith.constant 0 : i32
    %dma_start3A_267 = arith.constant 0 : i32
    %dma_start3A_268 = tpu.memref_slice %arg8[%dma_start3A_266, %dma_start3A_267] : memref<512x32xf32, #tpu.memory_space<vmem>> -> memref<128x32xf32, #tpu.memory_space<vmem>>
    %dma_start3A_269 = arith.constant 0 : i32
    %dma_start3A_270 = tpu.memref_slice %arg6[%dma_start3A_265, %dma_start3A_269] : memref<16x128xi32, #tpu.memory_space<vmem>> -> memref<1x128xi32, #tpu.memory_space<vmem>>
    %dma_start3A_271 = tpu.memref_squeeze %dma_start3A_270 : memref<1x128xi32, #tpu.memory_space<vmem>> -> memref<128xi32, #tpu.memory_space<vmem>>
    %dma_start3A_272 = arith.constant 0 : i32
    %dma_start3A_273 = arith.constant 0 : i32
    %dma_start3A_274 = tpu.memref_slice %arg3[%dma_start3A_272, %dma_start3A_273] : memref<1024x32xf32, #tpu.memory_space<hbm>> -> memref<1024x32xf32, #tpu.memory_space<hbm>>
    tpu.enqueue_indirect_dma source(%dma_start3A_274 : memref<1024x32xf32, #tpu.memory_space<hbm>>) target(%dma_start3A_268 : memref<128x32xf32, #tpu.memory_space<vmem>>) offsets(%dma_start3A_271 : memref<128xi32, #tpu.memory_space<vmem>>) semaphore(%arg9 : memref<!tpu.dma_semaphore, #tpu.memory_space<semaphore_mem>>)
    %dma_start3A_275 = arith.constant 13 : i32
    %dma_start3A_276 = arith.constant 128 : i32
    %dma_start3A_277 = arith.constant 0 : i32
    %dma_start3A_278 = tpu.memref_slice %arg8[%dma_start3A_276, %dma_start3A_277] : memref<512x32xf32, #tpu.memory_space<vmem>> -> memref<128x32xf32, #tpu.memory_space<vmem>>
    %dma_start3A_279 = arith.constant 0 : i32
    %dma_start3A_280 = tpu.memref_slice %arg6[%dma_start3A_275, %dma_start3A_279] : memref<16x128xi32, #tpu.memory_space<vmem>> -> memref<1x128xi32, #tpu.memory_space<vmem>>
    %dma_start3A_281 = tpu.memref_squeeze %dma_start3A_280 : memref<1x128xi32, #tpu.memory_space<vmem>> -> memref<128xi32, #tpu.memory_space<vmem>>
    %dma_start3A_282 = arith.constant 0 : i32
    %dma_start3A_283 = arith.constant 0 : i32
    %dma_start3A_284 = tpu.memref_slice %arg3[%dma_start3A_282, %dma_start3A_283] : memref<1024x32xf32, #tpu.memory_space<hbm>> -> memref<1024x32xf32, #tpu.memory_space<hbm>>
    tpu.enqueue_indirect_dma source(%dma_start3A_284 : memref<1024x32xf32, #tpu.memory_space<hbm>>) target(%dma_start3A_278 : memref<128x32xf32, #tpu.memory_space<vmem>>) offsets(%dma_start3A_281 : memref<128xi32, #tpu.memory_space<vmem>>) semaphore(%arg9 : memref<!tpu.dma_semaphore, #tpu.memory_space<semaphore_mem>>)
    %dma_start3A_285 = arith.constant 14 : i32
    %dma_start3A_286 = arith.constant 256 : i32
    %dma_start3A_287 = arith.constant 0 : i32
    %dma_start3A_288 = tpu.memref_slice %arg8[%dma_start3A_286, %dma_start3A_287] : memref<512x32xf32, #tpu.memory_space<vmem>> -> memref<128x32xf32, #tpu.memory_space<vmem>>
    %dma_start3A_289 = arith.constant 0 : i32
    %dma_start3A_290 = tpu.memref_slice %arg6[%dma_start3A_285, %dma_start3A_289] : memref<16x128xi32, #tpu.memory_space<vmem>> -> memref<1x128xi32, #tpu.memory_space<vmem>>
    %dma_start3A_291 = tpu.memref_squeeze %dma_start3A_290 : memref<1x128xi32, #tpu.memory_space<vmem>> -> memref<128xi32, #tpu.memory_space<vmem>>
    %dma_start3A_292 = arith.constant 0 : i32
    %dma_start3A_293 = arith.constant 0 : i32
    %dma_start3A_294 = tpu.memref_slice %arg3[%dma_start3A_292, %dma_start3A_293] : memref<1024x32xf32, #tpu.memory_space<hbm>> -> memref<1024x32xf32, #tpu.memory_space<hbm>>
    tpu.enqueue_indirect_dma source(%dma_start3A_294 : memref<1024x32xf32, #tpu.memory_space<hbm>>) target(%dma_start3A_288 : memref<128x32xf32, #tpu.memory_space<vmem>>) offsets(%dma_start3A_291 : memref<128xi32, #tpu.memory_space<vmem>>) semaphore(%arg9 : memref<!tpu.dma_semaphore, #tpu.memory_space<semaphore_mem>>)
    %dma_start3A_295 = arith.constant 15 : i32
    %dma_start3A_296 = arith.constant 384 : i32
    %dma_start3A_297 = arith.constant 0 : i32
    %dma_start3A_298 = tpu.memref_slice %arg8[%dma_start3A_296, %dma_start3A_297] : memref<512x32xf32, #tpu.memory_space<vmem>> -> memref<128x32xf32, #tpu.memory_space<vmem>>
    %dma_start3A_299 = arith.constant 0 : i32
    %dma_start3A_300 = tpu.memref_slice %arg6[%dma_start3A_295, %dma_start3A_299] : memref<16x128xi32, #tpu.memory_space<vmem>> -> memref<1x128xi32, #tpu.memory_space<vmem>>
    %dma_start3A_301 = tpu.memref_squeeze %dma_start3A_300 : memref<1x128xi32, #tpu.memory_space<vmem>> -> memref<128xi32, #tpu.memory_space<vmem>>
    %dma_start3A_302 = arith.constant 0 : i32
    %dma_start3A_303 = arith.constant 0 : i32
    %dma_start3A_304 = tpu.memref_slice %arg3[%dma_start3A_302, %dma_start3A_303] : memref<1024x32xf32, #tpu.memory_space<hbm>> -> memref<1024x32xf32, #tpu.memory_space<hbm>>
    tpu.enqueue_indirect_dma source(%dma_start3A_304 : memref<1024x32xf32, #tpu.memory_space<hbm>>) target(%dma_start3A_298 : memref<128x32xf32, #tpu.memory_space<vmem>>) offsets(%dma_start3A_301 : memref<128xi32, #tpu.memory_space<vmem>>) semaphore(%arg9 : memref<!tpu.dma_semaphore, #tpu.memory_space<semaphore_mem>>)
    %add3A_305 = arith.constant 1024 : i32
    %add3A_306 = arith.addi %add3A_4, %add3A_305 : i32
    %dma_start3A_307 = arith.constant 0 : i32
    %dma_start3A_308 = tpu.memref_slice %arg4[%add3A_306, %dma_start3A_307] : memref<131072x32xf32, #tpu.memory_space<hbm>> -> memref<512x32xf32, #tpu.memory_space<hbm>>
    %dma_start3A_309 = arith.constant 0 : i32
    %dma_start3A_310 = tpu.memref_slice %arg4[%add3A_306, %dma_start3A_309] : memref<131072x32xf32, #tpu.memory_space<hbm>> -> memref<512x32xf32, #tpu.memory_space<hbm>>
    tpu.enqueue_dma source(%arg7 : memref<512x32xf32, #tpu.memory_space<vmem>>) target(%dma_start3A_310 : memref<512x32xf32, #tpu.memory_space<hbm>>) target_semaphore(%arg10 : memref<!tpu.dma_semaphore, #tpu.memory_space<semaphore_mem>>)
    %dma_wait3A_311 = arith.constant 12 : i32
    %dma_wait3A_312 = arith.constant 0 : i32
    %dma_wait3A_313 = arith.constant 0 : i32
    %dma_wait3A_314 = tpu.memref_slice %arg8[%dma_wait3A_312, %dma_wait3A_313] : memref<512x32xf32, #tpu.memory_space<vmem>> -> memref<128x32xf32, #tpu.memory_space<vmem>>
    %dma_wait3A_315 = arith.constant 0 : i32
    %dma_wait3A_316 = tpu.memref_slice %arg6[%dma_wait3A_311, %dma_wait3A_315] : memref<16x128xi32, #tpu.memory_space<vmem>> -> memref<1x128xi32, #tpu.memory_space<vmem>>
    %dma_wait3A_317 = tpu.memref_squeeze %dma_wait3A_316 : memref<1x128xi32, #tpu.memory_space<vmem>> -> memref<128xi32, #tpu.memory_space<vmem>>
    %dma_wait3A_318 = arith.constant 0 : i32
    %dma_wait3A_319 = arith.constant 0 : i32
    %dma_wait3A_320 = tpu.memref_slice %arg3[%dma_wait3A_318, %dma_wait3A_319] : memref<1024x32xf32, #tpu.memory_space<hbm>> -> memref<1024x32xf32, #tpu.memory_space<hbm>>
    tpu.wait_indirect_dma semaphore(%arg9 : memref<!tpu.dma_semaphore, #tpu.memory_space<semaphore_mem>>) src(%dma_wait3A_320 : memref<1024x32xf32, #tpu.memory_space<hbm>>) dst(%dma_wait3A_314 : memref<128x32xf32, #tpu.memory_space<vmem>>)
    %dma_wait3A_321 = arith.constant 13 : i32
    %dma_wait3A_322 = arith.constant 128 : i32
    %dma_wait3A_323 = arith.constant 0 : i32
    %dma_wait3A_324 = tpu.memref_slice %arg8[%dma_wait3A_322, %dma_wait3A_323] : memref<512x32xf32, #tpu.memory_space<vmem>> -> memref<128x32xf32, #tpu.memory_space<vmem>>
    %dma_wait3A_325 = arith.constant 0 : i32
    %dma_wait3A_326 = tpu.memref_slice %arg6[%dma_wait3A_321, %dma_wait3A_325] : memref<16x128xi32, #tpu.memory_space<vmem>> -> memref<1x128xi32, #tpu.memory_space<vmem>>
    %dma_wait3A_327 = tpu.memref_squeeze %dma_wait3A_326 : memref<1x128xi32, #tpu.memory_space<vmem>> -> memref<128xi32, #tpu.memory_space<vmem>>
    %dma_wait3A_328 = arith.constant 0 : i32
    %dma_wait3A_329 = arith.constant 0 : i32
    %dma_wait3A_330 = tpu.memref_slice %arg3[%dma_wait3A_328, %dma_wait3A_329] : memref<1024x32xf32, #tpu.memory_space<hbm>> -> memref<1024x32xf32, #tpu.memory_space<hbm>>
    tpu.wait_indirect_dma semaphore(%arg9 : memref<!tpu.dma_semaphore, #tpu.memory_space<semaphore_mem>>) src(%dma_wait3A_330 : memref<1024x32xf32, #tpu.memory_space<hbm>>) dst(%dma_wait3A_324 : memref<128x32xf32, #tpu.memory_space<vmem>>)
    %dma_wait3A_331 = arith.constant 14 : i32
    %dma_wait3A_332 = arith.constant 256 : i32
    %dma_wait3A_333 = arith.constant 0 : i32
    %dma_wait3A_334 = tpu.memref_slice %arg8[%dma_wait3A_332, %dma_wait3A_333] : memref<512x32xf32, #tpu.memory_space<vmem>> -> memref<128x32xf32, #tpu.memory_space<vmem>>
    %dma_wait3A_335 = arith.constant 0 : i32
    %dma_wait3A_336 = tpu.memref_slice %arg6[%dma_wait3A_331, %dma_wait3A_335] : memref<16x128xi32, #tpu.memory_space<vmem>> -> memref<1x128xi32, #tpu.memory_space<vmem>>
    %dma_wait3A_337 = tpu.memref_squeeze %dma_wait3A_336 : memref<1x128xi32, #tpu.memory_space<vmem>> -> memref<128xi32, #tpu.memory_space<vmem>>
    %dma_wait3A_338 = arith.constant 0 : i32
    %dma_wait3A_339 = arith.constant 0 : i32
    %dma_wait3A_340 = tpu.memref_slice %arg3[%dma_wait3A_338, %dma_wait3A_339] : memref<1024x32xf32, #tpu.memory_space<hbm>> -> memref<1024x32xf32, #tpu.memory_space<hbm>>
    tpu.wait_indirect_dma semaphore(%arg9 : memref<!tpu.dma_semaphore, #tpu.memory_space<semaphore_mem>>) src(%dma_wait3A_340 : memref<1024x32xf32, #tpu.memory_space<hbm>>) dst(%dma_wait3A_334 : memref<128x32xf32, #tpu.memory_space<vmem>>)
    %dma_wait3A_341 = arith.constant 15 : i32
    %dma_wait3A_342 = arith.constant 384 : i32
    %dma_wait3A_343 = arith.constant 0 : i32
    %dma_wait3A_344 = tpu.memref_slice %arg8[%dma_wait3A_342, %dma_wait3A_343] : memref<512x32xf32, #tpu.memory_space<vmem>> -> memref<128x32xf32, #tpu.memory_space<vmem>>
    %dma_wait3A_345 = arith.constant 0 : i32
    %dma_wait3A_346 = tpu.memref_slice %arg6[%dma_wait3A_341, %dma_wait3A_345] : memref<16x128xi32, #tpu.memory_space<vmem>> -> memref<1x128xi32, #tpu.memory_space<vmem>>
    %dma_wait3A_347 = tpu.memref_squeeze %dma_wait3A_346 : memref<1x128xi32, #tpu.memory_space<vmem>> -> memref<128xi32, #tpu.memory_space<vmem>>
    %dma_wait3A_348 = arith.constant 0 : i32
    %dma_wait3A_349 = arith.constant 0 : i32
    %dma_wait3A_350 = tpu.memref_slice %arg3[%dma_wait3A_348, %dma_wait3A_349] : memref<1024x32xf32, #tpu.memory_space<hbm>> -> memref<1024x32xf32, #tpu.memory_space<hbm>>
    tpu.wait_indirect_dma semaphore(%arg9 : memref<!tpu.dma_semaphore, #tpu.memory_space<semaphore_mem>>) src(%dma_wait3A_350 : memref<1024x32xf32, #tpu.memory_space<hbm>>) dst(%dma_wait3A_344 : memref<128x32xf32, #tpu.memory_space<vmem>>)
    %add3A_351 = arith.constant 1536 : i32
    %add3A_352 = arith.addi %add3A_4, %add3A_351 : i32
    %dma_start3A_353 = arith.constant 0 : i32
    %dma_start3A_354 = tpu.memref_slice %arg4[%add3A_352, %dma_start3A_353] : memref<131072x32xf32, #tpu.memory_space<hbm>> -> memref<512x32xf32, #tpu.memory_space<hbm>>
    %dma_start3A_355 = arith.constant 0 : i32
    %dma_start3A_356 = tpu.memref_slice %arg4[%add3A_352, %dma_start3A_355] : memref<131072x32xf32, #tpu.memory_space<hbm>> -> memref<512x32xf32, #tpu.memory_space<hbm>>
    tpu.enqueue_dma source(%arg8 : memref<512x32xf32, #tpu.memory_space<vmem>>) target(%dma_start3A_356 : memref<512x32xf32, #tpu.memory_space<hbm>>) target_semaphore(%arg10 : memref<!tpu.dma_semaphore, #tpu.memory_space<semaphore_mem>>)
    %dma_wait3A_357 = arith.constant 0 : i32
    %dma_wait3A_358 = tpu.memref_slice %arg4[%add3A_306, %dma_wait3A_357] : memref<131072x32xf32, #tpu.memory_space<hbm>> -> memref<512x32xf32, #tpu.memory_space<hbm>>
    %dma_wait3A_359 = arith.constant 0 : i32
    %dma_wait3A_360 = tpu.memref_slice %arg4[%add3A_306, %dma_wait3A_359] : memref<131072x32xf32, #tpu.memory_space<hbm>> -> memref<512x32xf32, #tpu.memory_space<hbm>>
    tpu.wait_dma2 semaphore(%arg10 : memref<!tpu.dma_semaphore, #tpu.memory_space<semaphore_mem>>) src(%arg7 : memref<512x32xf32, #tpu.memory_space<vmem>>) dst(%dma_wait3A_360 : memref<512x32xf32, #tpu.memory_space<hbm>>)
    %dma_wait3A_361 = arith.constant 0 : i32
    %dma_wait3A_362 = tpu.memref_slice %arg4[%add3A_352, %dma_wait3A_361] : memref<131072x32xf32, #tpu.memory_space<hbm>> -> memref<512x32xf32, #tpu.memory_space<hbm>>
    %dma_wait3A_363 = arith.constant 0 : i32
    %dma_wait3A_364 = tpu.memref_slice %arg4[%add3A_352, %dma_wait3A_363] : memref<131072x32xf32, #tpu.memory_space<hbm>> -> memref<512x32xf32, #tpu.memory_space<hbm>>
    tpu.wait_dma2 semaphore(%arg10 : memref<!tpu.dma_semaphore, #tpu.memory_space<semaphore_mem>>) src(%arg8 : memref<512x32xf32, #tpu.memory_space<vmem>>) dst(%dma_wait3A_364 : memref<512x32xf32, #tpu.memory_space<hbm>>)
    return
  }
}

#map = affine_map<(d0, d1) -> (0, 0)>
module attributes {stable_mosaic.version = 14 : i64} {
  func.func @new_body(%arg0: i32, %arg1: i32, %arg2: memref<512x128xi32, #tpu.memory_space<hbm>>, %arg3: memref<1024x32xf32, #tpu.memory_space<hbm>>, %arg4: memref<131072x32xf32, #tpu.memory_space<hbm>>, %arg5: memref<131072x32xf32, #tpu.memory_space<hbm>>, %arg6: memref<16x128xi32, #tpu.memory_space<vmem>>, %arg7: memref<512x32xf32, #tpu.memory_space<vmem>>, %arg8: memref<512x32xf32, #tpu.memory_space<vmem>>, %arg9: memref<!tpu.dma_semaphore, #tpu.memory_space<semaphore_mem>>, %arg10: memref<!tpu.dma_semaphore, #tpu.memory_space<semaphore_mem>>) attributes {dimension_semantics = [#tpu.dimension_semantics<core_parallel>, #tpu.dimension_semantics<subcore_parallel>], iteration_bounds = array<i64: 2, 16>, scalar_prefetch = 0 : i64, scratch_operands = 5 : i64, tpu.core_type = #tpu.core_type<sc_vector_subcore>, window_params = [{transform_indices = #map}, {transform_indices = #map}, {transform_indices = #map}, {transform_indices = #map}]} {
    %mul3A = arith.constant 2 : i32
    %mul3A_0 = arith.muli %arg1, %mul3A : i32
    %add3A = arith.addi %mul3A_0, %arg0 : i32
    %mul3A_1 = arith.constant 2048 : i32
    %mul3A_2 = arith.muli %add3A, %mul3A_1 : i32
    %add3A_3 = arith.constant 0 : i32
    %add3A_4 = arith.addi %add3A_3, %mul3A_2 : i32
    %mul3A_5 = arith.constant 16 : i32
    %mul3A_6 = arith.muli %add3A, %mul3A_5 : i32
    "tpu.region"() ({
      %run_scoped3A = tpu.sem_alloc : memref<!tpu.dma_semaphore, #tpu.memory_space<semaphore_mem>>
      %dma_start3A_365 = arith.constant 0 : i32
      %dma_start3A_366 = tpu.memref_slice %arg2[%mul3A_6, %dma_start3A_365] : memref<512x128xi32, #tpu.memory_space<hbm>> -> memref<16x128xi32, #tpu.memory_space<hbm>>
      %dma_start3A_367 = arith.constant 0 : i32
      %dma_start3A_368 = tpu.memref_slice %arg2[%mul3A_6, %dma_start3A_367] : memref<512x128xi32, #tpu.memory_space<hbm>> -> memref<16x128xi32, #tpu.memory_space<hbm>>
      tpu.enqueue_dma source(%dma_start3A_368 : memref<16x128xi32, #tpu.memory_space<hbm>>) target(%arg6 : memref<16x128xi32, #tpu.memory_space<vmem>>) target_semaphore(%run_scoped3A : memref<!tpu.dma_semaphore, #tpu.memory_space<semaphore_mem>>)
      %dma_wait3A_369 = arith.constant 0 : i32
      %dma_wait3A_370 = tpu.memref_slice %arg2[%mul3A_6, %dma_wait3A_369] : memref<512x128xi32, #tpu.memory_space<hbm>> -> memref<16x128xi32, #tpu.memory_space<hbm>>
      %dma_wait3A_371 = arith.constant 0 : i32
      %dma_wait3A_372 = tpu.memref_slice %arg2[%mul3A_6, %dma_wait3A_371] : memref<512x128xi32, #tpu.memory_space<hbm>> -> memref<16x128xi32, #tpu.memory_space<hbm>>
      tpu.wait_dma2 semaphore(%run_scoped3A : memref<!tpu.dma_semaphore, #tpu.memory_space<semaphore_mem>>) src(%dma_wait3A_372 : memref<16x128xi32, #tpu.memory_space<hbm>>) dst(%arg6 : memref<16x128xi32, #tpu.memory_space<vmem>>)
      tpu.yield
    }) : () -> ()
    %dma_start3A = arith.constant 0 : i32
    %dma_start3A_7 = arith.constant 0 : i32
    %dma_start3A_8 = arith.constant 0 : i32
    %dma_start3A_9 = tpu.memref_slice %arg7[%dma_start3A_7, %dma_start3A_8] : memref<512x32xf32, #tpu.memory_space<vmem>> -> memref<128x32xf32, #tpu.memory_space<vmem>>
    %dma_start3A_10 = arith.constant 0 : i32
    %dma_start3A_11 = tpu.memref_slice %arg6[%dma_start3A, %dma_start3A_10] : memref<16x128xi32, #tpu.memory_space<vmem>> -> memref<1x128xi32, #tpu.memory_space<vmem>>
    %dma_start3A_12 = tpu.memref_squeeze %dma_start3A_11 : memref<1x128xi32, #tpu.memory_space<vmem>> -> memref<128xi32, #tpu.memory_space<vmem>>
    %dma_start3A_13 = arith.constant 0 : i32
    %dma_start3A_14 = arith.constant 0 : i32
    %dma_start3A_15 = tpu.memref_slice %arg3[%dma_start3A_13, %dma_start3A_14] : memref<1024x32xf32, #tpu.memory_space<hbm>> -> memref<1024x32xf32, #tpu.memory_space<hbm>>
    tpu.enqueue_indirect_dma source(%dma_start3A_15 : memref<1024x32xf32, #tpu.memory_space<hbm>>) target(%dma_start3A_9 : memref<128x32xf32, #tpu.memory_space<vmem>>) offsets(%dma_start3A_12 : memref<128xi32, #tpu.memory_space<vmem>>) semaphore(%arg9 : memref<!tpu.dma_semaphore, #tpu.memory_space<semaphore_mem>>)
    %dma_start3A_16 = arith.constant 1 : i32
    %dma_start3A_17 = arith.constant 128 : i32
    %dma_start3A_18 = arith.constant 0 : i32
    %dma_start3A_19 = tpu.memref_slice %arg7[%dma_start3A_17, %dma_start3A_18] : memref<512x32xf32, #tpu.memory_space<vmem>> -> memref<128x32xf32, #tpu.memory_space<vmem>>
    %dma_start3A_20 = arith.constant 0 : i32
    %dma_start3A_21 = tpu.memref_slice %arg6[%dma_start3A_16, %dma_start3A_20] : memref<16x128xi32, #tpu.memory_space<vmem>> -> memref<1x128xi32, #tpu.memory_space<vmem>>
    %dma_start3A_22 = tpu.memref_squeeze %dma_start3A_21 : memref<1x128xi32, #tpu.memory_space<vmem>> -> memref<128xi32, #tpu.memory_space<vmem>>
    %dma_start3A_23 = arith.constant 0 : i32
    %dma_start3A_24 = arith.constant 0 : i32
    %dma_start3A_25 = tpu.memref_slice %arg3[%dma_start3A_23, %dma_start3A_24] : memref<1024x32xf32, #tpu.memory_space<hbm>> -> memref<1024x32xf32, #tpu.memory_space<hbm>>
    tpu.enqueue_indirect_dma source(%dma_start3A_25 : memref<1024x32xf32, #tpu.memory_space<hbm>>) target(%dma_start3A_19 : memref<128x32xf32, #tpu.memory_space<vmem>>) offsets(%dma_start3A_22 : memref<128xi32, #tpu.memory_space<vmem>>) semaphore(%arg9 : memref<!tpu.dma_semaphore, #tpu.memory_space<semaphore_mem>>)
    %dma_start3A_26 = arith.constant 2 : i32
    %dma_start3A_27 = arith.constant 256 : i32
    %dma_start3A_28 = arith.constant 0 : i32
    %dma_start3A_29 = tpu.memref_slice %arg7[%dma_start3A_27, %dma_start3A_28] : memref<512x32xf32, #tpu.memory_space<vmem>> -> memref<128x32xf32, #tpu.memory_space<vmem>>
    %dma_start3A_30 = arith.constant 0 : i32
    %dma_start3A_31 = tpu.memref_slice %arg6[%dma_start3A_26, %dma_start3A_30] : memref<16x128xi32, #tpu.memory_space<vmem>> -> memref<1x128xi32, #tpu.memory_space<vmem>>
    %dma_start3A_32 = tpu.memref_squeeze %dma_start3A_31 : memref<1x128xi32, #tpu.memory_space<vmem>> -> memref<128xi32, #tpu.memory_space<vmem>>
    %dma_start3A_33 = arith.constant 0 : i32
    %dma_start3A_34 = arith.constant 0 : i32
    %dma_start3A_35 = tpu.memref_slice %arg3[%dma_start3A_33, %dma_start3A_34] : memref<1024x32xf32, #tpu.memory_space<hbm>> -> memref<1024x32xf32, #tpu.memory_space<hbm>>
    tpu.enqueue_indirect_dma source(%dma_start3A_35 : memref<1024x32xf32, #tpu.memory_space<hbm>>) target(%dma_start3A_29 : memref<128x32xf32, #tpu.memory_space<vmem>>) offsets(%dma_start3A_32 : memref<128xi32, #tpu.memory_space<vmem>>) semaphore(%arg9 : memref<!tpu.dma_semaphore, #tpu.memory_space<semaphore_mem>>)
    %dma_start3A_36 = arith.constant 3 : i32
    %dma_start3A_37 = arith.constant 384 : i32
    %dma_start3A_38 = arith.constant 0 : i32
    %dma_start3A_39 = tpu.memref_slice %arg7[%dma_start3A_37, %dma_start3A_38] : memref<512x32xf32, #tpu.memory_space<vmem>> -> memref<128x32xf32, #tpu.memory_space<vmem>>
    %dma_start3A_40 = arith.constant 0 : i32
    %dma_start3A_41 = tpu.memref_slice %arg6[%dma_start3A_36, %dma_start3A_40] : memref<16x128xi32, #tpu.memory_space<vmem>> -> memref<1x128xi32, #tpu.memory_space<vmem>>
    %dma_start3A_42 = tpu.memref_squeeze %dma_start3A_41 : memref<1x128xi32, #tpu.memory_space<vmem>> -> memref<128xi32, #tpu.memory_space<vmem>>
    %dma_start3A_43 = arith.constant 0 : i32
    %dma_start3A_44 = arith.constant 0 : i32
    %dma_start3A_45 = tpu.memref_slice %arg3[%dma_start3A_43, %dma_start3A_44] : memref<1024x32xf32, #tpu.memory_space<hbm>> -> memref<1024x32xf32, #tpu.memory_space<hbm>>
    tpu.enqueue_indirect_dma source(%dma_start3A_45 : memref<1024x32xf32, #tpu.memory_space<hbm>>) target(%dma_start3A_39 : memref<128x32xf32, #tpu.memory_space<vmem>>) offsets(%dma_start3A_42 : memref<128xi32, #tpu.memory_space<vmem>>) semaphore(%arg9 : memref<!tpu.dma_semaphore, #tpu.memory_space<semaphore_mem>>)
    %dma_wait3A = arith.constant 0 : i32
    %dma_wait3A_46 = arith.constant 0 : i32
    %dma_wait3A_47 = arith.constant 0 : i32
    %dma_wait3A_48 = tpu.memref_slice %arg7[%dma_wait3A_46, %dma_wait3A_47] : memref<512x32xf32, #tpu.memory_space<vmem>> -> memref<128x32xf32, #tpu.memory_space<vmem>>
    %dma_wait3A_49 = arith.constant 0 : i32
    %dma_wait3A_50 = tpu.memref_slice %arg6[%dma_wait3A, %dma_wait3A_49] : memref<16x128xi32, #tpu.memory_space<vmem>> -> memref<1x128xi32, #tpu.memory_space<vmem>>
    %dma_wait3A_51 = tpu.memref_squeeze %dma_wait3A_50 : memref<1x128xi32, #tpu.memory_space<vmem>> -> memref<128xi32, #tpu.memory_space<vmem>>
    %dma_wait3A_52 = arith.constant 0 : i32
    %dma_wait3A_53 = arith.constant 0 : i32
    %dma_wait3A_54 = tpu.memref_slice %arg3[%dma_wait3A_52, %dma_wait3A_53] : memref<1024x32xf32, #tpu.memory_space<hbm>> -> memref<1024x32xf32, #tpu.memory_space<hbm>>
    tpu.wait_indirect_dma semaphore(%arg9 : memref<!tpu.dma_semaphore, #tpu.memory_space<semaphore_mem>>) src(%dma_wait3A_54 : memref<1024x32xf32, #tpu.memory_space<hbm>>) dst(%dma_wait3A_48 : memref<128x32xf32, #tpu.memory_space<vmem>>)
    %dma_wait3A_55 = arith.constant 1 : i32
    %dma_wait3A_56 = arith.constant 128 : i32
    %dma_wait3A_57 = arith.constant 0 : i32
    %dma_wait3A_58 = tpu.memref_slice %arg7[%dma_wait3A_56, %dma_wait3A_57] : memref<512x32xf32, #tpu.memory_space<vmem>> -> memref<128x32xf32, #tpu.memory_space<vmem>>
    %dma_wait3A_59 = arith.constant 0 : i32
    %dma_wait3A_60 = tpu.memref_slice %arg6[%dma_wait3A_55, %dma_wait3A_59] : memref<16x128xi32, #tpu.memory_space<vmem>> -> memref<1x128xi32, #tpu.memory_space<vmem>>
    %dma_wait3A_61 = tpu.memref_squeeze %dma_wait3A_60 : memref<1x128xi32, #tpu.memory_space<vmem>> -> memref<128xi32, #tpu.memory_space<vmem>>
    %dma_wait3A_62 = arith.constant 0 : i32
    %dma_wait3A_63 = arith.constant 0 : i32
    %dma_wait3A_64 = tpu.memref_slice %arg3[%dma_wait3A_62, %dma_wait3A_63] : memref<1024x32xf32, #tpu.memory_space<hbm>> -> memref<1024x32xf32, #tpu.memory_space<hbm>>
    tpu.wait_indirect_dma semaphore(%arg9 : memref<!tpu.dma_semaphore, #tpu.memory_space<semaphore_mem>>) src(%dma_wait3A_64 : memref<1024x32xf32, #tpu.memory_space<hbm>>) dst(%dma_wait3A_58 : memref<128x32xf32, #tpu.memory_space<vmem>>)
    %dma_wait3A_65 = arith.constant 2 : i32
    %dma_wait3A_66 = arith.constant 256 : i32
    %dma_wait3A_67 = arith.constant 0 : i32
    %dma_wait3A_68 = tpu.memref_slice %arg7[%dma_wait3A_66, %dma_wait3A_67] : memref<512x32xf32, #tpu.memory_space<vmem>> -> memref<128x32xf32, #tpu.memory_space<vmem>>
    %dma_wait3A_69 = arith.constant 0 : i32
    %dma_wait3A_70 = tpu.memref_slice %arg6[%dma_wait3A_65, %dma_wait3A_69] : memref<16x128xi32, #tpu.memory_space<vmem>> -> memref<1x128xi32, #tpu.memory_space<vmem>>
    %dma_wait3A_71 = tpu.memref_squeeze %dma_wait3A_70 : memref<1x128xi32, #tpu.memory_space<vmem>> -> memref<128xi32, #tpu.memory_space<vmem>>
    %dma_wait3A_72 = arith.constant 0 : i32
    %dma_wait3A_73 = arith.constant 0 : i32
    %dma_wait3A_74 = tpu.memref_slice %arg3[%dma_wait3A_72, %dma_wait3A_73] : memref<1024x32xf32, #tpu.memory_space<hbm>> -> memref<1024x32xf32, #tpu.memory_space<hbm>>
    tpu.wait_indirect_dma semaphore(%arg9 : memref<!tpu.dma_semaphore, #tpu.memory_space<semaphore_mem>>) src(%dma_wait3A_74 : memref<1024x32xf32, #tpu.memory_space<hbm>>) dst(%dma_wait3A_68 : memref<128x32xf32, #tpu.memory_space<vmem>>)
    %dma_wait3A_75 = arith.constant 3 : i32
    %dma_wait3A_76 = arith.constant 384 : i32
    %dma_wait3A_77 = arith.constant 0 : i32
    %dma_wait3A_78 = tpu.memref_slice %arg7[%dma_wait3A_76, %dma_wait3A_77] : memref<512x32xf32, #tpu.memory_space<vmem>> -> memref<128x32xf32, #tpu.memory_space<vmem>>
    %dma_wait3A_79 = arith.constant 0 : i32
    %dma_wait3A_80 = tpu.memref_slice %arg6[%dma_wait3A_75, %dma_wait3A_79] : memref<16x128xi32, #tpu.memory_space<vmem>> -> memref<1x128xi32, #tpu.memory_space<vmem>>
    %dma_wait3A_81 = tpu.memref_squeeze %dma_wait3A_80 : memref<1x128xi32, #tpu.memory_space<vmem>> -> memref<128xi32, #tpu.memory_space<vmem>>
    %dma_wait3A_82 = arith.constant 0 : i32
    %dma_wait3A_83 = arith.constant 0 : i32
    %dma_wait3A_84 = tpu.memref_slice %arg3[%dma_wait3A_82, %dma_wait3A_83] : memref<1024x32xf32, #tpu.memory_space<hbm>> -> memref<1024x32xf32, #tpu.memory_space<hbm>>
    tpu.wait_indirect_dma semaphore(%arg9 : memref<!tpu.dma_semaphore, #tpu.memory_space<semaphore_mem>>) src(%dma_wait3A_84 : memref<1024x32xf32, #tpu.memory_space<hbm>>) dst(%dma_wait3A_78 : memref<128x32xf32, #tpu.memory_space<vmem>>)
    %dma_start3A_85 = arith.constant 4 : i32
    %dma_start3A_86 = arith.constant 0 : i32
    %dma_start3A_87 = arith.constant 0 : i32
    %dma_start3A_88 = tpu.memref_slice %arg8[%dma_start3A_86, %dma_start3A_87] : memref<512x32xf32, #tpu.memory_space<vmem>> -> memref<128x32xf32, #tpu.memory_space<vmem>>
    %dma_start3A_89 = arith.constant 0 : i32
    %dma_start3A_90 = tpu.memref_slice %arg6[%dma_start3A_85, %dma_start3A_89] : memref<16x128xi32, #tpu.memory_space<vmem>> -> memref<1x128xi32, #tpu.memory_space<vmem>>
    %dma_start3A_91 = tpu.memref_squeeze %dma_start3A_90 : memref<1x128xi32, #tpu.memory_space<vmem>> -> memref<128xi32, #tpu.memory_space<vmem>>
    %dma_start3A_92 = arith.constant 0 : i32
    %dma_start3A_93 = arith.constant 0 : i32
    %dma_start3A_94 = tpu.memref_slice %arg3[%dma_start3A_92, %dma_start3A_93] : memref<1024x32xf32, #tpu.memory_space<hbm>> -> memref<1024x32xf32, #tpu.memory_space<hbm>>
    tpu.enqueue_indirect_dma source(%dma_start3A_94 : memref<1024x32xf32, #tpu.memory_space<hbm>>) target(%dma_start3A_88 : memref<128x32xf32, #tpu.memory_space<vmem>>) offsets(%dma_start3A_91 : memref<128xi32, #tpu.memory_space<vmem>>) semaphore(%arg9 : memref<!tpu.dma_semaphore, #tpu.memory_space<semaphore_mem>>)
    %dma_start3A_95 = arith.constant 5 : i32
    %dma_start3A_96 = arith.constant 128 : i32
    %dma_start3A_97 = arith.constant 0 : i32
    %dma_start3A_98 = tpu.memref_slice %arg8[%dma_start3A_96, %dma_start3A_97] : memref<512x32xf32, #tpu.memory_space<vmem>> -> memref<128x32xf32, #tpu.memory_space<vmem>>
    %dma_start3A_99 = arith.constant 0 : i32
    %dma_start3A_100 = tpu.memref_slice %arg6[%dma_start3A_95, %dma_start3A_99] : memref<16x128xi32, #tpu.memory_space<vmem>> -> memref<1x128xi32, #tpu.memory_space<vmem>>
    %dma_start3A_101 = tpu.memref_squeeze %dma_start3A_100 : memref<1x128xi32, #tpu.memory_space<vmem>> -> memref<128xi32, #tpu.memory_space<vmem>>
    %dma_start3A_102 = arith.constant 0 : i32
    %dma_start3A_103 = arith.constant 0 : i32
    %dma_start3A_104 = tpu.memref_slice %arg3[%dma_start3A_102, %dma_start3A_103] : memref<1024x32xf32, #tpu.memory_space<hbm>> -> memref<1024x32xf32, #tpu.memory_space<hbm>>
    tpu.enqueue_indirect_dma source(%dma_start3A_104 : memref<1024x32xf32, #tpu.memory_space<hbm>>) target(%dma_start3A_98 : memref<128x32xf32, #tpu.memory_space<vmem>>) offsets(%dma_start3A_101 : memref<128xi32, #tpu.memory_space<vmem>>) semaphore(%arg9 : memref<!tpu.dma_semaphore, #tpu.memory_space<semaphore_mem>>)
    %dma_start3A_105 = arith.constant 6 : i32
    %dma_start3A_106 = arith.constant 256 : i32
    %dma_start3A_107 = arith.constant 0 : i32
    %dma_start3A_108 = tpu.memref_slice %arg8[%dma_start3A_106, %dma_start3A_107] : memref<512x32xf32, #tpu.memory_space<vmem>> -> memref<128x32xf32, #tpu.memory_space<vmem>>
    %dma_start3A_109 = arith.constant 0 : i32
    %dma_start3A_110 = tpu.memref_slice %arg6[%dma_start3A_105, %dma_start3A_109] : memref<16x128xi32, #tpu.memory_space<vmem>> -> memref<1x128xi32, #tpu.memory_space<vmem>>
    %dma_start3A_111 = tpu.memref_squeeze %dma_start3A_110 : memref<1x128xi32, #tpu.memory_space<vmem>> -> memref<128xi32, #tpu.memory_space<vmem>>
    %dma_start3A_112 = arith.constant 0 : i32
    %dma_start3A_113 = arith.constant 0 : i32
    %dma_start3A_114 = tpu.memref_slice %arg3[%dma_start3A_112, %dma_start3A_113] : memref<1024x32xf32, #tpu.memory_space<hbm>> -> memref<1024x32xf32, #tpu.memory_space<hbm>>
    tpu.enqueue_indirect_dma source(%dma_start3A_114 : memref<1024x32xf32, #tpu.memory_space<hbm>>) target(%dma_start3A_108 : memref<128x32xf32, #tpu.memory_space<vmem>>) offsets(%dma_start3A_111 : memref<128xi32, #tpu.memory_space<vmem>>) semaphore(%arg9 : memref<!tpu.dma_semaphore, #tpu.memory_space<semaphore_mem>>)
    %dma_start3A_115 = arith.constant 7 : i32
    %dma_start3A_116 = arith.constant 384 : i32
    %dma_start3A_117 = arith.constant 0 : i32
    %dma_start3A_118 = tpu.memref_slice %arg8[%dma_start3A_116, %dma_start3A_117] : memref<512x32xf32, #tpu.memory_space<vmem>> -> memref<128x32xf32, #tpu.memory_space<vmem>>
    %dma_start3A_119 = arith.constant 0 : i32
    %dma_start3A_120 = tpu.memref_slice %arg6[%dma_start3A_115, %dma_start3A_119] : memref<16x128xi32, #tpu.memory_space<vmem>> -> memref<1x128xi32, #tpu.memory_space<vmem>>
    %dma_start3A_121 = tpu.memref_squeeze %dma_start3A_120 : memref<1x128xi32, #tpu.memory_space<vmem>> -> memref<128xi32, #tpu.memory_space<vmem>>
    %dma_start3A_122 = arith.constant 0 : i32
    %dma_start3A_123 = arith.constant 0 : i32
    %dma_start3A_124 = tpu.memref_slice %arg3[%dma_start3A_122, %dma_start3A_123] : memref<1024x32xf32, #tpu.memory_space<hbm>> -> memref<1024x32xf32, #tpu.memory_space<hbm>>
    tpu.enqueue_indirect_dma source(%dma_start3A_124 : memref<1024x32xf32, #tpu.memory_space<hbm>>) target(%dma_start3A_118 : memref<128x32xf32, #tpu.memory_space<vmem>>) offsets(%dma_start3A_121 : memref<128xi32, #tpu.memory_space<vmem>>) semaphore(%arg9 : memref<!tpu.dma_semaphore, #tpu.memory_space<semaphore_mem>>)
    %add3A_125 = arith.constant 0 : i32
    %add3A_126 = arith.addi %add3A_4, %add3A_125 : i32
    %dma_start3A_127 = arith.constant 0 : i32
    %dma_start3A_128 = tpu.memref_slice %arg4[%add3A_126, %dma_start3A_127] : memref<131072x32xf32, #tpu.memory_space<hbm>> -> memref<512x32xf32, #tpu.memory_space<hbm>>
    %dma_start3A_129 = arith.constant 0 : i32
    %dma_start3A_130 = tpu.memref_slice %arg4[%add3A_126, %dma_start3A_129] : memref<131072x32xf32, #tpu.memory_space<hbm>> -> memref<512x32xf32, #tpu.memory_space<hbm>>
    tpu.enqueue_dma source(%arg7 : memref<512x32xf32, #tpu.memory_space<vmem>>) target(%dma_start3A_130 : memref<512x32xf32, #tpu.memory_space<hbm>>) target_semaphore(%arg10 : memref<!tpu.dma_semaphore, #tpu.memory_space<semaphore_mem>>)
    %dma_wait3A_131 = arith.constant 4 : i32
    %dma_wait3A_132 = arith.constant 0 : i32
    %dma_wait3A_133 = arith.constant 0 : i32
    %dma_wait3A_134 = tpu.memref_slice %arg8[%dma_wait3A_132, %dma_wait3A_133] : memref<512x32xf32, #tpu.memory_space<vmem>> -> memref<128x32xf32, #tpu.memory_space<vmem>>
    %dma_wait3A_135 = arith.constant 0 : i32
    %dma_wait3A_136 = tpu.memref_slice %arg6[%dma_wait3A_131, %dma_wait3A_135] : memref<16x128xi32, #tpu.memory_space<vmem>> -> memref<1x128xi32, #tpu.memory_space<vmem>>
    %dma_wait3A_137 = tpu.memref_squeeze %dma_wait3A_136 : memref<1x128xi32, #tpu.memory_space<vmem>> -> memref<128xi32, #tpu.memory_space<vmem>>
    %dma_wait3A_138 = arith.constant 0 : i32
    %dma_wait3A_139 = arith.constant 0 : i32
    %dma_wait3A_140 = tpu.memref_slice %arg3[%dma_wait3A_138, %dma_wait3A_139] : memref<1024x32xf32, #tpu.memory_space<hbm>> -> memref<1024x32xf32, #tpu.memory_space<hbm>>
    tpu.wait_indirect_dma semaphore(%arg9 : memref<!tpu.dma_semaphore, #tpu.memory_space<semaphore_mem>>) src(%dma_wait3A_140 : memref<1024x32xf32, #tpu.memory_space<hbm>>) dst(%dma_wait3A_134 : memref<128x32xf32, #tpu.memory_space<vmem>>)
    %dma_wait3A_141 = arith.constant 5 : i32
    %dma_wait3A_142 = arith.constant 128 : i32
    %dma_wait3A_143 = arith.constant 0 : i32
    %dma_wait3A_144 = tpu.memref_slice %arg8[%dma_wait3A_142, %dma_wait3A_143] : memref<512x32xf32, #tpu.memory_space<vmem>> -> memref<128x32xf32, #tpu.memory_space<vmem>>
    %dma_wait3A_145 = arith.constant 0 : i32
    %dma_wait3A_146 = tpu.memref_slice %arg6[%dma_wait3A_141, %dma_wait3A_145] : memref<16x128xi32, #tpu.memory_space<vmem>> -> memref<1x128xi32, #tpu.memory_space<vmem>>
    %dma_wait3A_147 = tpu.memref_squeeze %dma_wait3A_146 : memref<1x128xi32, #tpu.memory_space<vmem>> -> memref<128xi32, #tpu.memory_space<vmem>>
    %dma_wait3A_148 = arith.constant 0 : i32
    %dma_wait3A_149 = arith.constant 0 : i32
    %dma_wait3A_150 = tpu.memref_slice %arg3[%dma_wait3A_148, %dma_wait3A_149] : memref<1024x32xf32, #tpu.memory_space<hbm>> -> memref<1024x32xf32, #tpu.memory_space<hbm>>
    tpu.wait_indirect_dma semaphore(%arg9 : memref<!tpu.dma_semaphore, #tpu.memory_space<semaphore_mem>>) src(%dma_wait3A_150 : memref<1024x32xf32, #tpu.memory_space<hbm>>) dst(%dma_wait3A_144 : memref<128x32xf32, #tpu.memory_space<vmem>>)
    %dma_wait3A_151 = arith.constant 6 : i32
    %dma_wait3A_152 = arith.constant 256 : i32
    %dma_wait3A_153 = arith.constant 0 : i32
    %dma_wait3A_154 = tpu.memref_slice %arg8[%dma_wait3A_152, %dma_wait3A_153] : memref<512x32xf32, #tpu.memory_space<vmem>> -> memref<128x32xf32, #tpu.memory_space<vmem>>
    %dma_wait3A_155 = arith.constant 0 : i32
    %dma_wait3A_156 = tpu.memref_slice %arg6[%dma_wait3A_151, %dma_wait3A_155] : memref<16x128xi32, #tpu.memory_space<vmem>> -> memref<1x128xi32, #tpu.memory_space<vmem>>
    %dma_wait3A_157 = tpu.memref_squeeze %dma_wait3A_156 : memref<1x128xi32, #tpu.memory_space<vmem>> -> memref<128xi32, #tpu.memory_space<vmem>>
    %dma_wait3A_158 = arith.constant 0 : i32
    %dma_wait3A_159 = arith.constant 0 : i32
    %dma_wait3A_160 = tpu.memref_slice %arg3[%dma_wait3A_158, %dma_wait3A_159] : memref<1024x32xf32, #tpu.memory_space<hbm>> -> memref<1024x32xf32, #tpu.memory_space<hbm>>
    tpu.wait_indirect_dma semaphore(%arg9 : memref<!tpu.dma_semaphore, #tpu.memory_space<semaphore_mem>>) src(%dma_wait3A_160 : memref<1024x32xf32, #tpu.memory_space<hbm>>) dst(%dma_wait3A_154 : memref<128x32xf32, #tpu.memory_space<vmem>>)
    %dma_wait3A_161 = arith.constant 7 : i32
    %dma_wait3A_162 = arith.constant 384 : i32
    %dma_wait3A_163 = arith.constant 0 : i32
    %dma_wait3A_164 = tpu.memref_slice %arg8[%dma_wait3A_162, %dma_wait3A_163] : memref<512x32xf32, #tpu.memory_space<vmem>> -> memref<128x32xf32, #tpu.memory_space<vmem>>
    %dma_wait3A_165 = arith.constant 0 : i32
    %dma_wait3A_166 = tpu.memref_slice %arg6[%dma_wait3A_161, %dma_wait3A_165] : memref<16x128xi32, #tpu.memory_space<vmem>> -> memref<1x128xi32, #tpu.memory_space<vmem>>
    %dma_wait3A_167 = tpu.memref_squeeze %dma_wait3A_166 : memref<1x128xi32, #tpu.memory_space<vmem>> -> memref<128xi32, #tpu.memory_space<vmem>>
    %dma_wait3A_168 = arith.constant 0 : i32
    %dma_wait3A_169 = arith.constant 0 : i32
    %dma_wait3A_170 = tpu.memref_slice %arg3[%dma_wait3A_168, %dma_wait3A_169] : memref<1024x32xf32, #tpu.memory_space<hbm>> -> memref<1024x32xf32, #tpu.memory_space<hbm>>
    tpu.wait_indirect_dma semaphore(%arg9 : memref<!tpu.dma_semaphore, #tpu.memory_space<semaphore_mem>>) src(%dma_wait3A_170 : memref<1024x32xf32, #tpu.memory_space<hbm>>) dst(%dma_wait3A_164 : memref<128x32xf32, #tpu.memory_space<vmem>>)
    %dma_wait3A_171 = arith.constant 0 : i32
    %dma_wait3A_172 = tpu.memref_slice %arg4[%add3A_126, %dma_wait3A_171] : memref<131072x32xf32, #tpu.memory_space<hbm>> -> memref<512x32xf32, #tpu.memory_space<hbm>>
    %dma_wait3A_173 = arith.constant 0 : i32
    %dma_wait3A_174 = tpu.memref_slice %arg4[%add3A_126, %dma_wait3A_173] : memref<131072x32xf32, #tpu.memory_space<hbm>> -> memref<512x32xf32, #tpu.memory_space<hbm>>
    tpu.wait_dma2 semaphore(%arg10 : memref<!tpu.dma_semaphore, #tpu.memory_space<semaphore_mem>>) src(%arg7 : memref<512x32xf32, #tpu.memory_space<vmem>>) dst(%dma_wait3A_174 : memref<512x32xf32, #tpu.memory_space<hbm>>)
    %dma_start3A_175 = arith.constant 8 : i32
    %dma_start3A_176 = arith.constant 0 : i32
    %dma_start3A_177 = arith.constant 0 : i32
    %dma_start3A_178 = tpu.memref_slice %arg7[%dma_start3A_176, %dma_start3A_177] : memref<512x32xf32, #tpu.memory_space<vmem>> -> memref<128x32xf32, #tpu.memory_space<vmem>>
    %dma_start3A_179 = arith.constant 0 : i32
    %dma_start3A_180 = tpu.memref_slice %arg6[%dma_start3A_175, %dma_start3A_179] : memref<16x128xi32, #tpu.memory_space<vmem>> -> memref<1x128xi32, #tpu.memory_space<vmem>>
    %dma_start3A_181 = tpu.memref_squeeze %dma_start3A_180 : memref<1x128xi32, #tpu.memory_space<vmem>> -> memref<128xi32, #tpu.memory_space<vmem>>
    %dma_start3A_182 = arith.constant 0 : i32
    %dma_start3A_183 = arith.constant 0 : i32
    %dma_start3A_184 = tpu.memref_slice %arg3[%dma_start3A_182, %dma_start3A_183] : memref<1024x32xf32, #tpu.memory_space<hbm>> -> memref<1024x32xf32, #tpu.memory_space<hbm>>
    tpu.enqueue_indirect_dma source(%dma_start3A_184 : memref<1024x32xf32, #tpu.memory_space<hbm>>) target(%dma_start3A_178 : memref<128x32xf32, #tpu.memory_space<vmem>>) offsets(%dma_start3A_181 : memref<128xi32, #tpu.memory_space<vmem>>) semaphore(%arg9 : memref<!tpu.dma_semaphore, #tpu.memory_space<semaphore_mem>>)
    %dma_start3A_185 = arith.constant 9 : i32
    %dma_start3A_186 = arith.constant 128 : i32
    %dma_start3A_187 = arith.constant 0 : i32
    %dma_start3A_188 = tpu.memref_slice %arg7[%dma_start3A_186, %dma_start3A_187] : memref<512x32xf32, #tpu.memory_space<vmem>> -> memref<128x32xf32, #tpu.memory_space<vmem>>
    %dma_start3A_189 = arith.constant 0 : i32
    %dma_start3A_190 = tpu.memref_slice %arg6[%dma_start3A_185, %dma_start3A_189] : memref<16x128xi32, #tpu.memory_space<vmem>> -> memref<1x128xi32, #tpu.memory_space<vmem>>
    %dma_start3A_191 = tpu.memref_squeeze %dma_start3A_190 : memref<1x128xi32, #tpu.memory_space<vmem>> -> memref<128xi32, #tpu.memory_space<vmem>>
    %dma_start3A_192 = arith.constant 0 : i32
    %dma_start3A_193 = arith.constant 0 : i32
    %dma_start3A_194 = tpu.memref_slice %arg3[%dma_start3A_192, %dma_start3A_193] : memref<1024x32xf32, #tpu.memory_space<hbm>> -> memref<1024x32xf32, #tpu.memory_space<hbm>>
    tpu.enqueue_indirect_dma source(%dma_start3A_194 : memref<1024x32xf32, #tpu.memory_space<hbm>>) target(%dma_start3A_188 : memref<128x32xf32, #tpu.memory_space<vmem>>) offsets(%dma_start3A_191 : memref<128xi32, #tpu.memory_space<vmem>>) semaphore(%arg9 : memref<!tpu.dma_semaphore, #tpu.memory_space<semaphore_mem>>)
    %dma_start3A_195 = arith.constant 10 : i32
    %dma_start3A_196 = arith.constant 256 : i32
    %dma_start3A_197 = arith.constant 0 : i32
    %dma_start3A_198 = tpu.memref_slice %arg7[%dma_start3A_196, %dma_start3A_197] : memref<512x32xf32, #tpu.memory_space<vmem>> -> memref<128x32xf32, #tpu.memory_space<vmem>>
    %dma_start3A_199 = arith.constant 0 : i32
    %dma_start3A_200 = tpu.memref_slice %arg6[%dma_start3A_195, %dma_start3A_199] : memref<16x128xi32, #tpu.memory_space<vmem>> -> memref<1x128xi32, #tpu.memory_space<vmem>>
    %dma_start3A_201 = tpu.memref_squeeze %dma_start3A_200 : memref<1x128xi32, #tpu.memory_space<vmem>> -> memref<128xi32, #tpu.memory_space<vmem>>
    %dma_start3A_202 = arith.constant 0 : i32
    %dma_start3A_203 = arith.constant 0 : i32
    %dma_start3A_204 = tpu.memref_slice %arg3[%dma_start3A_202, %dma_start3A_203] : memref<1024x32xf32, #tpu.memory_space<hbm>> -> memref<1024x32xf32, #tpu.memory_space<hbm>>
    tpu.enqueue_indirect_dma source(%dma_start3A_204 : memref<1024x32xf32, #tpu.memory_space<hbm>>) target(%dma_start3A_198 : memref<128x32xf32, #tpu.memory_space<vmem>>) offsets(%dma_start3A_201 : memref<128xi32, #tpu.memory_space<vmem>>) semaphore(%arg9 : memref<!tpu.dma_semaphore, #tpu.memory_space<semaphore_mem>>)
    %dma_start3A_205 = arith.constant 11 : i32
    %dma_start3A_206 = arith.constant 384 : i32
    %dma_start3A_207 = arith.constant 0 : i32
    %dma_start3A_208 = tpu.memref_slice %arg7[%dma_start3A_206, %dma_start3A_207] : memref<512x32xf32, #tpu.memory_space<vmem>> -> memref<128x32xf32, #tpu.memory_space<vmem>>
    %dma_start3A_209 = arith.constant 0 : i32
    %dma_start3A_210 = tpu.memref_slice %arg6[%dma_start3A_205, %dma_start3A_209] : memref<16x128xi32, #tpu.memory_space<vmem>> -> memref<1x128xi32, #tpu.memory_space<vmem>>
    %dma_start3A_211 = tpu.memref_squeeze %dma_start3A_210 : memref<1x128xi32, #tpu.memory_space<vmem>> -> memref<128xi32, #tpu.memory_space<vmem>>
    %dma_start3A_212 = arith.constant 0 : i32
    %dma_start3A_213 = arith.constant 0 : i32
    %dma_start3A_214 = tpu.memref_slice %arg3[%dma_start3A_212, %dma_start3A_213] : memref<1024x32xf32, #tpu.memory_space<hbm>> -> memref<1024x32xf32, #tpu.memory_space<hbm>>
    tpu.enqueue_indirect_dma source(%dma_start3A_214 : memref<1024x32xf32, #tpu.memory_space<hbm>>) target(%dma_start3A_208 : memref<128x32xf32, #tpu.memory_space<vmem>>) offsets(%dma_start3A_211 : memref<128xi32, #tpu.memory_space<vmem>>) semaphore(%arg9 : memref<!tpu.dma_semaphore, #tpu.memory_space<semaphore_mem>>)
    %add3A_215 = arith.constant 512 : i32
    %add3A_216 = arith.addi %add3A_4, %add3A_215 : i32
    %dma_start3A_217 = arith.constant 0 : i32
    %dma_start3A_218 = tpu.memref_slice %arg4[%add3A_216, %dma_start3A_217] : memref<131072x32xf32, #tpu.memory_space<hbm>> -> memref<512x32xf32, #tpu.memory_space<hbm>>
    %dma_start3A_219 = arith.constant 0 : i32
    %dma_start3A_220 = tpu.memref_slice %arg4[%add3A_216, %dma_start3A_219] : memref<131072x32xf32, #tpu.memory_space<hbm>> -> memref<512x32xf32, #tpu.memory_space<hbm>>
    tpu.enqueue_dma source(%arg8 : memref<512x32xf32, #tpu.memory_space<vmem>>) target(%dma_start3A_220 : memref<512x32xf32, #tpu.memory_space<hbm>>) target_semaphore(%arg10 : memref<!tpu.dma_semaphore, #tpu.memory_space<semaphore_mem>>)
    %dma_wait3A_221 = arith.constant 8 : i32
    %dma_wait3A_222 = arith.constant 0 : i32
    %dma_wait3A_223 = arith.constant 0 : i32
    %dma_wait3A_224 = tpu.memref_slice %arg7[%dma_wait3A_222, %dma_wait3A_223] : memref<512x32xf32, #tpu.memory_space<vmem>> -> memref<128x32xf32, #tpu.memory_space<vmem>>
    %dma_wait3A_225 = arith.constant 0 : i32
    %dma_wait3A_226 = tpu.memref_slice %arg6[%dma_wait3A_221, %dma_wait3A_225] : memref<16x128xi32, #tpu.memory_space<vmem>> -> memref<1x128xi32, #tpu.memory_space<vmem>>
    %dma_wait3A_227 = tpu.memref_squeeze %dma_wait3A_226 : memref<1x128xi32, #tpu.memory_space<vmem>> -> memref<128xi32, #tpu.memory_space<vmem>>
    %dma_wait3A_228 = arith.constant 0 : i32
    %dma_wait3A_229 = arith.constant 0 : i32
    %dma_wait3A_230 = tpu.memref_slice %arg3[%dma_wait3A_228, %dma_wait3A_229] : memref<1024x32xf32, #tpu.memory_space<hbm>> -> memref<1024x32xf32, #tpu.memory_space<hbm>>
    tpu.wait_indirect_dma semaphore(%arg9 : memref<!tpu.dma_semaphore, #tpu.memory_space<semaphore_mem>>) src(%dma_wait3A_230 : memref<1024x32xf32, #tpu.memory_space<hbm>>) dst(%dma_wait3A_224 : memref<128x32xf32, #tpu.memory_space<vmem>>)
    %dma_wait3A_231 = arith.constant 9 : i32
    %dma_wait3A_232 = arith.constant 128 : i32
    %dma_wait3A_233 = arith.constant 0 : i32
    %dma_wait3A_234 = tpu.memref_slice %arg7[%dma_wait3A_232, %dma_wait3A_233] : memref<512x32xf32, #tpu.memory_space<vmem>> -> memref<128x32xf32, #tpu.memory_space<vmem>>
    %dma_wait3A_235 = arith.constant 0 : i32
    %dma_wait3A_236 = tpu.memref_slice %arg6[%dma_wait3A_231, %dma_wait3A_235] : memref<16x128xi32, #tpu.memory_space<vmem>> -> memref<1x128xi32, #tpu.memory_space<vmem>>
    %dma_wait3A_237 = tpu.memref_squeeze %dma_wait3A_236 : memref<1x128xi32, #tpu.memory_space<vmem>> -> memref<128xi32, #tpu.memory_space<vmem>>
    %dma_wait3A_238 = arith.constant 0 : i32
    %dma_wait3A_239 = arith.constant 0 : i32
    %dma_wait3A_240 = tpu.memref_slice %arg3[%dma_wait3A_238, %dma_wait3A_239] : memref<1024x32xf32, #tpu.memory_space<hbm>> -> memref<1024x32xf32, #tpu.memory_space<hbm>>
    tpu.wait_indirect_dma semaphore(%arg9 : memref<!tpu.dma_semaphore, #tpu.memory_space<semaphore_mem>>) src(%dma_wait3A_240 : memref<1024x32xf32, #tpu.memory_space<hbm>>) dst(%dma_wait3A_234 : memref<128x32xf32, #tpu.memory_space<vmem>>)
    %dma_wait3A_241 = arith.constant 10 : i32
    %dma_wait3A_242 = arith.constant 256 : i32
    %dma_wait3A_243 = arith.constant 0 : i32
    %dma_wait3A_244 = tpu.memref_slice %arg7[%dma_wait3A_242, %dma_wait3A_243] : memref<512x32xf32, #tpu.memory_space<vmem>> -> memref<128x32xf32, #tpu.memory_space<vmem>>
    %dma_wait3A_245 = arith.constant 0 : i32
    %dma_wait3A_246 = tpu.memref_slice %arg6[%dma_wait3A_241, %dma_wait3A_245] : memref<16x128xi32, #tpu.memory_space<vmem>> -> memref<1x128xi32, #tpu.memory_space<vmem>>
    %dma_wait3A_247 = tpu.memref_squeeze %dma_wait3A_246 : memref<1x128xi32, #tpu.memory_space<vmem>> -> memref<128xi32, #tpu.memory_space<vmem>>
    %dma_wait3A_248 = arith.constant 0 : i32
    %dma_wait3A_249 = arith.constant 0 : i32
    %dma_wait3A_250 = tpu.memref_slice %arg3[%dma_wait3A_248, %dma_wait3A_249] : memref<1024x32xf32, #tpu.memory_space<hbm>> -> memref<1024x32xf32, #tpu.memory_space<hbm>>
    tpu.wait_indirect_dma semaphore(%arg9 : memref<!tpu.dma_semaphore, #tpu.memory_space<semaphore_mem>>) src(%dma_wait3A_250 : memref<1024x32xf32, #tpu.memory_space<hbm>>) dst(%dma_wait3A_244 : memref<128x32xf32, #tpu.memory_space<vmem>>)
    %dma_wait3A_251 = arith.constant 11 : i32
    %dma_wait3A_252 = arith.constant 384 : i32
    %dma_wait3A_253 = arith.constant 0 : i32
    %dma_wait3A_254 = tpu.memref_slice %arg7[%dma_wait3A_252, %dma_wait3A_253] : memref<512x32xf32, #tpu.memory_space<vmem>> -> memref<128x32xf32, #tpu.memory_space<vmem>>
    %dma_wait3A_255 = arith.constant 0 : i32
    %dma_wait3A_256 = tpu.memref_slice %arg6[%dma_wait3A_251, %dma_wait3A_255] : memref<16x128xi32, #tpu.memory_space<vmem>> -> memref<1x128xi32, #tpu.memory_space<vmem>>
    %dma_wait3A_257 = tpu.memref_squeeze %dma_wait3A_256 : memref<1x128xi32, #tpu.memory_space<vmem>> -> memref<128xi32, #tpu.memory_space<vmem>>
    %dma_wait3A_258 = arith.constant 0 : i32
    %dma_wait3A_259 = arith.constant 0 : i32
    %dma_wait3A_260 = tpu.memref_slice %arg3[%dma_wait3A_258, %dma_wait3A_259] : memref<1024x32xf32, #tpu.memory_space<hbm>> -> memref<1024x32xf32, #tpu.memory_space<hbm>>
    tpu.wait_indirect_dma semaphore(%arg9 : memref<!tpu.dma_semaphore, #tpu.memory_space<semaphore_mem>>) src(%dma_wait3A_260 : memref<1024x32xf32, #tpu.memory_space<hbm>>) dst(%dma_wait3A_254 : memref<128x32xf32, #tpu.memory_space<vmem>>)
    %dma_wait3A_261 = arith.constant 0 : i32
    %dma_wait3A_262 = tpu.memref_slice %arg4[%add3A_216, %dma_wait3A_261] : memref<131072x32xf32, #tpu.memory_space<hbm>> -> memref<512x32xf32, #tpu.memory_space<hbm>>
    %dma_wait3A_263 = arith.constant 0 : i32
    %dma_wait3A_264 = tpu.memref_slice %arg4[%add3A_216, %dma_wait3A_263] : memref<131072x32xf32, #tpu.memory_space<hbm>> -> memref<512x32xf32, #tpu.memory_space<hbm>>
    tpu.wait_dma2 semaphore(%arg10 : memref<!tpu.dma_semaphore, #tpu.memory_space<semaphore_mem>>) src(%arg8 : memref<512x32xf32, #tpu.memory_space<vmem>>) dst(%dma_wait3A_264 : memref<512x32xf32, #tpu.memory_space<hbm>>)
    %dma_start3A_265 = arith.constant 12 : i32
    %dma_start3A_266 = arith.constant 0 : i32
    %dma_start3A_267 = arith.constant 0 : i32
    %dma_start3A_268 = tpu.memref_slice %arg8[%dma_start3A_266, %dma_start3A_267] : memref<512x32xf32, #tpu.memory_space<vmem>> -> memref<128x32xf32, #tpu.memory_space<vmem>>
    %dma_start3A_269 = arith.constant 0 : i32
    %dma_start3A_270 = tpu.memref_slice %arg6[%dma_start3A_265, %dma_start3A_269] : memref<16x128xi32, #tpu.memory_space<vmem>> -> memref<1x128xi32, #tpu.memory_space<vmem>>
    %dma_start3A_271 = tpu.memref_squeeze %dma_start3A_270 : memref<1x128xi32, #tpu.memory_space<vmem>> -> memref<128xi32, #tpu.memory_space<vmem>>
    %dma_start3A_272 = arith.constant 0 : i32
    %dma_start3A_273 = arith.constant 0 : i32
    %dma_start3A_274 = tpu.memref_slice %arg3[%dma_start3A_272, %dma_start3A_273] : memref<1024x32xf32, #tpu.memory_space<hbm>> -> memref<1024x32xf32, #tpu.memory_space<hbm>>
    tpu.enqueue_indirect_dma source(%dma_start3A_274 : memref<1024x32xf32, #tpu.memory_space<hbm>>) target(%dma_start3A_268 : memref<128x32xf32, #tpu.memory_space<vmem>>) offsets(%dma_start3A_271 : memref<128xi32, #tpu.memory_space<vmem>>) semaphore(%arg9 : memref<!tpu.dma_semaphore, #tpu.memory_space<semaphore_mem>>)
    %dma_start3A_275 = arith.constant 13 : i32
    %dma_start3A_276 = arith.constant 128 : i32
    %dma_start3A_277 = arith.constant 0 : i32
    %dma_start3A_278 = tpu.memref_slice %arg8[%dma_start3A_276, %dma_start3A_277] : memref<512x32xf32, #tpu.memory_space<vmem>> -> memref<128x32xf32, #tpu.memory_space<vmem>>
    %dma_start3A_279 = arith.constant 0 : i32
    %dma_start3A_280 = tpu.memref_slice %arg6[%dma_start3A_275, %dma_start3A_279] : memref<16x128xi32, #tpu.memory_space<vmem>> -> memref<1x128xi32, #tpu.memory_space<vmem>>
    %dma_start3A_281 = tpu.memref_squeeze %dma_start3A_280 : memref<1x128xi32, #tpu.memory_space<vmem>> -> memref<128xi32, #tpu.memory_space<vmem>>
    %dma_start3A_282 = arith.constant 0 : i32
    %dma_start3A_283 = arith.constant 0 : i32
    %dma_start3A_284 = tpu.memref_slice %arg3[%dma_start3A_282, %dma_start3A_283] : memref<1024x32xf32, #tpu.memory_space<hbm>> -> memref<1024x32xf32, #tpu.memory_space<hbm>>
    tpu.enqueue_indirect_dma source(%dma_start3A_284 : memref<1024x32xf32, #tpu.memory_space<hbm>>) target(%dma_start3A_278 : memref<128x32xf32, #tpu.memory_space<vmem>>) offsets(%dma_start3A_281 : memref<128xi32, #tpu.memory_space<vmem>>) semaphore(%arg9 : memref<!tpu.dma_semaphore, #tpu.memory_space<semaphore_mem>>)
    %dma_start3A_285 = arith.constant 14 : i32
    %dma_start3A_286 = arith.constant 256 : i32
    %dma_start3A_287 = arith.constant 0 : i32
    %dma_start3A_288 = tpu.memref_slice %arg8[%dma_start3A_286, %dma_start3A_287] : memref<512x32xf32, #tpu.memory_space<vmem>> -> memref<128x32xf32, #tpu.memory_space<vmem>>
    %dma_start3A_289 = arith.constant 0 : i32
    %dma_start3A_290 = tpu.memref_slice %arg6[%dma_start3A_285, %dma_start3A_289] : memref<16x128xi32, #tpu.memory_space<vmem>> -> memref<1x128xi32, #tpu.memory_space<vmem>>
    %dma_start3A_291 = tpu.memref_squeeze %dma_start3A_290 : memref<1x128xi32, #tpu.memory_space<vmem>> -> memref<128xi32, #tpu.memory_space<vmem>>
    %dma_start3A_292 = arith.constant 0 : i32
    %dma_start3A_293 = arith.constant 0 : i32
    %dma_start3A_294 = tpu.memref_slice %arg3[%dma_start3A_292, %dma_start3A_293] : memref<1024x32xf32, #tpu.memory_space<hbm>> -> memref<1024x32xf32, #tpu.memory_space<hbm>>
    tpu.enqueue_indirect_dma source(%dma_start3A_294 : memref<1024x32xf32, #tpu.memory_space<hbm>>) target(%dma_start3A_288 : memref<128x32xf32, #tpu.memory_space<vmem>>) offsets(%dma_start3A_291 : memref<128xi32, #tpu.memory_space<vmem>>) semaphore(%arg9 : memref<!tpu.dma_semaphore, #tpu.memory_space<semaphore_mem>>)
    %dma_start3A_295 = arith.constant 15 : i32
    %dma_start3A_296 = arith.constant 384 : i32
    %dma_start3A_297 = arith.constant 0 : i32
    %dma_start3A_298 = tpu.memref_slice %arg8[%dma_start3A_296, %dma_start3A_297] : memref<512x32xf32, #tpu.memory_space<vmem>> -> memref<128x32xf32, #tpu.memory_space<vmem>>
    %dma_start3A_299 = arith.constant 0 : i32
    %dma_start3A_300 = tpu.memref_slice %arg6[%dma_start3A_295, %dma_start3A_299] : memref<16x128xi32, #tpu.memory_space<vmem>> -> memref<1x128xi32, #tpu.memory_space<vmem>>
    %dma_start3A_301 = tpu.memref_squeeze %dma_start3A_300 : memref<1x128xi32, #tpu.memory_space<vmem>> -> memref<128xi32, #tpu.memory_space<vmem>>
    %dma_start3A_302 = arith.constant 0 : i32
    %dma_start3A_303 = arith.constant 0 : i32
    %dma_start3A_304 = tpu.memref_slice %arg3[%dma_start3A_302, %dma_start3A_303] : memref<1024x32xf32, #tpu.memory_space<hbm>> -> memref<1024x32xf32, #tpu.memory_space<hbm>>
    tpu.enqueue_indirect_dma source(%dma_start3A_304 : memref<1024x32xf32, #tpu.memory_space<hbm>>) target(%dma_start3A_298 : memref<128x32xf32, #tpu.memory_space<vmem>>) offsets(%dma_start3A_301 : memref<128xi32, #tpu.memory_space<vmem>>) semaphore(%arg9 : memref<!tpu.dma_semaphore, #tpu.memory_space<semaphore_mem>>)
    %add3A_305 = arith.constant 1024 : i32
    %add3A_306 = arith.addi %add3A_4, %add3A_305 : i32
    %dma_start3A_307 = arith.constant 0 : i32
    %dma_start3A_308 = tpu.memref_slice %arg4[%add3A_306, %dma_start3A_307] : memref<131072x32xf32, #tpu.memory_space<hbm>> -> memref<512x32xf32, #tpu.memory_space<hbm>>
    %dma_start3A_309 = arith.constant 0 : i32
    %dma_start3A_310 = tpu.memref_slice %arg4[%add3A_306, %dma_start3A_309] : memref<131072x32xf32, #tpu.memory_space<hbm>> -> memref<512x32xf32, #tpu.memory_space<hbm>>
    tpu.enqueue_dma source(%arg7 : memref<512x32xf32, #tpu.memory_space<vmem>>) target(%dma_start3A_310 : memref<512x32xf32, #tpu.memory_space<hbm>>) target_semaphore(%arg10 : memref<!tpu.dma_semaphore, #tpu.memory_space<semaphore_mem>>)
    %dma_wait3A_311 = arith.constant 12 : i32
    %dma_wait3A_312 = arith.constant 0 : i32
    %dma_wait3A_313 = arith.constant 0 : i32
    %dma_wait3A_314 = tpu.memref_slice %arg8[%dma_wait3A_312, %dma_wait3A_313] : memref<512x32xf32, #tpu.memory_space<vmem>> -> memref<128x32xf32, #tpu.memory_space<vmem>>
    %dma_wait3A_315 = arith.constant 0 : i32
    %dma_wait3A_316 = tpu.memref_slice %arg6[%dma_wait3A_311, %dma_wait3A_315] : memref<16x128xi32, #tpu.memory_space<vmem>> -> memref<1x128xi32, #tpu.memory_space<vmem>>
    %dma_wait3A_317 = tpu.memref_squeeze %dma_wait3A_316 : memref<1x128xi32, #tpu.memory_space<vmem>> -> memref<128xi32, #tpu.memory_space<vmem>>
    %dma_wait3A_318 = arith.constant 0 : i32
    %dma_wait3A_319 = arith.constant 0 : i32
    %dma_wait3A_320 = tpu.memref_slice %arg3[%dma_wait3A_318, %dma_wait3A_319] : memref<1024x32xf32, #tpu.memory_space<hbm>> -> memref<1024x32xf32, #tpu.memory_space<hbm>>
    tpu.wait_indirect_dma semaphore(%arg9 : memref<!tpu.dma_semaphore, #tpu.memory_space<semaphore_mem>>) src(%dma_wait3A_320 : memref<1024x32xf32, #tpu.memory_space<hbm>>) dst(%dma_wait3A_314 : memref<128x32xf32, #tpu.memory_space<vmem>>)
    %dma_wait3A_321 = arith.constant 13 : i32
    %dma_wait3A_322 = arith.constant 128 : i32
    %dma_wait3A_323 = arith.constant 0 : i32
    %dma_wait3A_324 = tpu.memref_slice %arg8[%dma_wait3A_322, %dma_wait3A_323] : memref<512x32xf32, #tpu.memory_space<vmem>> -> memref<128x32xf32, #tpu.memory_space<vmem>>
    %dma_wait3A_325 = arith.constant 0 : i32
    %dma_wait3A_326 = tpu.memref_slice %arg6[%dma_wait3A_321, %dma_wait3A_325] : memref<16x128xi32, #tpu.memory_space<vmem>> -> memref<1x128xi32, #tpu.memory_space<vmem>>
    %dma_wait3A_327 = tpu.memref_squeeze %dma_wait3A_326 : memref<1x128xi32, #tpu.memory_space<vmem>> -> memref<128xi32, #tpu.memory_space<vmem>>
    %dma_wait3A_328 = arith.constant 0 : i32
    %dma_wait3A_329 = arith.constant 0 : i32
    %dma_wait3A_330 = tpu.memref_slice %arg3[%dma_wait3A_328, %dma_wait3A_329] : memref<1024x32xf32, #tpu.memory_space<hbm>> -> memref<1024x32xf32, #tpu.memory_space<hbm>>
    tpu.wait_indirect_dma semaphore(%arg9 : memref<!tpu.dma_semaphore, #tpu.memory_space<semaphore_mem>>) src(%dma_wait3A_330 : memref<1024x32xf32, #tpu.memory_space<hbm>>) dst(%dma_wait3A_324 : memref<128x32xf32, #tpu.memory_space<vmem>>)
    %dma_wait3A_331 = arith.constant 14 : i32
    %dma_wait3A_332 = arith.constant 256 : i32
    %dma_wait3A_333 = arith.constant 0 : i32
    %dma_wait3A_334 = tpu.memref_slice %arg8[%dma_wait3A_332, %dma_wait3A_333] : memref<512x32xf32, #tpu.memory_space<vmem>> -> memref<128x32xf32, #tpu.memory_space<vmem>>
    %dma_wait3A_335 = arith.constant 0 : i32
    %dma_wait3A_336 = tpu.memref_slice %arg6[%dma_wait3A_331, %dma_wait3A_335] : memref<16x128xi32, #tpu.memory_space<vmem>> -> memref<1x128xi32, #tpu.memory_space<vmem>>
    %dma_wait3A_337 = tpu.memref_squeeze %dma_wait3A_336 : memref<1x128xi32, #tpu.memory_space<vmem>> -> memref<128xi32, #tpu.memory_space<vmem>>
    %dma_wait3A_338 = arith.constant 0 : i32
    %dma_wait3A_339 = arith.constant 0 : i32
    %dma_wait3A_340 = tpu.memref_slice %arg3[%dma_wait3A_338, %dma_wait3A_339] : memref<1024x32xf32, #tpu.memory_space<hbm>> -> memref<1024x32xf32, #tpu.memory_space<hbm>>
    tpu.wait_indirect_dma semaphore(%arg9 : memref<!tpu.dma_semaphore, #tpu.memory_space<semaphore_mem>>) src(%dma_wait3A_340 : memref<1024x32xf32, #tpu.memory_space<hbm>>) dst(%dma_wait3A_334 : memref<128x32xf32, #tpu.memory_space<vmem>>)
    %dma_wait3A_341 = arith.constant 15 : i32
    %dma_wait3A_342 = arith.constant 384 : i32
    %dma_wait3A_343 = arith.constant 0 : i32
    %dma_wait3A_344 = tpu.memref_slice %arg8[%dma_wait3A_342, %dma_wait3A_343] : memref<512x32xf32, #tpu.memory_space<vmem>> -> memref<128x32xf32, #tpu.memory_space<vmem>>
    %dma_wait3A_345 = arith.constant 0 : i32
    %dma_wait3A_346 = tpu.memref_slice %arg6[%dma_wait3A_341, %dma_wait3A_345] : memref<16x128xi32, #tpu.memory_space<vmem>> -> memref<1x128xi32, #tpu.memory_space<vmem>>
    %dma_wait3A_347 = tpu.memref_squeeze %dma_wait3A_346 : memref<1x128xi32, #tpu.memory_space<vmem>> -> memref<128xi32, #tpu.memory_space<vmem>>
    %dma_wait3A_348 = arith.constant 0 : i32
    %dma_wait3A_349 = arith.constant 0 : i32
    %dma_wait3A_350 = tpu.memref_slice %arg3[%dma_wait3A_348, %dma_wait3A_349] : memref<1024x32xf32, #tpu.memory_space<hbm>> -> memref<1024x32xf32, #tpu.memory_space<hbm>>
    tpu.wait_indirect_dma semaphore(%arg9 : memref<!tpu.dma_semaphore, #tpu.memory_space<semaphore_mem>>) src(%dma_wait3A_350 : memref<1024x32xf32, #tpu.memory_space<hbm>>) dst(%dma_wait3A_344 : memref<128x32xf32, #tpu.memory_space<vmem>>)
    %add3A_351 = arith.constant 1536 : i32
    %add3A_352 = arith.addi %add3A_4, %add3A_351 : i32
    %dma_start3A_353 = arith.constant 0 : i32
    %dma_start3A_354 = tpu.memref_slice %arg4[%add3A_352, %dma_start3A_353] : memref<131072x32xf32, #tpu.memory_space<hbm>> -> memref<512x32xf32, #tpu.memory_space<hbm>>
    %dma_start3A_355 = arith.constant 0 : i32
    %dma_start3A_356 = tpu.memref_slice %arg4[%add3A_352, %dma_start3A_355] : memref<131072x32xf32, #tpu.memory_space<hbm>> -> memref<512x32xf32, #tpu.memory_space<hbm>>
    tpu.enqueue_dma source(%arg8 : memref<512x32xf32, #tpu.memory_space<vmem>>) target(%dma_start3A_356 : memref<512x32xf32, #tpu.memory_space<hbm>>) target_semaphore(%arg10 : memref<!tpu.dma_semaphore, #tpu.memory_space<semaphore_mem>>)
    %dma_wait3A_357 = arith.constant 0 : i32
    %dma_wait3A_358 = tpu.memref_slice %arg4[%add3A_306, %dma_wait3A_357] : memref<131072x32xf32, #tpu.memory_space<hbm>> -> memref<512x32xf32, #tpu.memory_space<hbm>>
    %dma_wait3A_359 = arith.constant 0 : i32
    %dma_wait3A_360 = tpu.memref_slice %arg4[%add3A_306, %dma_wait3A_359] : memref<131072x32xf32, #tpu.memory_space<hbm>> -> memref<512x32xf32, #tpu.memory_space<hbm>>
    tpu.wait_dma2 semaphore(%arg10 : memref<!tpu.dma_semaphore, #tpu.memory_space<semaphore_mem>>) src(%arg7 : memref<512x32xf32, #tpu.memory_space<vmem>>) dst(%dma_wait3A_360 : memref<512x32xf32, #tpu.memory_space<hbm>>)
    %dma_wait3A_361 = arith.constant 0 : i32
    %dma_wait3A_362 = tpu.memref_slice %arg4[%add3A_352, %dma_wait3A_361] : memref<131072x32xf32, #tpu.memory_space<hbm>> -> memref<512x32xf32, #tpu.memory_space<hbm>>
    %dma_wait3A_363 = arith.constant 0 : i32
    %dma_wait3A_364 = tpu.memref_slice %arg4[%add3A_352, %dma_wait3A_363] : memref<131072x32xf32, #tpu.memory_space<hbm>> -> memref<512x32xf32, #tpu.memory_space<hbm>>
    tpu.wait_dma2 semaphore(%arg10 : memref<!tpu.dma_semaphore, #tpu.memory_space<semaphore_mem>>) src(%arg8 : memref<512x32xf32, #tpu.memory_space<vmem>>) dst(%dma_wait3A_364 : memref<512x32xf32, #tpu.memory_space<hbm>>)
    return
  }
}

module attributes {stable_mosaic.version = 14 : i64} {
  func.func @_vq_argmin_body(%arg0: i32, %arg1: memref<1024x256xf32, #tpu.memory_space<vmem>>, %arg2: memref<32x1024xf32, #tpu.memory_space<vmem>>, %arg3: memref<1x1024xf32, #tpu.memory_space<vmem>>, %arg4: memref<1x1024xf32, #tpu.memory_space<vmem>>, %arg5: memref<1024x8xi32, #tpu.memory_space<vmem>>, %arg6: memref<1024xf32, #tpu.memory_space<vmem>>) attributes {dimension_semantics = [#tpu.dimension_semantics<arbitrary>], iteration_bounds = array<i64: 8>, scalar_prefetch = 0 : i64, scratch_operands = 0 : i64, tpu.core_type = #tpu.core_type<tc>, window_params = [{transform_indices = @transform_0, window_bounds = array<i64: 1024, 256>}, {pipeline_mode = #tpu.pipeline_mode<synchronous>, transform_indices = @transform_1, window_bounds = array<i64: 32, 1024>}, {pipeline_mode = #tpu.pipeline_mode<synchronous>, transform_indices = @transform_2, window_bounds = array<i64: 1, 1024>}, {pipeline_mode = #tpu.pipeline_mode<synchronous>, transform_indices = @transform_3, window_bounds = array<i64: 1, 1024>}, {transform_indices = @transform_4, window_bounds = array<i64: 1024, 8>}, {transform_indices = @transform_5, window_bounds = array<i64: 1024>}]} {
    %get3A = arith.constant 0 : index
    %get3A_0 = arith.constant 0 : index
    %get3A_1 = vector.load %arg2[%get3A, %get3A_0] : memref<32x1024xf32, #tpu.memory_space<vmem>>, vector<32x1024xf32>
    %get3A_2 = arith.constant 0 : index
    %get3A_3 = arith.constant 0 : index
    %get3A_4 = vector.load %arg3[%get3A_2, %get3A_3] : memref<1x1024xf32, #tpu.memory_space<vmem>>, vector<1x1024xf32>
    %get3A_5 = arith.constant 0 : index
    %get3A_6 = arith.constant 0 : index
    %get3A_7 = vector.load %arg4[%get3A_5, %get3A_6] : memref<1x1024xf32, #tpu.memory_space<vmem>>, vector<1x1024xf32>
    %broadcast_in_dim3A = arith.constant 0.000000e+00 : f32
    %broadcast_in_dim3A_8 = vector.broadcast %broadcast_in_dim3A : f32 to vector<1024x1xf32>
    %get3A_9 = arith.constant 0 : index
    %get3A_10 = arith.constant 0 : index
    %get3A_11 = vector.load %arg1[%get3A_9, %get3A_10] : memref<1024x256xf32, #tpu.memory_space<vmem>>, vector<1024x32xf32>
    %dot_general3A = arith.constant dense<0.000000e+00> : vector<1024x1024xf32>
    %dot_general3A_12 = tpu.matmul %get3A_11, %get3A_1, %dot_general3A {dimension_numbers = #tpu.dot_dimension_numbers<[1], [0], [0], [1], [0, 0, 1, 1], [], []>, transpose_lhs_hint = false} : vector<1024x32xf32>, vector<32x1024xf32>, vector<1024x1024xf32> -> vector<1024x1024xf32>
    %add3A = vector.broadcast %get3A_4 : vector<1x1024xf32> to vector<1024x1024xf32>
    %add3A_13 = arith.addf %dot_general3A_12, %add3A : vector<1024x1024xf32>
    %reduce_min3A = arith.constant dense<0x7F800000> : vector<1024xf32>
    %reduce_min3A_14 = vector.multi_reduction <minimumf>, %add3A_13, %reduce_min3A [1] : vector<1024x1024xf32> to vector<1024xf32>
    %broadcast_in_dim3A_15 = vector.shape_cast %reduce_min3A_14 : vector<1024xf32> to vector<1024x1xf32>
    %eq3A = vector.broadcast %broadcast_in_dim3A_15 : vector<1024x1xf32> to vector<1024x1024xf32>
    %eq3A_16 = arith.cmpf oeq, %add3A_13, %eq3A : vector<1024x1024xf32>
    %jit3A = arith.constant 1.024000e+03 : f32
    %broadcast_in_dim3A_17 = vector.shape_cast %get3A_7 : vector<1x1024xf32> to vector<1x1024xf32>
    %broadcast_in_dim3A_18 = vector.broadcast %broadcast_in_dim3A_17 : vector<1x1024xf32> to vector<1024x1024xf32>
    %broadcast_in_dim3A_19 = vector.broadcast %jit3A : f32 to vector<1024x1024xf32>
    %select_n3A = arith.select %eq3A_16, %broadcast_in_dim3A_18, %broadcast_in_dim3A_19 : vector<1024x1024xi1>, vector<1024x1024xf32>
    %reduce_min3A_20 = arith.constant dense<0x7F800000> : vector<1024xf32>
    %reduce_min3A_21 = vector.multi_reduction <minimumf>, %select_n3A, %reduce_min3A_20 [1] : vector<1024x1024xf32> to vector<1024xf32>
    %broadcast_in_dim3A_22 = vector.shape_cast %reduce_min3A_21 : vector<1024xf32> to vector<1024x1xf32>
    %mul3A = arith.mulf %get3A_11, %get3A_11 : vector<1024x32xf32>
    %reduce_sum3A = arith.constant dense<0.000000e+00> : vector<1024xf32>
    %reduce_sum3A_23 = vector.multi_reduction <add>, %mul3A, %reduce_sum3A [1] : vector<1024x32xf32> to vector<1024xf32>
    %broadcast_in_dim3A_24 = vector.shape_cast %reduce_sum3A_23 : vector<1024xf32> to vector<1024x1xf32>
    %add3A_25 = arith.addf %broadcast_in_dim3A_24, %broadcast_in_dim3A_15 : vector<1024x1xf32>
    %add3A_26 = arith.addf %broadcast_in_dim3A_8, %add3A_25 : vector<1024x1xf32>
    %get3A_27 = arith.constant 0 : index
    %get3A_28 = arith.constant 32 : index
    %get3A_29 = vector.load %arg1[%get3A_27, %get3A_28] : memref<1024x256xf32, #tpu.memory_space<vmem>>, vector<1024x32xf32>
    %dot_general3A_30 = arith.constant dense<0.000000e+00> : vector<1024x1024xf32>
    %dot_general3A_31 = tpu.matmul %get3A_29, %get3A_1, %dot_general3A_30 {dimension_numbers = #tpu.dot_dimension_numbers<[1], [0], [0], [1], [0, 0, 1, 1], [], []>, transpose_lhs_hint = false} : vector<1024x32xf32>, vector<32x1024xf32>, vector<1024x1024xf32> -> vector<1024x1024xf32>
    %add3A_32 = vector.broadcast %get3A_4 : vector<1x1024xf32> to vector<1024x1024xf32>
    %add3A_33 = arith.addf %dot_general3A_31, %add3A_32 : vector<1024x1024xf32>
    %reduce_min3A_34 = arith.constant dense<0x7F800000> : vector<1024xf32>
    %reduce_min3A_35 = vector.multi_reduction <minimumf>, %add3A_33, %reduce_min3A_34 [1] : vector<1024x1024xf32> to vector<1024xf32>
    %broadcast_in_dim3A_36 = vector.shape_cast %reduce_min3A_35 : vector<1024xf32> to vector<1024x1xf32>
    %eq3A_37 = vector.broadcast %broadcast_in_dim3A_36 : vector<1024x1xf32> to vector<1024x1024xf32>
    %eq3A_38 = arith.cmpf oeq, %add3A_33, %eq3A_37 : vector<1024x1024xf32>
    %jit3A_39 = arith.constant 1.024000e+03 : f32
    %broadcast_in_dim3A_40 = vector.shape_cast %get3A_7 : vector<1x1024xf32> to vector<1x1024xf32>
    %broadcast_in_dim3A_41 = vector.broadcast %broadcast_in_dim3A_40 : vector<1x1024xf32> to vector<1024x1024xf32>
    %broadcast_in_dim3A_42 = vector.broadcast %jit3A_39 : f32 to vector<1024x1024xf32>
    %select_n3A_43 = arith.select %eq3A_38, %broadcast_in_dim3A_41, %broadcast_in_dim3A_42 : vector<1024x1024xi1>, vector<1024x1024xf32>
    %reduce_min3A_44 = arith.constant dense<0x7F800000> : vector<1024xf32>
    %reduce_min3A_45 = vector.multi_reduction <minimumf>, %select_n3A_43, %reduce_min3A_44 [1] : vector<1024x1024xf32> to vector<1024xf32>
    %broadcast_in_dim3A_46 = vector.shape_cast %reduce_min3A_45 : vector<1024xf32> to vector<1024x1xf32>
    %mul3A_47 = arith.mulf %get3A_29, %get3A_29 : vector<1024x32xf32>
    %reduce_sum3A_48 = arith.constant dense<0.000000e+00> : vector<1024xf32>
    %reduce_sum3A_49 = vector.multi_reduction <add>, %mul3A_47, %reduce_sum3A_48 [1] : vector<1024x32xf32> to vector<1024xf32>
    %broadcast_in_dim3A_50 = vector.shape_cast %reduce_sum3A_49 : vector<1024xf32> to vector<1024x1xf32>
    %add3A_51 = arith.addf %broadcast_in_dim3A_50, %broadcast_in_dim3A_36 : vector<1024x1xf32>
    %add3A_52 = arith.addf %add3A_26, %add3A_51 : vector<1024x1xf32>
    %get3A_53 = arith.constant 0 : index
    %get3A_54 = arith.constant 64 : index
    %get3A_55 = vector.load %arg1[%get3A_53, %get3A_54] : memref<1024x256xf32, #tpu.memory_space<vmem>>, vector<1024x32xf32>
    %dot_general3A_56 = arith.constant dense<0.000000e+00> : vector<1024x1024xf32>
    %dot_general3A_57 = tpu.matmul %get3A_55, %get3A_1, %dot_general3A_56 {dimension_numbers = #tpu.dot_dimension_numbers<[1], [0], [0], [1], [0, 0, 1, 1], [], []>, transpose_lhs_hint = false} : vector<1024x32xf32>, vector<32x1024xf32>, vector<1024x1024xf32> -> vector<1024x1024xf32>
    %add3A_58 = vector.broadcast %get3A_4 : vector<1x1024xf32> to vector<1024x1024xf32>
    %add3A_59 = arith.addf %dot_general3A_57, %add3A_58 : vector<1024x1024xf32>
    %reduce_min3A_60 = arith.constant dense<0x7F800000> : vector<1024xf32>
    %reduce_min3A_61 = vector.multi_reduction <minimumf>, %add3A_59, %reduce_min3A_60 [1] : vector<1024x1024xf32> to vector<1024xf32>
    %broadcast_in_dim3A_62 = vector.shape_cast %reduce_min3A_61 : vector<1024xf32> to vector<1024x1xf32>
    %eq3A_63 = vector.broadcast %broadcast_in_dim3A_62 : vector<1024x1xf32> to vector<1024x1024xf32>
    %eq3A_64 = arith.cmpf oeq, %add3A_59, %eq3A_63 : vector<1024x1024xf32>
    %jit3A_65 = arith.constant 1.024000e+03 : f32
    %broadcast_in_dim3A_66 = vector.shape_cast %get3A_7 : vector<1x1024xf32> to vector<1x1024xf32>
    %broadcast_in_dim3A_67 = vector.broadcast %broadcast_in_dim3A_66 : vector<1x1024xf32> to vector<1024x1024xf32>
    %broadcast_in_dim3A_68 = vector.broadcast %jit3A_65 : f32 to vector<1024x1024xf32>
    %select_n3A_69 = arith.select %eq3A_64, %broadcast_in_dim3A_67, %broadcast_in_dim3A_68 : vector<1024x1024xi1>, vector<1024x1024xf32>
    %reduce_min3A_70 = arith.constant dense<0x7F800000> : vector<1024xf32>
    %reduce_min3A_71 = vector.multi_reduction <minimumf>, %select_n3A_69, %reduce_min3A_70 [1] : vector<1024x1024xf32> to vector<1024xf32>
    %broadcast_in_dim3A_72 = vector.shape_cast %reduce_min3A_71 : vector<1024xf32> to vector<1024x1xf32>
    %mul3A_73 = arith.mulf %get3A_55, %get3A_55 : vector<1024x32xf32>
    %reduce_sum3A_74 = arith.constant dense<0.000000e+00> : vector<1024xf32>
    %reduce_sum3A_75 = vector.multi_reduction <add>, %mul3A_73, %reduce_sum3A_74 [1] : vector<1024x32xf32> to vector<1024xf32>
    %broadcast_in_dim3A_76 = vector.shape_cast %reduce_sum3A_75 : vector<1024xf32> to vector<1024x1xf32>
    %add3A_77 = arith.addf %broadcast_in_dim3A_76, %broadcast_in_dim3A_62 : vector<1024x1xf32>
    %add3A_78 = arith.addf %add3A_52, %add3A_77 : vector<1024x1xf32>
    %get3A_79 = arith.constant 0 : index
    %get3A_80 = arith.constant 96 : index
    %get3A_81 = vector.load %arg1[%get3A_79, %get3A_80] : memref<1024x256xf32, #tpu.memory_space<vmem>>, vector<1024x32xf32>
    %dot_general3A_82 = arith.constant dense<0.000000e+00> : vector<1024x1024xf32>
    %dot_general3A_83 = tpu.matmul %get3A_81, %get3A_1, %dot_general3A_82 {dimension_numbers = #tpu.dot_dimension_numbers<[1], [0], [0], [1], [0, 0, 1, 1], [], []>, transpose_lhs_hint = false} : vector<1024x32xf32>, vector<32x1024xf32>, vector<1024x1024xf32> -> vector<1024x1024xf32>
    %add3A_84 = vector.broadcast %get3A_4 : vector<1x1024xf32> to vector<1024x1024xf32>
    %add3A_85 = arith.addf %dot_general3A_83, %add3A_84 : vector<1024x1024xf32>
    %reduce_min3A_86 = arith.constant dense<0x7F800000> : vector<1024xf32>
    %reduce_min3A_87 = vector.multi_reduction <minimumf>, %add3A_85, %reduce_min3A_86 [1] : vector<1024x1024xf32> to vector<1024xf32>
    %broadcast_in_dim3A_88 = vector.shape_cast %reduce_min3A_87 : vector<1024xf32> to vector<1024x1xf32>
    %eq3A_89 = vector.broadcast %broadcast_in_dim3A_88 : vector<1024x1xf32> to vector<1024x1024xf32>
    %eq3A_90 = arith.cmpf oeq, %add3A_85, %eq3A_89 : vector<1024x1024xf32>
    %jit3A_91 = arith.constant 1.024000e+03 : f32
    %broadcast_in_dim3A_92 = vector.shape_cast %get3A_7 : vector<1x1024xf32> to vector<1x1024xf32>
    %broadcast_in_dim3A_93 = vector.broadcast %broadcast_in_dim3A_92 : vector<1x1024xf32> to vector<1024x1024xf32>
    %broadcast_in_dim3A_94 = vector.broadcast %jit3A_91 : f32 to vector<1024x1024xf32>
    %select_n3A_95 = arith.select %eq3A_90, %broadcast_in_dim3A_93, %broadcast_in_dim3A_94 : vector<1024x1024xi1>, vector<1024x1024xf32>
    %reduce_min3A_96 = arith.constant dense<0x7F800000> : vector<1024xf32>
    %reduce_min3A_97 = vector.multi_reduction <minimumf>, %select_n3A_95, %reduce_min3A_96 [1] : vector<1024x1024xf32> to vector<1024xf32>
    %broadcast_in_dim3A_98 = vector.shape_cast %reduce_min3A_97 : vector<1024xf32> to vector<1024x1xf32>
    %mul3A_99 = arith.mulf %get3A_81, %get3A_81 : vector<1024x32xf32>
    %reduce_sum3A_100 = arith.constant dense<0.000000e+00> : vector<1024xf32>
    %reduce_sum3A_101 = vector.multi_reduction <add>, %mul3A_99, %reduce_sum3A_100 [1] : vector<1024x32xf32> to vector<1024xf32>
    %broadcast_in_dim3A_102 = vector.shape_cast %reduce_sum3A_101 : vector<1024xf32> to vector<1024x1xf32>
    %add3A_103 = arith.addf %broadcast_in_dim3A_102, %broadcast_in_dim3A_88 : vector<1024x1xf32>
    %add3A_104 = arith.addf %add3A_78, %add3A_103 : vector<1024x1xf32>
    %get3A_105 = arith.constant 0 : index
    %get3A_106 = arith.constant 128 : index
    %get3A_107 = vector.load %arg1[%get3A_105, %get3A_106] : memref<1024x256xf32, #tpu.memory_space<vmem>>, vector<1024x32xf32>
    %dot_general3A_108 = arith.constant dense<0.000000e+00> : vector<1024x1024xf32>
    %dot_general3A_109 = tpu.matmul %get3A_107, %get3A_1, %dot_general3A_108 {dimension_numbers = #tpu.dot_dimension_numbers<[1], [0], [0], [1], [0, 0, 1, 1], [], []>, transpose_lhs_hint = false} : vector<1024x32xf32>, vector<32x1024xf32>, vector<1024x1024xf32> -> vector<1024x1024xf32>
    %add3A_110 = vector.broadcast %get3A_4 : vector<1x1024xf32> to vector<1024x1024xf32>
    %add3A_111 = arith.addf %dot_general3A_109, %add3A_110 : vector<1024x1024xf32>
    %reduce_min3A_112 = arith.constant dense<0x7F800000> : vector<1024xf32>
    %reduce_min3A_113 = vector.multi_reduction <minimumf>, %add3A_111, %reduce_min3A_112 [1] : vector<1024x1024xf32> to vector<1024xf32>
    %broadcast_in_dim3A_114 = vector.shape_cast %reduce_min3A_113 : vector<1024xf32> to vector<1024x1xf32>
    %eq3A_115 = vector.broadcast %broadcast_in_dim3A_114 : vector<1024x1xf32> to vector<1024x1024xf32>
    %eq3A_116 = arith.cmpf oeq, %add3A_111, %eq3A_115 : vector<1024x1024xf32>
    %jit3A_117 = arith.constant 1.024000e+03 : f32
    %broadcast_in_dim3A_118 = vector.shape_cast %get3A_7 : vector<1x1024xf32> to vector<1x1024xf32>
    %broadcast_in_dim3A_119 = vector.broadcast %broadcast_in_dim3A_118 : vector<1x1024xf32> to vector<1024x1024xf32>
    %broadcast_in_dim3A_120 = vector.broadcast %jit3A_117 : f32 to vector<1024x1024xf32>
    %select_n3A_121 = arith.select %eq3A_116, %broadcast_in_dim3A_119, %broadcast_in_dim3A_120 : vector<1024x1024xi1>, vector<1024x1024xf32>
    %reduce_min3A_122 = arith.constant dense<0x7F800000> : vector<1024xf32>
    %reduce_min3A_123 = vector.multi_reduction <minimumf>, %select_n3A_121, %reduce_min3A_122 [1] : vector<1024x1024xf32> to vector<1024xf32>
    %broadcast_in_dim3A_124 = vector.shape_cast %reduce_min3A_123 : vector<1024xf32> to vector<1024x1xf32>
    %mul3A_125 = arith.mulf %get3A_107, %get3A_107 : vector<1024x32xf32>
    %reduce_sum3A_126 = arith.constant dense<0.000000e+00> : vector<1024xf32>
    %reduce_sum3A_127 = vector.multi_reduction <add>, %mul3A_125, %reduce_sum3A_126 [1] : vector<1024x32xf32> to vector<1024xf32>
    %broadcast_in_dim3A_128 = vector.shape_cast %reduce_sum3A_127 : vector<1024xf32> to vector<1024x1xf32>
    %add3A_129 = arith.addf %broadcast_in_dim3A_128, %broadcast_in_dim3A_114 : vector<1024x1xf32>
    %add3A_130 = arith.addf %add3A_104, %add3A_129 : vector<1024x1xf32>
    %get3A_131 = arith.constant 0 : index
    %get3A_132 = arith.constant 160 : index
    %get3A_133 = vector.load %arg1[%get3A_131, %get3A_132] : memref<1024x256xf32, #tpu.memory_space<vmem>>, vector<1024x32xf32>
    %dot_general3A_134 = arith.constant dense<0.000000e+00> : vector<1024x1024xf32>
    %dot_general3A_135 = tpu.matmul %get3A_133, %get3A_1, %dot_general3A_134 {dimension_numbers = #tpu.dot_dimension_numbers<[1], [0], [0], [1], [0, 0, 1, 1], [], []>, transpose_lhs_hint = false} : vector<1024x32xf32>, vector<32x1024xf32>, vector<1024x1024xf32> -> vector<1024x1024xf32>
    %add3A_136 = vector.broadcast %get3A_4 : vector<1x1024xf32> to vector<1024x1024xf32>
    %add3A_137 = arith.addf %dot_general3A_135, %add3A_136 : vector<1024x1024xf32>
    %reduce_min3A_138 = arith.constant dense<0x7F800000> : vector<1024xf32>
    %reduce_min3A_139 = vector.multi_reduction <minimumf>, %add3A_137, %reduce_min3A_138 [1] : vector<1024x1024xf32> to vector<1024xf32>
    %broadcast_in_dim3A_140 = vector.shape_cast %reduce_min3A_139 : vector<1024xf32> to vector<1024x1xf32>
    %eq3A_141 = vector.broadcast %broadcast_in_dim3A_140 : vector<1024x1xf32> to vector<1024x1024xf32>
    %eq3A_142 = arith.cmpf oeq, %add3A_137, %eq3A_141 : vector<1024x1024xf32>
    %jit3A_143 = arith.constant 1.024000e+03 : f32
    %broadcast_in_dim3A_144 = vector.shape_cast %get3A_7 : vector<1x1024xf32> to vector<1x1024xf32>
    %broadcast_in_dim3A_145 = vector.broadcast %broadcast_in_dim3A_144 : vector<1x1024xf32> to vector<1024x1024xf32>
    %broadcast_in_dim3A_146 = vector.broadcast %jit3A_143 : f32 to vector<1024x1024xf32>
    %select_n3A_147 = arith.select %eq3A_142, %broadcast_in_dim3A_145, %broadcast_in_dim3A_146 : vector<1024x1024xi1>, vector<1024x1024xf32>
    %reduce_min3A_148 = arith.constant dense<0x7F800000> : vector<1024xf32>
    %reduce_min3A_149 = vector.multi_reduction <minimumf>, %select_n3A_147, %reduce_min3A_148 [1] : vector<1024x1024xf32> to vector<1024xf32>
    %broadcast_in_dim3A_150 = vector.shape_cast %reduce_min3A_149 : vector<1024xf32> to vector<1024x1xf32>
    %mul3A_151 = arith.mulf %get3A_133, %get3A_133 : vector<1024x32xf32>
    %reduce_sum3A_152 = arith.constant dense<0.000000e+00> : vector<1024xf32>
    %reduce_sum3A_153 = vector.multi_reduction <add>, %mul3A_151, %reduce_sum3A_152 [1] : vector<1024x32xf32> to vector<1024xf32>
    %broadcast_in_dim3A_154 = vector.shape_cast %reduce_sum3A_153 : vector<1024xf32> to vector<1024x1xf32>
    %add3A_155 = arith.addf %broadcast_in_dim3A_154, %broadcast_in_dim3A_140 : vector<1024x1xf32>
    %add3A_156 = arith.addf %add3A_130, %add3A_155 : vector<1024x1xf32>
    %get3A_157 = arith.constant 0 : index
    %get3A_158 = arith.constant 192 : index
    %get3A_159 = vector.load %arg1[%get3A_157, %get3A_158] : memref<1024x256xf32, #tpu.memory_space<vmem>>, vector<1024x32xf32>
    %dot_general3A_160 = arith.constant dense<0.000000e+00> : vector<1024x1024xf32>
    %dot_general3A_161 = tpu.matmul %get3A_159, %get3A_1, %dot_general3A_160 {dimension_numbers = #tpu.dot_dimension_numbers<[1], [0], [0], [1], [0, 0, 1, 1], [], []>, transpose_lhs_hint = false} : vector<1024x32xf32>, vector<32x1024xf32>, vector<1024x1024xf32> -> vector<1024x1024xf32>
    %add3A_162 = vector.broadcast %get3A_4 : vector<1x1024xf32> to vector<1024x1024xf32>
    %add3A_163 = arith.addf %dot_general3A_161, %add3A_162 : vector<1024x1024xf32>
    %reduce_min3A_164 = arith.constant dense<0x7F800000> : vector<1024xf32>
    %reduce_min3A_165 = vector.multi_reduction <minimumf>, %add3A_163, %reduce_min3A_164 [1] : vector<1024x1024xf32> to vector<1024xf32>
    %broadcast_in_dim3A_166 = vector.shape_cast %reduce_min3A_165 : vector<1024xf32> to vector<1024x1xf32>
    %eq3A_167 = vector.broadcast %broadcast_in_dim3A_166 : vector<1024x1xf32> to vector<1024x1024xf32>
    %eq3A_168 = arith.cmpf oeq, %add3A_163, %eq3A_167 : vector<1024x1024xf32>
    %jit3A_169 = arith.constant 1.024000e+03 : f32
    %broadcast_in_dim3A_170 = vector.shape_cast %get3A_7 : vector<1x1024xf32> to vector<1x1024xf32>
    %broadcast_in_dim3A_171 = vector.broadcast %broadcast_in_dim3A_170 : vector<1x1024xf32> to vector<1024x1024xf32>
    %broadcast_in_dim3A_172 = vector.broadcast %jit3A_169 : f32 to vector<1024x1024xf32>
    %select_n3A_173 = arith.select %eq3A_168, %broadcast_in_dim3A_171, %broadcast_in_dim3A_172 : vector<1024x1024xi1>, vector<1024x1024xf32>
    %reduce_min3A_174 = arith.constant dense<0x7F800000> : vector<1024xf32>
    %reduce_min3A_175 = vector.multi_reduction <minimumf>, %select_n3A_173, %reduce_min3A_174 [1] : vector<1024x1024xf32> to vector<1024xf32>
    %broadcast_in_dim3A_176 = vector.shape_cast %reduce_min3A_175 : vector<1024xf32> to vector<1024x1xf32>
    %mul3A_177 = arith.mulf %get3A_159, %get3A_159 : vector<1024x32xf32>
    %reduce_sum3A_178 = arith.constant dense<0.000000e+00> : vector<1024xf32>
    %reduce_sum3A_179 = vector.multi_reduction <add>, %mul3A_177, %reduce_sum3A_178 [1] : vector<1024x32xf32> to vector<1024xf32>
    %broadcast_in_dim3A_180 = vector.shape_cast %reduce_sum3A_179 : vector<1024xf32> to vector<1024x1xf32>
    %add3A_181 = arith.addf %broadcast_in_dim3A_180, %broadcast_in_dim3A_166 : vector<1024x1xf32>
    %add3A_182 = arith.addf %add3A_156, %add3A_181 : vector<1024x1xf32>
    %get3A_183 = arith.constant 0 : index
    %get3A_184 = arith.constant 224 : index
    %get3A_185 = vector.load %arg1[%get3A_183, %get3A_184] : memref<1024x256xf32, #tpu.memory_space<vmem>>, vector<1024x32xf32>
    %dot_general3A_186 = arith.constant dense<0.000000e+00> : vector<1024x1024xf32>
    %dot_general3A_187 = tpu.matmul %get3A_185, %get3A_1, %dot_general3A_186 {dimension_numbers = #tpu.dot_dimension_numbers<[1], [0], [0], [1], [0, 0, 1, 1], [], []>, transpose_lhs_hint = false} : vector<1024x32xf32>, vector<32x1024xf32>, vector<1024x1024xf32> -> vector<1024x1024xf32>
    %add3A_188 = vector.broadcast %get3A_4 : vector<1x1024xf32> to vector<1024x1024xf32>
    %add3A_189 = arith.addf %dot_general3A_187, %add3A_188 : vector<1024x1024xf32>
    %reduce_min3A_190 = arith.constant dense<0x7F800000> : vector<1024xf32>
    %reduce_min3A_191 = vector.multi_reduction <minimumf>, %add3A_189, %reduce_min3A_190 [1] : vector<1024x1024xf32> to vector<1024xf32>
    %broadcast_in_dim3A_192 = vector.shape_cast %reduce_min3A_191 : vector<1024xf32> to vector<1024x1xf32>
    %eq3A_193 = vector.broadcast %broadcast_in_dim3A_192 : vector<1024x1xf32> to vector<1024x1024xf32>
    %eq3A_194 = arith.cmpf oeq, %add3A_189, %eq3A_193 : vector<1024x1024xf32>
    %jit3A_195 = arith.constant 1.024000e+03 : f32
    %broadcast_in_dim3A_196 = vector.shape_cast %get3A_7 : vector<1x1024xf32> to vector<1x1024xf32>
    %broadcast_in_dim3A_197 = vector.broadcast %broadcast_in_dim3A_196 : vector<1x1024xf32> to vector<1024x1024xf32>
    %broadcast_in_dim3A_198 = vector.broadcast %jit3A_195 : f32 to vector<1024x1024xf32>
    %select_n3A_199 = arith.select %eq3A_194, %broadcast_in_dim3A_197, %broadcast_in_dim3A_198 : vector<1024x1024xi1>, vector<1024x1024xf32>
    %reduce_min3A_200 = arith.constant dense<0x7F800000> : vector<1024xf32>
    %reduce_min3A_201 = vector.multi_reduction <minimumf>, %select_n3A_199, %reduce_min3A_200 [1] : vector<1024x1024xf32> to vector<1024xf32>
    %broadcast_in_dim3A_202 = vector.shape_cast %reduce_min3A_201 : vector<1024xf32> to vector<1024x1xf32>
    %mul3A_203 = arith.mulf %get3A_185, %get3A_185 : vector<1024x32xf32>
    %reduce_sum3A_204 = arith.constant dense<0.000000e+00> : vector<1024xf32>
    %reduce_sum3A_205 = vector.multi_reduction <add>, %mul3A_203, %reduce_sum3A_204 [1] : vector<1024x32xf32> to vector<1024xf32>
    %broadcast_in_dim3A_206 = vector.shape_cast %reduce_sum3A_205 : vector<1024xf32> to vector<1024x1xf32>
    %add3A_207 = arith.addf %broadcast_in_dim3A_206, %broadcast_in_dim3A_192 : vector<1024x1xf32>
    %add3A_208 = arith.addf %add3A_182, %add3A_207 : vector<1024x1xf32>
    %concatenate3A = tpu.concatenate %broadcast_in_dim3A_22, %broadcast_in_dim3A_46, %broadcast_in_dim3A_72, %broadcast_in_dim3A_98, %broadcast_in_dim3A_124, %broadcast_in_dim3A_150, %broadcast_in_dim3A_176, %broadcast_in_dim3A_202 in 1 : vector<1024x1xf32>, vector<1024x1xf32>, vector<1024x1xf32>, vector<1024x1xf32>, vector<1024x1xf32>, vector<1024x1xf32>, vector<1024x1xf32>, vector<1024x1xf32> -> vector<1024x8xf32>
    %convert_element_type3A = arith.fptosi %concatenate3A : vector<1024x8xf32> to vector<1024x8xi32>
    %swap3A = arith.constant 0 : index
    %swap3A_209 = arith.constant 0 : index
    %swap3A_210 = vector.load %arg5[%swap3A, %swap3A_209] : memref<1024x8xi32, #tpu.memory_space<vmem>>, vector<1024x8xi32>
    tpu.vector_store %arg5[%swap3A, %swap3A_209], %convert_element_type3A {strides = array<i32>} : memref<1024x8xi32, #tpu.memory_space<vmem>>, vector<1024x8xi32>,
    %mul3A_211 = arith.constant 1.562500e-01 : f32
    %mul3A_212 = vector.broadcast %mul3A_211 : f32 to vector<1024x1xf32>
    %mul3A_213 = arith.mulf %mul3A_212, %add3A_208 : vector<1024x1xf32>
    %reshape3A = vector.shape_cast %mul3A_213 : vector<1024x1xf32> to vector<1024xf32>
    %swap3A_214 = arith.constant 0 : index
    %swap3A_215 = vector.load %arg6[%swap3A_214] : memref<1024xf32, #tpu.memory_space<vmem>>, vector<1024xf32>
    tpu.vector_store %arg6[%swap3A_214], %reshape3A {strides = array<i32>} : memref<1024xf32, #tpu.memory_space<vmem>>, vector<1024xf32>,
    return
  }
  func.func @transform_0(%arg0: i32) -> (i32, i32) {
    %add3A = arith.constant 0 : i32
    %add3A_0 = arith.addi %arg0, %add3A : i32
    %c0_i32 = arith.constant 0 : i32
    %c0_i32_1 = arith.constant 0 : i32
    return %add3A_0, %c0_i32 : i32, i32
  }
  func.func @transform_1(%arg0: i32) -> (i32, i32) {
    %c0_i32 = arith.constant 0 : i32
    %c0_i32_0 = arith.constant 0 : i32
    %c0_i32_1 = arith.constant 0 : i32
    return %c0_i32, %c0_i32_0 : i32, i32
  }
  func.func @transform_2(%arg0: i32) -> (i32, i32) {
    %c0_i32 = arith.constant 0 : i32
    %c0_i32_0 = arith.constant 0 : i32
    %c0_i32_1 = arith.constant 0 : i32
    return %c0_i32, %c0_i32_0 : i32, i32
  }
  func.func @transform_3(%arg0: i32) -> (i32, i32) {
    %c0_i32 = arith.constant 0 : i32
    %c0_i32_0 = arith.constant 0 : i32
    %c0_i32_1 = arith.constant 0 : i32
    return %c0_i32, %c0_i32_0 : i32, i32
  }
  func.func @transform_4(%arg0: i32) -> (i32, i32) {
    %c0_i32 = arith.constant 0 : i32
    %c0_i32_0 = arith.constant 0 : i32
    return %arg0, %c0_i32 : i32, i32
  }
  func.func @transform_5(%arg0: i32) -> i32 {
    %c0_i32 = arith.constant 0 : i32
    return %arg0 : i32
  }
}

module attributes {stable_mosaic.version = 14 : i64} {
  func.func @_vq_argmin_body(%arg0: i32, %arg1: memref<1024x256xf32, #tpu.memory_space<vmem>>, %arg2: memref<32x1024xf32, #tpu.memory_space<vmem>>, %arg3: memref<1x1024xf32, #tpu.memory_space<vmem>>, %arg4: memref<1x1024xf32, #tpu.memory_space<vmem>>, %arg5: memref<1024x8xi32, #tpu.memory_space<vmem>>, %arg6: memref<1024xf32, #tpu.memory_space<vmem>>) attributes {dimension_semantics = [#tpu.dimension_semantics<arbitrary>], iteration_bounds = array<i64: 8>, scalar_prefetch = 0 : i64, scratch_operands = 0 : i64, tpu.core_type = #tpu.core_type<tc>, window_params = [{transform_indices = @transform_0, window_bounds = array<i64: 1024, 256>}, {pipeline_mode = #tpu.pipeline_mode<synchronous>, transform_indices = @transform_1, window_bounds = array<i64: 32, 1024>}, {pipeline_mode = #tpu.pipeline_mode<synchronous>, transform_indices = @transform_2, window_bounds = array<i64: 1, 1024>}, {pipeline_mode = #tpu.pipeline_mode<synchronous>, transform_indices = @transform_3, window_bounds = array<i64: 1, 1024>}, {transform_indices = @transform_4, window_bounds = array<i64: 1024, 8>}, {transform_indices = @transform_5, window_bounds = array<i64: 1024>}]} {
    %get3A = arith.constant 0 : index
    %get3A_0 = arith.constant 0 : index
    %get3A_1 = vector.load %arg2[%get3A, %get3A_0] : memref<32x1024xf32, #tpu.memory_space<vmem>>, vector<32x1024xf32>
    %get3A_2 = arith.constant 0 : index
    %get3A_3 = arith.constant 0 : index
    %get3A_4 = vector.load %arg3[%get3A_2, %get3A_3] : memref<1x1024xf32, #tpu.memory_space<vmem>>, vector<1x1024xf32>
    %get3A_5 = arith.constant 0 : index
    %get3A_6 = arith.constant 0 : index
    %get3A_7 = vector.load %arg4[%get3A_5, %get3A_6] : memref<1x1024xf32, #tpu.memory_space<vmem>>, vector<1x1024xf32>
    %broadcast_in_dim3A = arith.constant 0.000000e+00 : f32
    %broadcast_in_dim3A_8 = vector.broadcast %broadcast_in_dim3A : f32 to vector<1024x1xf32>
    %get3A_9 = arith.constant 0 : index
    %get3A_10 = arith.constant 0 : index
    %get3A_11 = vector.load %arg1[%get3A_9, %get3A_10] : memref<1024x256xf32, #tpu.memory_space<vmem>>, vector<1024x32xf32>
    %dot_general3A = arith.constant dense<0.000000e+00> : vector<1024x1024xf32>
    %dot_general3A_12 = tpu.matmul %get3A_11, %get3A_1, %dot_general3A {dimension_numbers = #tpu.dot_dimension_numbers<[1], [0], [0], [1], [0, 0, 1, 1], [], []>, transpose_lhs_hint = false} : vector<1024x32xf32>, vector<32x1024xf32>, vector<1024x1024xf32> -> vector<1024x1024xf32>
    %add3A = vector.broadcast %get3A_4 : vector<1x1024xf32> to vector<1024x1024xf32>
    %add3A_13 = arith.addf %dot_general3A_12, %add3A : vector<1024x1024xf32>
    %reduce_min3A = arith.constant dense<0x7F800000> : vector<1024xf32>
    %reduce_min3A_14 = vector.multi_reduction <minimumf>, %add3A_13, %reduce_min3A [1] : vector<1024x1024xf32> to vector<1024xf32>
    %broadcast_in_dim3A_15 = vector.shape_cast %reduce_min3A_14 : vector<1024xf32> to vector<1024x1xf32>
    %eq3A = vector.broadcast %broadcast_in_dim3A_15 : vector<1024x1xf32> to vector<1024x1024xf32>
    %eq3A_16 = arith.cmpf oeq, %add3A_13, %eq3A : vector<1024x1024xf32>
    %jit3A = arith.constant 1.024000e+03 : f32
    %broadcast_in_dim3A_17 = vector.shape_cast %get3A_7 : vector<1x1024xf32> to vector<1x1024xf32>
    %broadcast_in_dim3A_18 = vector.broadcast %broadcast_in_dim3A_17 : vector<1x1024xf32> to vector<1024x1024xf32>
    %broadcast_in_dim3A_19 = vector.broadcast %jit3A : f32 to vector<1024x1024xf32>
    %select_n3A = arith.select %eq3A_16, %broadcast_in_dim3A_18, %broadcast_in_dim3A_19 : vector<1024x1024xi1>, vector<1024x1024xf32>
    %reduce_min3A_20 = arith.constant dense<0x7F800000> : vector<1024xf32>
    %reduce_min3A_21 = vector.multi_reduction <minimumf>, %select_n3A, %reduce_min3A_20 [1] : vector<1024x1024xf32> to vector<1024xf32>
    %broadcast_in_dim3A_22 = vector.shape_cast %reduce_min3A_21 : vector<1024xf32> to vector<1024x1xf32>
    %mul3A = arith.mulf %get3A_11, %get3A_11 : vector<1024x32xf32>
    %reduce_sum3A = arith.constant dense<0.000000e+00> : vector<1024xf32>
    %reduce_sum3A_23 = vector.multi_reduction <add>, %mul3A, %reduce_sum3A [1] : vector<1024x32xf32> to vector<1024xf32>
    %broadcast_in_dim3A_24 = vector.shape_cast %reduce_sum3A_23 : vector<1024xf32> to vector<1024x1xf32>
    %add3A_25 = arith.addf %broadcast_in_dim3A_24, %broadcast_in_dim3A_15 : vector<1024x1xf32>
    %add3A_26 = arith.addf %broadcast_in_dim3A_8, %add3A_25 : vector<1024x1xf32>
    %get3A_27 = arith.constant 0 : index
    %get3A_28 = arith.constant 32 : index
    %get3A_29 = vector.load %arg1[%get3A_27, %get3A_28] : memref<1024x256xf32, #tpu.memory_space<vmem>>, vector<1024x32xf32>
    %dot_general3A_30 = arith.constant dense<0.000000e+00> : vector<1024x1024xf32>
    %dot_general3A_31 = tpu.matmul %get3A_29, %get3A_1, %dot_general3A_30 {dimension_numbers = #tpu.dot_dimension_numbers<[1], [0], [0], [1], [0, 0, 1, 1], [], []>, transpose_lhs_hint = false} : vector<1024x32xf32>, vector<32x1024xf32>, vector<1024x1024xf32> -> vector<1024x1024xf32>
    %add3A_32 = vector.broadcast %get3A_4 : vector<1x1024xf32> to vector<1024x1024xf32>
    %add3A_33 = arith.addf %dot_general3A_31, %add3A_32 : vector<1024x1024xf32>
    %reduce_min3A_34 = arith.constant dense<0x7F800000> : vector<1024xf32>
    %reduce_min3A_35 = vector.multi_reduction <minimumf>, %add3A_33, %reduce_min3A_34 [1] : vector<1024x1024xf32> to vector<1024xf32>
    %broadcast_in_dim3A_36 = vector.shape_cast %reduce_min3A_35 : vector<1024xf32> to vector<1024x1xf32>
    %eq3A_37 = vector.broadcast %broadcast_in_dim3A_36 : vector<1024x1xf32> to vector<1024x1024xf32>
    %eq3A_38 = arith.cmpf oeq, %add3A_33, %eq3A_37 : vector<1024x1024xf32>
    %jit3A_39 = arith.constant 1.024000e+03 : f32
    %broadcast_in_dim3A_40 = vector.shape_cast %get3A_7 : vector<1x1024xf32> to vector<1x1024xf32>
    %broadcast_in_dim3A_41 = vector.broadcast %broadcast_in_dim3A_40 : vector<1x1024xf32> to vector<1024x1024xf32>
    %broadcast_in_dim3A_42 = vector.broadcast %jit3A_39 : f32 to vector<1024x1024xf32>
    %select_n3A_43 = arith.select %eq3A_38, %broadcast_in_dim3A_41, %broadcast_in_dim3A_42 : vector<1024x1024xi1>, vector<1024x1024xf32>
    %reduce_min3A_44 = arith.constant dense<0x7F800000> : vector<1024xf32>
    %reduce_min3A_45 = vector.multi_reduction <minimumf>, %select_n3A_43, %reduce_min3A_44 [1] : vector<1024x1024xf32> to vector<1024xf32>
    %broadcast_in_dim3A_46 = vector.shape_cast %reduce_min3A_45 : vector<1024xf32> to vector<1024x1xf32>
    %mul3A_47 = arith.mulf %get3A_29, %get3A_29 : vector<1024x32xf32>
    %reduce_sum3A_48 = arith.constant dense<0.000000e+00> : vector<1024xf32>
    %reduce_sum3A_49 = vector.multi_reduction <add>, %mul3A_47, %reduce_sum3A_48 [1] : vector<1024x32xf32> to vector<1024xf32>
    %broadcast_in_dim3A_50 = vector.shape_cast %reduce_sum3A_49 : vector<1024xf32> to vector<1024x1xf32>
    %add3A_51 = arith.addf %broadcast_in_dim3A_50, %broadcast_in_dim3A_36 : vector<1024x1xf32>
    %add3A_52 = arith.addf %add3A_26, %add3A_51 : vector<1024x1xf32>
    %get3A_53 = arith.constant 0 : index
    %get3A_54 = arith.constant 64 : index
    %get3A_55 = vector.load %arg1[%get3A_53, %get3A_54] : memref<1024x256xf32, #tpu.memory_space<vmem>>, vector<1024x32xf32>
    %dot_general3A_56 = arith.constant dense<0.000000e+00> : vector<1024x1024xf32>
    %dot_general3A_57 = tpu.matmul %get3A_55, %get3A_1, %dot_general3A_56 {dimension_numbers = #tpu.dot_dimension_numbers<[1], [0], [0], [1], [0, 0, 1, 1], [], []>, transpose_lhs_hint = false} : vector<1024x32xf32>, vector<32x1024xf32>, vector<1024x1024xf32> -> vector<1024x1024xf32>
    %add3A_58 = vector.broadcast %get3A_4 : vector<1x1024xf32> to vector<1024x1024xf32>
    %add3A_59 = arith.addf %dot_general3A_57, %add3A_58 : vector<1024x1024xf32>
    %reduce_min3A_60 = arith.constant dense<0x7F800000> : vector<1024xf32>
    %reduce_min3A_61 = vector.multi_reduction <minimumf>, %add3A_59, %reduce_min3A_60 [1] : vector<1024x1024xf32> to vector<1024xf32>
    %broadcast_in_dim3A_62 = vector.shape_cast %reduce_min3A_61 : vector<1024xf32> to vector<1024x1xf32>
    %eq3A_63 = vector.broadcast %broadcast_in_dim3A_62 : vector<1024x1xf32> to vector<1024x1024xf32>
    %eq3A_64 = arith.cmpf oeq, %add3A_59, %eq3A_63 : vector<1024x1024xf32>
    %jit3A_65 = arith.constant 1.024000e+03 : f32
    %broadcast_in_dim3A_66 = vector.shape_cast %get3A_7 : vector<1x1024xf32> to vector<1x1024xf32>
    %broadcast_in_dim3A_67 = vector.broadcast %broadcast_in_dim3A_66 : vector<1x1024xf32> to vector<1024x1024xf32>
    %broadcast_in_dim3A_68 = vector.broadcast %jit3A_65 : f32 to vector<1024x1024xf32>
    %select_n3A_69 = arith.select %eq3A_64, %broadcast_in_dim3A_67, %broadcast_in_dim3A_68 : vector<1024x1024xi1>, vector<1024x1024xf32>
    %reduce_min3A_70 = arith.constant dense<0x7F800000> : vector<1024xf32>
    %reduce_min3A_71 = vector.multi_reduction <minimumf>, %select_n3A_69, %reduce_min3A_70 [1] : vector<1024x1024xf32> to vector<1024xf32>
    %broadcast_in_dim3A_72 = vector.shape_cast %reduce_min3A_71 : vector<1024xf32> to vector<1024x1xf32>
    %mul3A_73 = arith.mulf %get3A_55, %get3A_55 : vector<1024x32xf32>
    %reduce_sum3A_74 = arith.constant dense<0.000000e+00> : vector<1024xf32>
    %reduce_sum3A_75 = vector.multi_reduction <add>, %mul3A_73, %reduce_sum3A_74 [1] : vector<1024x32xf32> to vector<1024xf32>
    %broadcast_in_dim3A_76 = vector.shape_cast %reduce_sum3A_75 : vector<1024xf32> to vector<1024x1xf32>
    %add3A_77 = arith.addf %broadcast_in_dim3A_76, %broadcast_in_dim3A_62 : vector<1024x1xf32>
    %add3A_78 = arith.addf %add3A_52, %add3A_77 : vector<1024x1xf32>
    %get3A_79 = arith.constant 0 : index
    %get3A_80 = arith.constant 96 : index
    %get3A_81 = vector.load %arg1[%get3A_79, %get3A_80] : memref<1024x256xf32, #tpu.memory_space<vmem>>, vector<1024x32xf32>
    %dot_general3A_82 = arith.constant dense<0.000000e+00> : vector<1024x1024xf32>
    %dot_general3A_83 = tpu.matmul %get3A_81, %get3A_1, %dot_general3A_82 {dimension_numbers = #tpu.dot_dimension_numbers<[1], [0], [0], [1], [0, 0, 1, 1], [], []>, transpose_lhs_hint = false} : vector<1024x32xf32>, vector<32x1024xf32>, vector<1024x1024xf32> -> vector<1024x1024xf32>
    %add3A_84 = vector.broadcast %get3A_4 : vector<1x1024xf32> to vector<1024x1024xf32>
    %add3A_85 = arith.addf %dot_general3A_83, %add3A_84 : vector<1024x1024xf32>
    %reduce_min3A_86 = arith.constant dense<0x7F800000> : vector<1024xf32>
    %reduce_min3A_87 = vector.multi_reduction <minimumf>, %add3A_85, %reduce_min3A_86 [1] : vector<1024x1024xf32> to vector<1024xf32>
    %broadcast_in_dim3A_88 = vector.shape_cast %reduce_min3A_87 : vector<1024xf32> to vector<1024x1xf32>
    %eq3A_89 = vector.broadcast %broadcast_in_dim3A_88 : vector<1024x1xf32> to vector<1024x1024xf32>
    %eq3A_90 = arith.cmpf oeq, %add3A_85, %eq3A_89 : vector<1024x1024xf32>
    %jit3A_91 = arith.constant 1.024000e+03 : f32
    %broadcast_in_dim3A_92 = vector.shape_cast %get3A_7 : vector<1x1024xf32> to vector<1x1024xf32>
    %broadcast_in_dim3A_93 = vector.broadcast %broadcast_in_dim3A_92 : vector<1x1024xf32> to vector<1024x1024xf32>
    %broadcast_in_dim3A_94 = vector.broadcast %jit3A_91 : f32 to vector<1024x1024xf32>
    %select_n3A_95 = arith.select %eq3A_90, %broadcast_in_dim3A_93, %broadcast_in_dim3A_94 : vector<1024x1024xi1>, vector<1024x1024xf32>
    %reduce_min3A_96 = arith.constant dense<0x7F800000> : vector<1024xf32>
    %reduce_min3A_97 = vector.multi_reduction <minimumf>, %select_n3A_95, %reduce_min3A_96 [1] : vector<1024x1024xf32> to vector<1024xf32>
    %broadcast_in_dim3A_98 = vector.shape_cast %reduce_min3A_97 : vector<1024xf32> to vector<1024x1xf32>
    %mul3A_99 = arith.mulf %get3A_81, %get3A_81 : vector<1024x32xf32>
    %reduce_sum3A_100 = arith.constant dense<0.000000e+00> : vector<1024xf32>
    %reduce_sum3A_101 = vector.multi_reduction <add>, %mul3A_99, %reduce_sum3A_100 [1] : vector<1024x32xf32> to vector<1024xf32>
    %broadcast_in_dim3A_102 = vector.shape_cast %reduce_sum3A_101 : vector<1024xf32> to vector<1024x1xf32>
    %add3A_103 = arith.addf %broadcast_in_dim3A_102, %broadcast_in_dim3A_88 : vector<1024x1xf32>
    %add3A_104 = arith.addf %add3A_78, %add3A_103 : vector<1024x1xf32>
    %get3A_105 = arith.constant 0 : index
    %get3A_106 = arith.constant 128 : index
    %get3A_107 = vector.load %arg1[%get3A_105, %get3A_106] : memref<1024x256xf32, #tpu.memory_space<vmem>>, vector<1024x32xf32>
    %dot_general3A_108 = arith.constant dense<0.000000e+00> : vector<1024x1024xf32>
    %dot_general3A_109 = tpu.matmul %get3A_107, %get3A_1, %dot_general3A_108 {dimension_numbers = #tpu.dot_dimension_numbers<[1], [0], [0], [1], [0, 0, 1, 1], [], []>, transpose_lhs_hint = false} : vector<1024x32xf32>, vector<32x1024xf32>, vector<1024x1024xf32> -> vector<1024x1024xf32>
    %add3A_110 = vector.broadcast %get3A_4 : vector<1x1024xf32> to vector<1024x1024xf32>
    %add3A_111 = arith.addf %dot_general3A_109, %add3A_110 : vector<1024x1024xf32>
    %reduce_min3A_112 = arith.constant dense<0x7F800000> : vector<1024xf32>
    %reduce_min3A_113 = vector.multi_reduction <minimumf>, %add3A_111, %reduce_min3A_112 [1] : vector<1024x1024xf32> to vector<1024xf32>
    %broadcast_in_dim3A_114 = vector.shape_cast %reduce_min3A_113 : vector<1024xf32> to vector<1024x1xf32>
    %eq3A_115 = vector.broadcast %broadcast_in_dim3A_114 : vector<1024x1xf32> to vector<1024x1024xf32>
    %eq3A_116 = arith.cmpf oeq, %add3A_111, %eq3A_115 : vector<1024x1024xf32>
    %jit3A_117 = arith.constant 1.024000e+03 : f32
    %broadcast_in_dim3A_118 = vector.shape_cast %get3A_7 : vector<1x1024xf32> to vector<1x1024xf32>
    %broadcast_in_dim3A_119 = vector.broadcast %broadcast_in_dim3A_118 : vector<1x1024xf32> to vector<1024x1024xf32>
    %broadcast_in_dim3A_120 = vector.broadcast %jit3A_117 : f32 to vector<1024x1024xf32>
    %select_n3A_121 = arith.select %eq3A_116, %broadcast_in_dim3A_119, %broadcast_in_dim3A_120 : vector<1024x1024xi1>, vector<1024x1024xf32>
    %reduce_min3A_122 = arith.constant dense<0x7F800000> : vector<1024xf32>
    %reduce_min3A_123 = vector.multi_reduction <minimumf>, %select_n3A_121, %reduce_min3A_122 [1] : vector<1024x1024xf32> to vector<1024xf32>
    %broadcast_in_dim3A_124 = vector.shape_cast %reduce_min3A_123 : vector<1024xf32> to vector<1024x1xf32>
    %mul3A_125 = arith.mulf %get3A_107, %get3A_107 : vector<1024x32xf32>
    %reduce_sum3A_126 = arith.constant dense<0.000000e+00> : vector<1024xf32>
    %reduce_sum3A_127 = vector.multi_reduction <add>, %mul3A_125, %reduce_sum3A_126 [1] : vector<1024x32xf32> to vector<1024xf32>
    %broadcast_in_dim3A_128 = vector.shape_cast %reduce_sum3A_127 : vector<1024xf32> to vector<1024x1xf32>
    %add3A_129 = arith.addf %broadcast_in_dim3A_128, %broadcast_in_dim3A_114 : vector<1024x1xf32>
    %add3A_130 = arith.addf %add3A_104, %add3A_129 : vector<1024x1xf32>
    %get3A_131 = arith.constant 0 : index
    %get3A_132 = arith.constant 160 : index
    %get3A_133 = vector.load %arg1[%get3A_131, %get3A_132] : memref<1024x256xf32, #tpu.memory_space<vmem>>, vector<1024x32xf32>
    %dot_general3A_134 = arith.constant dense<0.000000e+00> : vector<1024x1024xf32>
    %dot_general3A_135 = tpu.matmul %get3A_133, %get3A_1, %dot_general3A_134 {dimension_numbers = #tpu.dot_dimension_numbers<[1], [0], [0], [1], [0, 0, 1, 1], [], []>, transpose_lhs_hint = false} : vector<1024x32xf32>, vector<32x1024xf32>, vector<1024x1024xf32> -> vector<1024x1024xf32>
    %add3A_136 = vector.broadcast %get3A_4 : vector<1x1024xf32> to vector<1024x1024xf32>
    %add3A_137 = arith.addf %dot_general3A_135, %add3A_136 : vector<1024x1024xf32>
    %reduce_min3A_138 = arith.constant dense<0x7F800000> : vector<1024xf32>
    %reduce_min3A_139 = vector.multi_reduction <minimumf>, %add3A_137, %reduce_min3A_138 [1] : vector<1024x1024xf32> to vector<1024xf32>
    %broadcast_in_dim3A_140 = vector.shape_cast %reduce_min3A_139 : vector<1024xf32> to vector<1024x1xf32>
    %eq3A_141 = vector.broadcast %broadcast_in_dim3A_140 : vector<1024x1xf32> to vector<1024x1024xf32>
    %eq3A_142 = arith.cmpf oeq, %add3A_137, %eq3A_141 : vector<1024x1024xf32>
    %jit3A_143 = arith.constant 1.024000e+03 : f32
    %broadcast_in_dim3A_144 = vector.shape_cast %get3A_7 : vector<1x1024xf32> to vector<1x1024xf32>
    %broadcast_in_dim3A_145 = vector.broadcast %broadcast_in_dim3A_144 : vector<1x1024xf32> to vector<1024x1024xf32>
    %broadcast_in_dim3A_146 = vector.broadcast %jit3A_143 : f32 to vector<1024x1024xf32>
    %select_n3A_147 = arith.select %eq3A_142, %broadcast_in_dim3A_145, %broadcast_in_dim3A_146 : vector<1024x1024xi1>, vector<1024x1024xf32>
    %reduce_min3A_148 = arith.constant dense<0x7F800000> : vector<1024xf32>
    %reduce_min3A_149 = vector.multi_reduction <minimumf>, %select_n3A_147, %reduce_min3A_148 [1] : vector<1024x1024xf32> to vector<1024xf32>
    %broadcast_in_dim3A_150 = vector.shape_cast %reduce_min3A_149 : vector<1024xf32> to vector<1024x1xf32>
    %mul3A_151 = arith.mulf %get3A_133, %get3A_133 : vector<1024x32xf32>
    %reduce_sum3A_152 = arith.constant dense<0.000000e+00> : vector<1024xf32>
    %reduce_sum3A_153 = vector.multi_reduction <add>, %mul3A_151, %reduce_sum3A_152 [1] : vector<1024x32xf32> to vector<1024xf32>
    %broadcast_in_dim3A_154 = vector.shape_cast %reduce_sum3A_153 : vector<1024xf32> to vector<1024x1xf32>
    %add3A_155 = arith.addf %broadcast_in_dim3A_154, %broadcast_in_dim3A_140 : vector<1024x1xf32>
    %add3A_156 = arith.addf %add3A_130, %add3A_155 : vector<1024x1xf32>
    %get3A_157 = arith.constant 0 : index
    %get3A_158 = arith.constant 192 : index
    %get3A_159 = vector.load %arg1[%get3A_157, %get3A_158] : memref<1024x256xf32, #tpu.memory_space<vmem>>, vector<1024x32xf32>
    %dot_general3A_160 = arith.constant dense<0.000000e+00> : vector<1024x1024xf32>
    %dot_general3A_161 = tpu.matmul %get3A_159, %get3A_1, %dot_general3A_160 {dimension_numbers = #tpu.dot_dimension_numbers<[1], [0], [0], [1], [0, 0, 1, 1], [], []>, transpose_lhs_hint = false} : vector<1024x32xf32>, vector<32x1024xf32>, vector<1024x1024xf32> -> vector<1024x1024xf32>
    %add3A_162 = vector.broadcast %get3A_4 : vector<1x1024xf32> to vector<1024x1024xf32>
    %add3A_163 = arith.addf %dot_general3A_161, %add3A_162 : vector<1024x1024xf32>
    %reduce_min3A_164 = arith.constant dense<0x7F800000> : vector<1024xf32>
    %reduce_min3A_165 = vector.multi_reduction <minimumf>, %add3A_163, %reduce_min3A_164 [1] : vector<1024x1024xf32> to vector<1024xf32>
    %broadcast_in_dim3A_166 = vector.shape_cast %reduce_min3A_165 : vector<1024xf32> to vector<1024x1xf32>
    %eq3A_167 = vector.broadcast %broadcast_in_dim3A_166 : vector<1024x1xf32> to vector<1024x1024xf32>
    %eq3A_168 = arith.cmpf oeq, %add3A_163, %eq3A_167 : vector<1024x1024xf32>
    %jit3A_169 = arith.constant 1.024000e+03 : f32
    %broadcast_in_dim3A_170 = vector.shape_cast %get3A_7 : vector<1x1024xf32> to vector<1x1024xf32>
    %broadcast_in_dim3A_171 = vector.broadcast %broadcast_in_dim3A_170 : vector<1x1024xf32> to vector<1024x1024xf32>
    %broadcast_in_dim3A_172 = vector.broadcast %jit3A_169 : f32 to vector<1024x1024xf32>
    %select_n3A_173 = arith.select %eq3A_168, %broadcast_in_dim3A_171, %broadcast_in_dim3A_172 : vector<1024x1024xi1>, vector<1024x1024xf32>
    %reduce_min3A_174 = arith.constant dense<0x7F800000> : vector<1024xf32>
    %reduce_min3A_175 = vector.multi_reduction <minimumf>, %select_n3A_173, %reduce_min3A_174 [1] : vector<1024x1024xf32> to vector<1024xf32>
    %broadcast_in_dim3A_176 = vector.shape_cast %reduce_min3A_175 : vector<1024xf32> to vector<1024x1xf32>
    %mul3A_177 = arith.mulf %get3A_159, %get3A_159 : vector<1024x32xf32>
    %reduce_sum3A_178 = arith.constant dense<0.000000e+00> : vector<1024xf32>
    %reduce_sum3A_179 = vector.multi_reduction <add>, %mul3A_177, %reduce_sum3A_178 [1] : vector<1024x32xf32> to vector<1024xf32>
    %broadcast_in_dim3A_180 = vector.shape_cast %reduce_sum3A_179 : vector<1024xf32> to vector<1024x1xf32>
    %add3A_181 = arith.addf %broadcast_in_dim3A_180, %broadcast_in_dim3A_166 : vector<1024x1xf32>
    %add3A_182 = arith.addf %add3A_156, %add3A_181 : vector<1024x1xf32>
    %get3A_183 = arith.constant 0 : index
    %get3A_184 = arith.constant 224 : index
    %get3A_185 = vector.load %arg1[%get3A_183, %get3A_184] : memref<1024x256xf32, #tpu.memory_space<vmem>>, vector<1024x32xf32>
    %dot_general3A_186 = arith.constant dense<0.000000e+00> : vector<1024x1024xf32>
    %dot_general3A_187 = tpu.matmul %get3A_185, %get3A_1, %dot_general3A_186 {dimension_numbers = #tpu.dot_dimension_numbers<[1], [0], [0], [1], [0, 0, 1, 1], [], []>, transpose_lhs_hint = false} : vector<1024x32xf32>, vector<32x1024xf32>, vector<1024x1024xf32> -> vector<1024x1024xf32>
    %add3A_188 = vector.broadcast %get3A_4 : vector<1x1024xf32> to vector<1024x1024xf32>
    %add3A_189 = arith.addf %dot_general3A_187, %add3A_188 : vector<1024x1024xf32>
    %reduce_min3A_190 = arith.constant dense<0x7F800000> : vector<1024xf32>
    %reduce_min3A_191 = vector.multi_reduction <minimumf>, %add3A_189, %reduce_min3A_190 [1] : vector<1024x1024xf32> to vector<1024xf32>
    %broadcast_in_dim3A_192 = vector.shape_cast %reduce_min3A_191 : vector<1024xf32> to vector<1024x1xf32>
    %eq3A_193 = vector.broadcast %broadcast_in_dim3A_192 : vector<1024x1xf32> to vector<1024x1024xf32>
    %eq3A_194 = arith.cmpf oeq, %add3A_189, %eq3A_193 : vector<1024x1024xf32>
    %jit3A_195 = arith.constant 1.024000e+03 : f32
    %broadcast_in_dim3A_196 = vector.shape_cast %get3A_7 : vector<1x1024xf32> to vector<1x1024xf32>
    %broadcast_in_dim3A_197 = vector.broadcast %broadcast_in_dim3A_196 : vector<1x1024xf32> to vector<1024x1024xf32>
    %broadcast_in_dim3A_198 = vector.broadcast %jit3A_195 : f32 to vector<1024x1024xf32>
    %select_n3A_199 = arith.select %eq3A_194, %broadcast_in_dim3A_197, %broadcast_in_dim3A_198 : vector<1024x1024xi1>, vector<1024x1024xf32>
    %reduce_min3A_200 = arith.constant dense<0x7F800000> : vector<1024xf32>
    %reduce_min3A_201 = vector.multi_reduction <minimumf>, %select_n3A_199, %reduce_min3A_200 [1] : vector<1024x1024xf32> to vector<1024xf32>
    %broadcast_in_dim3A_202 = vector.shape_cast %reduce_min3A_201 : vector<1024xf32> to vector<1024x1xf32>
    %mul3A_203 = arith.mulf %get3A_185, %get3A_185 : vector<1024x32xf32>
    %reduce_sum3A_204 = arith.constant dense<0.000000e+00> : vector<1024xf32>
    %reduce_sum3A_205 = vector.multi_reduction <add>, %mul3A_203, %reduce_sum3A_204 [1] : vector<1024x32xf32> to vector<1024xf32>
    %broadcast_in_dim3A_206 = vector.shape_cast %reduce_sum3A_205 : vector<1024xf32> to vector<1024x1xf32>
    %add3A_207 = arith.addf %broadcast_in_dim3A_206, %broadcast_in_dim3A_192 : vector<1024x1xf32>
    %add3A_208 = arith.addf %add3A_182, %add3A_207 : vector<1024x1xf32>
    %concatenate3A = tpu.concatenate %broadcast_in_dim3A_22, %broadcast_in_dim3A_46, %broadcast_in_dim3A_72, %broadcast_in_dim3A_98, %broadcast_in_dim3A_124, %broadcast_in_dim3A_150, %broadcast_in_dim3A_176, %broadcast_in_dim3A_202 in 1 : vector<1024x1xf32>, vector<1024x1xf32>, vector<1024x1xf32>, vector<1024x1xf32>, vector<1024x1xf32>, vector<1024x1xf32>, vector<1024x1xf32>, vector<1024x1xf32> -> vector<1024x8xf32>
    %convert_element_type3A = arith.fptosi %concatenate3A : vector<1024x8xf32> to vector<1024x8xi32>
    %swap3A = arith.constant 0 : index
    %swap3A_209 = arith.constant 0 : index
    %swap3A_210 = vector.load %arg5[%swap3A, %swap3A_209] : memref<1024x8xi32, #tpu.memory_space<vmem>>, vector<1024x8xi32>
    tpu.vector_store %arg5[%swap3A, %swap3A_209], %convert_element_type3A {strides = array<i32>} : memref<1024x8xi32, #tpu.memory_space<vmem>>, vector<1024x8xi32>,
    %mul3A_211 = arith.constant 1.562500e-01 : f32
    %mul3A_212 = vector.broadcast %mul3A_211 : f32 to vector<1024x1xf32>
    %mul3A_213 = arith.mulf %mul3A_212, %add3A_208 : vector<1024x1xf32>
    %reshape3A = vector.shape_cast %mul3A_213 : vector<1024x1xf32> to vector<1024xf32>
    %swap3A_214 = arith.constant 0 : index
    %swap3A_215 = vector.load %arg6[%swap3A_214] : memref<1024xf32, #tpu.memory_space<vmem>>, vector<1024xf32>
    tpu.vector_store %arg6[%swap3A_214], %reshape3A {strides = array<i32>} : memref<1024xf32, #tpu.memory_space<vmem>>, vector<1024xf32>,
    return
  }
  func.func @transform_0(%arg0: i32) -> (i32, i32) {
    %add3A = arith.constant 8 : i32
    %add3A_0 = arith.addi %arg0, %add3A : i32
    %c0_i32 = arith.constant 0 : i32
    %c0_i32_1 = arith.constant 0 : i32
    return %add3A_0, %c0_i32 : i32, i32
  }
  func.func @transform_1(%arg0: i32) -> (i32, i32) {
    %c0_i32 = arith.constant 0 : i32
    %c0_i32_0 = arith.constant 0 : i32
    %c0_i32_1 = arith.constant 0 : i32
    return %c0_i32, %c0_i32_0 : i32, i32
  }
  func.func @transform_2(%arg0: i32) -> (i32, i32) {
    %c0_i32 = arith.constant 0 : i32
    %c0_i32_0 = arith.constant 0 : i32
    %c0_i32_1 = arith.constant 0 : i32
    return %c0_i32, %c0_i32_0 : i32, i32
  }
  func.func @transform_3(%arg0: i32) -> (i32, i32) {
    %c0_i32 = arith.constant 0 : i32
    %c0_i32_0 = arith.constant 0 : i32
    %c0_i32_1 = arith.constant 0 : i32
    return %c0_i32, %c0_i32_0 : i32, i32
  }
  func.func @transform_4(%arg0: i32) -> (i32, i32) {
    %c0_i32 = arith.constant 0 : i32
    %c0_i32_0 = arith.constant 0 : i32
    return %arg0, %c0_i32 : i32, i32
  }
  func.func @transform_5(%arg0: i32) -> i32 {
    %c0_i32 = arith.constant 0 : i32
    return %arg0 : i32
  }
}

</mosaic_0001>

<sc_bundles>
// kernel: kernel.6.cloned.1.call-start
scs
__scs_entry_jumppad:
0x0: {  	(pc) =	sbr.rel $0x88, $3  }
0x1: {  	(tag) =	ssettag $0x0;
	lr =	simm.s32 $0x1  }
0x2: {  	[smem:$0x3F9F] =	sst lr;
	_ =	strace $0xD0000000  }
0x3: {  	_ = 	snop  }
0x4: {  	_ = 	snop  }
0x5: {  	_ = 	snop  }
0x6: {  	_ = 	snop  }
0x7: {  	_ = 	snop  }
__scs_overlays_trampoline_lowered:
0x8: {  	[smem:$0x3FAE] =	sst s0  }
0x9: {  	[smem:$0x3FAF] =	sst s1  }
0xa: {  	[smem:$0x3FB0] =	sst s2  }
0xb: {  	[smem:$0x3FB1] =	sst s3  }
0xc: {  	[smem:$0x3FB2] =	sst s4  }
0xd: {  	[smem:$0x3FB3] =	sst s5  }
0xe: {  	[smem:$0x3FB4] =	sst s6  }
0xf: {  	[smem:$0x3FB5] =	sst s7  }
0x10: {  	[smem:$0x3FB6] =	sst s8  }
0x11: {  	[smem:$0x3FB7] =	sst s9;
	s0 =	simm.s32 @!p0 $0x0  }
0x12: {  	s1 =	sld [smem:$0x3F9D];
	s0 =	simm.s32 @p0 $0x1  }
0x13: {  	[smem:$0x3FB8] =	sst s0;
	s0 =	simm.s32 @!p1 $0x0  }
0x14: {  	s2 =	sld [smem:$0x3F9C];
	s0 =	simm.s32 @p1 $0x1  }
0x15: {  	[smem:$0x3FB9] =	sst s0;
	s0 =	simm.s32 @!p2 $0x0  }
0x16: {  	s3 =	sld [smem:$0x3FDB];
	s0 =	simm.s32 @p2 $0x1  }
0x17: {  	s4 =	simm.s32 $0x1BF5;
	[smem:$0x3FBB] =	sst s0  }
0x18: {  	s0 =	sld [smem:$0x3F9E];
	_ =	swait.ge [sflag:s4], $0x0  }
0x19: {  	s7 =	sld [smem:$0x3F9F]  }
0x1a: {  	s8 =	sadd.s32 $0xFFFFE003, lr  }
0x1b: {  	s9 =	sadd.s32 $0xFFFFFEF7, lr;
	s5 =	simm.s32 $0xFFFFFFFF;
	p2 =	slt.u32 s8, $0xFFFFF086  }
0x1c: {  	p1 =	slt.u32 s9, $0xF7A;
	s5 =	simm.s32 @!p2 $0x0  }
0x1d: {  	s5 =	simm.s32 @p1 $0x1;
	p0 =	seq.s32 s7, s2  }
0x1e: {  	s7 =	smul.u32 @!p0 $0xF7A, s2;
	p2 =	seq.s32 @!p0 s5, $0x0  }
0x1f: {  	s9 =	smul.u32 $0xF7A, s1;
	s8 =	simm.s32 @!p0 $0x1BF5;
	p2 =	por !p2, p0  }
0x20: {  	[sflag:s8] =	ssyncset.s32 @!p0 $0xFFFFF086;
	s6 =	sadd.s32 @!p0 s3, s7;
	s7 =	simm.s32 @!p0 $0x108  }
0x21: {  	s3 =	sadd.s32 s3, s9;
	s6 =	sadd.s32 @!p0 $0x88, s6;
	s7 =	simm.s32 @p2 $0x1082  }
0x22: {  	[simem:s7], [sflag:s8] =	dma.local @!p0 [hbm:s6], $0xF7A  }
0x23: {  	s9 =	sor.u32 $0xD0000000, s2;
	s6 =	simm.s32 $0x108;
	_ =	swait.ge @!p0 [sflag:s8], $0x0  }
0x24: {  	s3 =	sadd.s32 $0x88, s3;
	s6 =	simm.s32 @!p1 $0x1082;
	[sflag:s4] =	ssyncset.s32 $0xFFFFF086  }
0x25: {  	[simem:s6], [sflag:s4] =	dma.local [hbm:s3], $0xF7A  }
0x26: {  	[smem:$0x3F9F] =	sst s1;
	(tag) =	ssettag s2;
	_ =	strace s9  }
0x27: {  	s1 =	sld [smem:$0x3FAF]  }
0x28: {  	s2 =	sld [smem:$0x3FB0]  }
0x29: {  	s4 =	sld [smem:$0x3FB2]  }
0x2a: {  	p0 =	seq.s32 s5, $0x0;
	s5 =	sld [smem:$0x3FB3]  }
0x2b: {  	s6 =	sld [smem:$0x3FB4]  }
0x2c: {  	s7 =	sld [smem:$0x3FB5]  }
0x2d: {  	s3 =	simm.s32 $0x108;
	s8 =	sld [smem:$0x3FB6]  }
0x2e: {  	s3 =	simm.s32 @!p0 $0x1082;
	s9 =	sld [smem:$0x3FB7]  }
0x2f: {  	lr =	sadd.s32 s0, s3;
	s0 =	sld [smem:$0x3FAE]  }
0x30: {  	s3 =	sld [smem:$0x3FB1]  }
0x31: {  	[smem:$0x3FBA] =	sst s10  }
0x32: {  	s10 =	sld [smem:$0x3FB8];
	_ =	sdelay $0x3  }
0x33: {  	p0 =	seq.s32 s10, $0x1;
	s10 =	sld [smem:$0x3FBA];
	_ =	sdelay $0x3  }
0x34: {  	[smem:$0x3FBA] =	sst s10  }
0x35: {  	s10 =	sld [smem:$0x3FB9];
	_ =	sdelay $0x3  }
0x36: {  	p1 =	seq.s32 s10, $0x1;
	s10 =	sld [smem:$0x3FBA];
	_ =	sdelay $0x3  }
0x37: {  	[smem:$0x3FBA] =	sst s10  }
0x38: {  	s10 =	sld [smem:$0x3FBB]  }
0x39: {  	_ = 	snop;
	(pc) =	sbr.ind lr, $3  }
0x3a: {  	_ = 	snop  }
0x3b: {  	_ = 	snop  }
0x3c: {  	p2 =	seq.s32 s10, $0x1;
	s10 =	sld [smem:$0x3FBA]  }
0x3d: {  	_ =	shalt  }
0x3e: {  	_ =	shalt  }
0x3f: {  	_ =	shalt  }
0x40: {  	_ =	shalt  }
0x41: {  	_ =	shalt  }
0x42: {  	_ =	shalt  }
0x43: {  	_ =	shalt  }
0x44: {  	_ =	shalt  }
0x45: {  	_ =	shalt  }
0x46: {  	_ =	shalt  }
0x47: {  	_ =	shalt  }
0x48: {  	_ =	shalt  }
0x49: {  	_ =	shalt  }
0x4a: {  	_ =	shalt  }
0x4b: {  	_ =	shalt  }
0x4c: {  	_ =	shalt  }
0x4d: {  	_ =	shalt  }
0x4e: {  	_ =	shalt  }
0x4f: {  	_ =	shalt  }
0x50: {  	_ =	shalt  }
0x51: {  	_ =	shalt  }
0x52: {  	_ =	shalt  }
0x53: {  	_ =	shalt  }
0x54: {  	_ =	shalt  }
0x55: {  	_ =	shalt  }
0x56: {  	_ =	shalt  }
0x57: {  	_ =	shalt  }
0x58: {  	_ =	shalt  }
0x59: {  	_ =	shalt  }
0x5a: {  	_ =	shalt  }
0x5b: {  	_ =	shalt  }
0x5c: {  	_ =	shalt  }
0x5d: {  	_ =	shalt  }
0x5e: {  	_ =	shalt  }
0x5f: {  	_ =	shalt  }
0x60: {  	_ =	shalt  }
0x61: {  	_ =	shalt  }
0x62: {  	_ =	shalt  }
0x63: {  	_ =	shalt  }
0x64: {  	_ =	shalt  }
0x65: {  	_ =	shalt  }
0x66: {  	_ =	shalt  }
0x67: {  	_ =	shalt  }
0x68: {  	_ =	shalt  }
0x69: {  	_ =	shalt  }
0x6a: {  	_ =	shalt  }
0x6b: {  	_ =	shalt  }
0x6c: {  	_ =	shalt  }
0x6d: {  	_ =	shalt  }
0x6e: {  	_ =	shalt  }
0x6f: {  	_ =	shalt  }
0x70: {  	_ =	shalt  }
0x71: {  	_ =	shalt  }
0x72: {  	_ =	shalt  }
0x73: {  	_ =	shalt  }
0x74: {  	_ =	shalt  }
0x75: {  	_ =	shalt  }
0x76: {  	_ =	shalt  }
0x77: {  	_ =	shalt  }
0x78: {  	_ =	shalt  }
0x79: {  	_ =	shalt  }
0x7a: {  	_ =	shalt  }
0x7b: {  	_ =	shalt  }
0x7c: {  	_ =	shalt  }
0x7d: {  	_ =	shalt  }
0x7e: {  	_ =	shalt  }
0x7f: {  	_ =	shalt  }
0x80: {  	_ =	shalt  }
0x81: {  	_ =	shalt  }
0x82: {  	_ =	shalt  }
0x83: {  	_ =	shalt  }
0x84: {  	_ =	shalt  }
0x85: {  	_ =	shalt  }
0x86: {  	_ =	shalt  }
0x87: {  	_ =	shalt  }
.Lfunc_end0:
.L_simem_size_0:
called_computation_lowered:
.L_overlay_start_0:
0x88: {  	s2 =	sld [smem:$0x3FD9]  }
0x89: {  	s3 =	sld [smem:$0x3FFE];
	_ =	sdelay $0x1  }
0x8a: {  	s1 =	srdreg.scid  }
0x8b: {  	s0 =	sand.u32 $0x1, s1  }
0x8c: {  	s16 =	sshll.u32 s0, $0xA;
	s2 =	sadd.s32 s3, s2  }
0x8d: {  	s2 =	sadd.s32 s2, s16  }
0x8e: {  	[smem:$0x3FC6] =	sst s2  }
0x8f: {  	_ = 	snop  }
0x90: {  	(tm) =	ssettm $0x1  }
0x91: {  	s17 =	sld [smem:$0x3FFB];
	_ =	sdelay $0x3  }
0x92: {  	_ =	strace s17  }
0x93: {  	s2 =	sld [smem:$0x3FFC];
	_ =	sdelay $0x3  }
0x94: {  	_ =	strace s2  }
0x95: {  	s2 =	sld [smem:$0x3FFD];
	_ =	sdelay $0x3  }
0x96: {  	_ =	strace s2  }
0x97: {  	_ =	strace $0x8FFFFFFF  }
0x98: {  	s18 =	sld [smem:$0x3FDB];
	_ =	sdelay $0x1  }
0x99: {  	s19 =	simm.s32 $_scs_section_size  }
0x9a: {  	s4 =	simm.s32 $_size__tile_overlayer_lowered;
	s5 =	simm.s32 $_tile_overlayer_lowered  }
0x9b: {  	s22 =	simm.s32 $0x1BFF;
	s21 =	sshll.u32 s5, $0x1;
	s2 =	sadd.s32 s19, s18  }
0x9c: {  	s6 =	simm.s32 $0x0;
	s20 =	sshll.u32 s4, $0x1;
	s4 =	sadd.s32 s21, s2  }
0x9d: {  	[timem:s6], [sflag:s22] =	dma.local [hbm:s4], s20  }
0x9e: {  	_ =	swait.ge [sflag:s22], s20  }
0x9f: {  	s3 =	ssub.s32 $0x0, s20;
	[sflag:s22] =	ssyncset.done $0x0  }
0xa0: {  	[sflag:s22] =	ssyncadd.s32 s3;
	_ =	sdelay $0x1  }
0xa1: {  	s23 =	simm.s32 $0x1B8B  }
0xa2: {  	_ =	swait.ge [sflag:s23], $0x1  }
0xa3: {  	[sflag:s23] =	ssyncset.done $0x0  }
0xa4: {  	s25 =	simm.s32 $0x1B8E;
	s24 =	sld [smem:$0x3FFE];
	[sflag:s23] =	ssyncadd.s32 $0xFFFFFFFF  }
0xa5: {  	s26 =	simm.s32 $execute0_lowered;
	[smem:$0x3FD2] =	sst s25  }
0xa6: {  	s4 =	sshll.u32 s26, $0x1;
	_ =	strace $0x80000046;
	[dreg:$0x1] =	wrdreg $0xFFFFFFFF  }
0xa7: {  	s28 =	simm.s32 $_size_execute0_lowered;
	s2 =	sadd.s32 s2, s4;
	[dreg:$0x0] =	wrdreg $0x0  }
0xa8: {  	s4 =	sshll.u32 s28, $0x1;
	[dreg:$0x2] =	wrdreg s2  }
0xa9: {  	[dreg:$0x3] =	wrdreg s4  }
0xaa: {  	[dreg:$0x4] =	wrdreg $0xC0  }
0xab: {  	_ =	task [dreg:s6], $0x5FFFF  }
0xac: {  	[dreg:$0x1] =	wrdreg $0xFFFFFFFF  }
0xad: {  	[dreg:$0x0] =	wrdreg $0x60  }
0xae: {  	[dreg:$0x2] =	wrdreg s24  }
0xaf: {  	[dreg:$0x3] =	wrdreg $0x9  }
0xb0: {  	_ =	task.clear_ibuf [dreg:s6], $0x4FFFF;
	_ =	strace $0x90000046  }
0xb1: {  	s29 =	simm.s32 $0x9;
	_ =	strace $0x80000048  }
0xb2: {  	_ =	swait.ge [sflag:s29], $0x1  }
0xb3: {  	[sflag:s29] =	ssyncadd.s32 $0xFFFFFFFF  }
0xb4: {  	_ =	strace $0x90000048  }
0xb5: {  	_ =	sfence  }
0xb6: {  	s30 =	sld [smem:$0x0];
	_ =	sdelay $0x2  }
0xb7: {  	s31 =	sshll.u32 s1, $0xD;
	s1 =	sshrl.u32 s1, $0x2  }
0xb8: {  	s3 =	sand.u32 $0x4000, s31;
	s1 =	sadd.s32 s1, s30  }
0xb9: {  	s0 =	sor.u32 s3, s0;
	s1 =	sshll.u32 s1, $0x11  }
0xba: {  	s0 =	sor.u32 s1, s0  }
0xbb: {  	s0 =	sadd.s32 $0x8F2B, s0  }
0xbc: {  	[sflag:s0] =	ssyncadd.remote.s32 $0x1  }
0xbd: {  	_ =	sfence.sel $0xFFFF  }
0xbe: {  	[dreg:$0x0] =	wrdreg $0xFFFFFFFF;
	(pc) =	sbr.abs _section_cstart, $3  }
0xbf: {  	[dreg:$0x1] =	wrdreg $0xFFFFFFFF  }
0xc0: {  	_ =	task.clear_ibuf [dreg:s6], $0x2FFFF;
	_ =	strace $0x9FFFFFFF  }
0xc1: {  	(tm) =	ssettm $0x7FFFFFFF  }
tec
execute0_lowered:
.L_overlay_start_1:
0x0: {  	(tag) =	ssettag $0x1  }
0x1: {  	s0 =	srdreg.scid  }
0x2: {  	s2 =	stileid.u32;
	s1 =	rddreg [dreg:$0x0];
	s29 =	simm.s32 $0x3  }
0x3: {  	s8 =	simm.s32 $0x80;
	s9 =	simm.s32 $0x800;
	s13 =	simm.s32 $0x1800  }
0x4: {  	s30 =	simm.s32 $0x100;
	s14 =	simm.s32 $0x2800;
	s31 =	simm.s32 $0x180  }
0x5: {  	s15 =	simm.s32 $0x3800;
	s6 =	simm.s32 $0x4800;
	s10 =	simm.s32 $0x5800  }
0x6: {  	s11 =	simm.s32 $0x6800;
	s28 =	simm.s32 $0x380;
	s12 =	simm.s32 $0x7800  }
0x7: {  	s7 =	simm.s32 $0x2;
	s20 =	simm.s32 $0x400;
	s21 =	simm.s32 $0x480  }
0x8: {  	p0 =	por $0x0, $0x0;
	s17 =	simm.s32 $0x600;
	s18 =	simm.s32 $0x680  }
0x9: {  	s19 =	simm.s32 $0x700;
	s0 =	sand.u32 $0x1, s0;
	s3 =	sshll.u32 s2, $0x1  }
0xa: {  	s16 =	simm.s32 $0x780;
	s2 =	simm.s32 $0x0;
	s3 =	sor.u32 s0, s3  }
0xb: {  	[smem:$0x7FF] =	sst s2;
	s0 =	ssub.s32 $0x2, s0;
	s4 =	sshll.u32 s3, $0x8  }
0xc: {  	_ =	strace $0x80000047;
	s3 =	sshll.u32 s3, $0xD;
	s24 =	sshrl.u32 s0, $0x1  }
0xd: {  	s5 =	sadd.s32 s4, s1;
	s4 =	sadd.s32 $0x2C00, s1;
	s0 =	ssub.s32 s0, s24  }
0xe: {  	s1 =	sadd.s32 s3, s1;
	s22 =	sadd.s32 $0xC00, s5;
	s0 =	smax.u32 s0, $0x1  }
0xf: {  	s23 =	sadd.s32 $0x3C00, s1;
	[dreg:$0x2] =	wrdreg s22;
	p1 =	sne.s32 s0, $0x1  }
.Ltmp0:
0x10: {  	s25 =	sadd.s32 $0x4400, s1;
	[dreg:$0x3] =	wrdreg s23;
	(pc) =	sbr.rel @!p1 .LBB2_3-.Ltmp0, $4  }
0x11: {  	s24 =	simm.s32 $0x200;
	s26 =	sadd.s32 $0x4C00, s1;
	[dreg:$0x4] =	wrdreg s25  }
0x12: {  	s3 =	sadd.s32 $0x5400, s1;
	s5 =	simm.s32 $0x1;
	[dreg:$0x5] =	wrdreg s26  }
0x13: {  	s25 =	simm.s32 $0x280;
	s26 =	simm.s32 $0x300;
	s1 =	sadd.s32 $0xFFFFFFFF, s0  }
0x14: {  	s23 =	simm.s32 $0x500;
	s22 =	simm.s32 $0x580;
	s0 =	rddreg [dreg:$0x2]  }
0x15: {  	[tilespmem:s2], [sflag:$0x3] =	stream.linear.gather [hbm4b:s0+s2], $0x800, $0x38;
	[tilespmem:$0x8800] =	vst v63  }
0x16: {  	_ =	swait.ge [sflag:s29], $0x800  }
0x17: {  	[sflag:s29] =	ssyncset.done $0x0  }
0x18: {  	[sflag:s29] =	ssyncadd.s32 $0xFFFFF800  }
0x19: {  	[tilespmem:s9], [sflag:$0x1] =	stream.indirect.gather [hbm4b:s4+s8], $0x20, s2, s8, $0xb8;
	[tilespmem:$0x8800] =	vst v63  }
0x1a: {  	_ = 	snop  }
0x1b: {  	[tilespmem:s13], [sflag:$0x1] =	stream.indirect.gather [hbm4b:s4+s8], $0x20, s8, s8, $0xb8;
	[tilespmem:$0x8800] =	vst v63  }
0x1c: {  	_ = 	snop  }
0x1d: {  	[tilespmem:s14], [sflag:$0x1] =	stream.indirect.gather [hbm4b:s4+s8], $0x20, s30, s8, $0xb8;
	[tilespmem:$0x8800] =	vst v63  }
0x1e: {  	_ = 	snop  }
0x1f: {  	[tilespmem:s15], [sflag:$0x1] =	stream.indirect.gather [hbm4b:s4+s8], $0x20, s31, s8, $0xb8;
	[tilespmem:$0x8800] =	vst v63  }
0x20: {  	_ =	swait.ge [sflag:s5], $0x1000  }
0x21: {  	[sflag:s5] =	ssyncset.done $0x0  }
0x22: {  	[sflag:s5] =	ssyncadd.s32 $0xFFFFF000  }
0x23: {  	_ =	swait.ge [sflag:s5], $0x1000  }
0x24: {  	[sflag:s5] =	ssyncset.done $0x0  }
0x25: {  	[sflag:s5] =	ssyncadd.s32 $0xFFFFF000  }
0x26: {  	_ =	swait.ge [sflag:s5], $0x1000  }
0x27: {  	[sflag:s5] =	ssyncset.done $0x0  }
0x28: {  	[sflag:s5] =	ssyncadd.s32 $0xFFFFF000  }
0x29: {  	_ =	swait.ge [sflag:s5], $0x1000  }
0x2a: {  	[sflag:s5] =	ssyncset.done $0x0  }
0x2b: {  	[sflag:s5] =	ssyncadd.s32 $0xFFFFF000  }
0x2c: {  	[tilespmem:s6], [sflag:$0x1] =	stream.indirect.gather [hbm4b:s4+s8], $0x20, s24, s8, $0xb8;
	[tilespmem:$0x8800] =	vst v63  }
0x2d: {  	_ = 	snop  }
0x2e: {  	[tilespmem:s10], [sflag:$0x1] =	stream.indirect.gather [hbm4b:s4+s8], $0x20, s25, s8, $0xb8;
	[tilespmem:$0x8800] =	vst v63  }
0x2f: {  	_ = 	snop  }
0x30: {  	[tilespmem:s11], [sflag:$0x1] =	stream.indirect.gather [hbm4b:s4+s8], $0x20, s26, s8, $0xb8;
	[tilespmem:$0x8800] =	vst v63  }
0x31: {  	_ = 	snop  }
0x32: {  	[tilespmem:s12], [sflag:$0x1] =	stream.indirect.gather [hbm4b:s4+s8], $0x20, s28, s8, $0xb8;
	[tilespmem:$0x8800] =	vst v63  }
0x33: {  	s0 =	rddreg [dreg:$0x3]  }
0x34: {  	[hbm4b:s0+s2] =	stream.linear.scatter [tilespmem:s9], [sflag:$0x2], $0x4000, $0x38;
	[tilespmem:$0x8800] =	vst v63  }
0x35: {  	_ =	swait.ge [sflag:s5], $0x1000  }
0x36: {  	[sflag:s5] =	ssyncset.done $0x0  }
0x37: {  	[sflag:s5] =	ssyncadd.s32 $0xFFFFF000  }
0x38: {  	_ =	swait.ge [sflag:s5], $0x1000  }
0x39: {  	[sflag:s5] =	ssyncset.done $0x0  }
0x3a: {  	[sflag:s5] =	ssyncadd.s32 $0xFFFFF000  }
0x3b: {  	_ =	swait.ge [sflag:s5], $0x1000  }
0x3c: {  	[sflag:s5] =	ssyncset.done $0x0  }
0x3d: {  	[sflag:s5] =	ssyncadd.s32 $0xFFFFF000  }
0x3e: {  	_ =	swait.ge [sflag:s5], $0x1000  }
0x3f: {  	[sflag:s5] =	ssyncset.done $0x0  }
0x40: {  	[sflag:s5] =	ssyncadd.s32 $0xFFFFF000  }
0x41: {  	_ =	swait.ge [sflag:s7], $0x4000  }
0x42: {  	[sflag:s7] =	ssyncset.done $0x0  }
0x43: {  	[sflag:s7] =	ssyncadd.s32 $0xFFFFC000  }
0x44: {  	[tilespmem:s9], [sflag:$0x1] =	stream.indirect.gather [hbm4b:s4+s8], $0x20, s20, s8, $0xb8;
	[tilespmem:$0x8800] =	vst v63  }
0x45: {  	_ = 	snop  }
0x46: {  	[tilespmem:s13], [sflag:$0x1] =	stream.indirect.gather [hbm4b:s4+s8], $0x20, s21, s8, $0xb8;
	[tilespmem:$0x8800] =	vst v63  }
0x47: {  	_ = 	snop  }
0x48: {  	[tilespmem:s14], [sflag:$0x1] =	stream.indirect.gather [hbm4b:s4+s8], $0x20, s23, s8, $0xb8;
	[tilespmem:$0x8800] =	vst v63  }
0x49: {  	_ = 	snop  }
0x4a: {  	[tilespmem:s15], [sflag:$0x1] =	stream.indirect.gather [hbm4b:s4+s8], $0x20, s22, s8, $0xb8;
	[tilespmem:$0x8800] =	vst v63  }
0x4b: {  	s0 =	rddreg [dreg:$0x4]  }
0x4c: {  	[hbm4b:s0+s2] =	stream.linear.scatter [tilespmem:s6], [sflag:$0x2], $0x4000, $0x38;
	[tilespmem:$0x8800] =	vst v63  }
0x4d: {  	_ =	swait.ge [sflag:s5], $0x1000  }
0x4e: {  	[sflag:s5] =	ssyncset.done $0x0  }
0x4f: {  	[sflag:s5] =	ssyncadd.s32 $0xFFFFF000  }
0x50: {  	_ =	swait.ge [sflag:s5], $0x1000  }
0x51: {  	[sflag:s5] =	ssyncset.done $0x0  }
0x52: {  	[sflag:s5] =	ssyncadd.s32 $0xFFFFF000  }
0x53: {  	_ =	swait.ge [sflag:s5], $0x1000  }
0x54: {  	[sflag:s5] =	ssyncset.done $0x0  }
0x55: {  	[sflag:s5] =	ssyncadd.s32 $0xFFFFF000  }
0x56: {  	_ =	swait.ge [sflag:s5], $0x1000  }
0x57: {  	[sflag:s5] =	ssyncset.done $0x0  }
0x58: {  	[sflag:s5] =	ssyncadd.s32 $0xFFFFF000  }
0x59: {  	_ =	swait.ge [sflag:s7], $0x4000  }
0x5a: {  	[sflag:s7] =	ssyncset.done $0x0  }
0x5b: {  	[sflag:s7] =	ssyncadd.s32 $0xFFFFC000  }
0x5c: {  	[tilespmem:s6], [sflag:$0x1] =	stream.indirect.gather [hbm4b:s4+s8], $0x20, s17, s8, $0xb8;
	[tilespmem:$0x8800] =	vst v63  }
0x5d: {  	_ = 	snop  }
0x5e: {  	[tilespmem:s10], [sflag:$0x1] =	stream.indirect.gather [hbm4b:s4+s8], $0x20, s18, s8, $0xb8;
	[tilespmem:$0x8800] =	vst v63  }
0x5f: {  	_ = 	snop  }
0x60: {  	[tilespmem:s11], [sflag:$0x1] =	stream.indirect.gather [hbm4b:s4+s8], $0x20, s19, s8, $0xb8;
	[tilespmem:$0x8800] =	vst v63  }
0x61: {  	_ = 	snop  }
0x62: {  	[tilespmem:s12], [sflag:$0x1] =	stream.indirect.gather [hbm4b:s4+s8], $0x20, s16, s8, $0xb8;
	[tilespmem:$0x8800] =	vst v63  }
0x63: {  	s0 =	rddreg [dreg:$0x5]  }
0x64: {  	[hbm4b:s0+s2] =	stream.linear.scatter [tilespmem:s9], [sflag:$0x2], $0x4000, $0x38;
	[tilespmem:$0x8800] =	vst v63  }
0x65: {  	_ =	swait.ge [sflag:s5], $0x1000  }
0x66: {  	[sflag:s5] =	ssyncset.done $0x0  }
0x67: {  	[sflag:s5] =	ssyncadd.s32 $0xFFFFF000  }
0x68: {  	_ =	swait.ge [sflag:s5], $0x1000  }
0x69: {  	[sflag:s5] =	ssyncset.done $0x0  }
0x6a: {  	[sflag:s5] =	ssyncadd.s32 $0xFFFFF000  }
0x6b: {  	_ =	swait.ge [sflag:s5], $0x1000  }
0x6c: {  	[sflag:s5] =	ssyncset.done $0x0  }
0x6d: {  	[sflag:s5] =	ssyncadd.s32 $0xFFFFF000  }
0x6e: {  	_ =	swait.ge [sflag:s5], $0x1000  }
0x6f: {  	[sflag:s5] =	ssyncset.done $0x0  }
0x70: {  	p1 =	sne.s32 s1, $0x1;
	[sflag:s5] =	ssyncadd.s32 $0xFFFFF000  }
0x71: {  	[hbm4b:s3+s2] =	stream.linear.scatter [tilespmem:s6], [sflag:$0x2], $0x4000, $0x38;
	[tilespmem:$0x8800] =	vst v63  }
.Ltmp1:
0x72: {  	_ =	swait.ge [sflag:s7], $0x4000;
	(pc) =	sbr.rel @!p1 .LBB2_3-.Ltmp1, $4  }
0x73: {  	[sflag:s7] =	ssyncset.done $0x0  }
0x74: {  	[sflag:s7] =	ssyncadd.s32 $0xFFFFC000  }
0x75: {  	s1 =	sadd.s32 $0xFFFFFFFF, s1;
	_ =	swait.ge [sflag:s7], $0x4000  }
0x76: {  	p0 =	por $0x1, $0x1;
	s0 =	rddreg [dreg:$0x2];
	[sflag:s7] =	ssyncset.done $0x0  }
.LBB2_2:
0x77: {  	[sflag:s7] =	ssyncadd.s32 $0xFFFFC000  }
0x78: {  	[tilespmem:s2], [sflag:$0x3] =	stream.linear.gather [hbm4b:s0+s2], $0x800, $0x38;
	[tilespmem:$0x8800] =	vst v63  }
0x79: {  	_ =	swait.ge [sflag:s29], $0x800  }
0x7a: {  	[sflag:s29] =	ssyncset.done $0x0  }
0x7b: {  	[sflag:s29] =	ssyncadd.s32 $0xFFFFF800  }
0x7c: {  	[tilespmem:s9], [sflag:$0x1] =	stream.indirect.gather [hbm4b:s4+s8], $0x20, s2, s8, $0xb8;
	[tilespmem:$0x8800] =	vst v63  }
0x7d: {  	_ = 	snop  }
0x7e: {  	[tilespmem:s13], [sflag:$0x1] =	stream.indirect.gather [hbm4b:s4+s8], $0x20, s8, s8, $0xb8;
	[tilespmem:$0x8800] =	vst v63  }
0x7f: {  	_ = 	snop  }
0x80: {  	[tilespmem:s14], [sflag:$0x1] =	stream.indirect.gather [hbm4b:s4+s8], $0x20, s30, s8, $0xb8;
	[tilespmem:$0x8800] =	vst v63  }
0x81: {  	_ = 	snop  }
0x82: {  	[tilespmem:s15], [sflag:$0x1] =	stream.indirect.gather [hbm4b:s4+s8], $0x20, s31, s8, $0xb8;
	[tilespmem:$0x8800] =	vst v63  }
0x83: {  	_ =	swait.ge [sflag:s5], $0x1000  }
0x84: {  	[sflag:s5] =	ssyncset.done $0x0  }
0x85: {  	[sflag:s5] =	ssyncadd.s32 $0xFFFFF000  }
0x86: {  	_ =	swait.ge [sflag:s5], $0x1000  }
0x87: {  	[sflag:s5] =	ssyncset.done $0x0  }
0x88: {  	[sflag:s5] =	ssyncadd.s32 $0xFFFFF000  }
0x89: {  	_ =	swait.ge [sflag:s5], $0x1000  }
0x8a: {  	[sflag:s5] =	ssyncset.done $0x0  }
0x8b: {  	[sflag:s5] =	ssyncadd.s32 $0xFFFFF000  }
0x8c: {  	_ =	swait.ge [sflag:s5], $0x1000  }
0x8d: {  	[sflag:s5] =	ssyncset.done $0x0  }
0x8e: {  	[sflag:s5] =	ssyncadd.s32 $0xFFFFF000  }
0x8f: {  	[tilespmem:s6], [sflag:$0x1] =	stream.indirect.gather [hbm4b:s4+s8], $0x20, s24, s8, $0xb8;
	[tilespmem:$0x8800] =	vst v63  }
0x90: {  	_ = 	snop  }
0x91: {  	[tilespmem:s10], [sflag:$0x1] =	stream.indirect.gather [hbm4b:s4+s8], $0x20, s25, s8, $0xb8;
	[tilespmem:$0x8800] =	vst v63  }
0x92: {  	_ = 	snop  }
0x93: {  	[tilespmem:s11], [sflag:$0x1] =	stream.indirect.gather [hbm4b:s4+s8], $0x20, s26, s8, $0xb8;
	[tilespmem:$0x8800] =	vst v63  }
0x94: {  	_ = 	snop  }
0x95: {  	[tilespmem:s12], [sflag:$0x1] =	stream.indirect.gather [hbm4b:s4+s8], $0x20, s28, s8, $0xb8;
	[tilespmem:$0x8800] =	vst v63  }
0x96: {  	s0 =	rddreg [dreg:$0x3]  }
0x97: {  	[hbm4b:s0+s2] =	stream.linear.scatter [tilespmem:s9], [sflag:$0x2], $0x4000, $0x38;
	[tilespmem:$0x8800] =	vst v63  }
0x98: {  	_ =	swait.ge [sflag:s5], $0x1000  }
0x99: {  	[sflag:s5] =	ssyncset.done $0x0  }
0x9a: {  	[sflag:s5] =	ssyncadd.s32 $0xFFFFF000  }
0x9b: {  	_ =	swait.ge [sflag:s5], $0x1000  }
0x9c: {  	[sflag:s5] =	ssyncset.done $0x0  }
0x9d: {  	[sflag:s5] =	ssyncadd.s32 $0xFFFFF000  }
0x9e: {  	_ =	swait.ge [sflag:s5], $0x1000  }
0x9f: {  	[sflag:s5] =	ssyncset.done $0x0  }
0xa0: {  	[sflag:s5] =	ssyncadd.s32 $0xFFFFF000  }
0xa1: {  	_ =	swait.ge [sflag:s5], $0x1000  }
0xa2: {  	[sflag:s5] =	ssyncset.done $0x0  }
0xa3: {  	[sflag:s5] =	ssyncadd.s32 $0xFFFFF000  }
0xa4: {  	_ =	swait.ge [sflag:s7], $0x4000  }
0xa5: {  	[sflag:s7] =	ssyncset.done $0x0  }
0xa6: {  	[sflag:s7] =	ssyncadd.s32 $0xFFFFC000  }
0xa7: {  	[tilespmem:s9], [sflag:$0x1] =	stream.indirect.gather [hbm4b:s4+s8], $0x20, s20, s8, $0xb8;
	[tilespmem:$0x8800] =	vst v63  }
0xa8: {  	_ = 	snop  }
0xa9: {  	[tilespmem:s13], [sflag:$0x1] =	stream.indirect.gather [hbm4b:s4+s8], $0x20, s21, s8, $0xb8;
	[tilespmem:$0x8800] =	vst v63  }
0xaa: {  	_ = 	snop  }
0xab: {  	[tilespmem:s14], [sflag:$0x1] =	stream.indirect.gather [hbm4b:s4+s8], $0x20, s23, s8, $0xb8;
	[tilespmem:$0x8800] =	vst v63  }
0xac: {  	_ = 	snop  }
0xad: {  	[tilespmem:s15], [sflag:$0x1] =	stream.indirect.gather [hbm4b:s4+s8], $0x20, s22, s8, $0xb8;
	[tilespmem:$0x8800] =	vst v63  }
0xae: {  	s0 =	rddreg [dreg:$0x4]  }
0xaf: {  	[hbm4b:s0+s2] =	stream.linear.scatter [tilespmem:s6], [sflag:$0x2], $0x4000, $0x38;
	[tilespmem:$0x8800] =	vst v63  }
0xb0: {  	_ =	swait.ge [sflag:s5], $0x1000  }
0xb1: {  	[sflag:s5] =	ssyncset.done $0x0  }
0xb2: {  	[sflag:s5] =	ssyncadd.s32 $0xFFFFF000  }
0xb3: {  	_ =	swait.ge [sflag:s5], $0x1000  }
0xb4: {  	[sflag:s5] =	ssyncset.done $0x0  }
0xb5: {  	[sflag:s5] =	ssyncadd.s32 $0xFFFFF000  }
0xb6: {  	_ =	swait.ge [sflag:s5], $0x1000  }
0xb7: {  	[sflag:s5] =	ssyncset.done $0x0  }
0xb8: {  	[sflag:s5] =	ssyncadd.s32 $0xFFFFF000  }
0xb9: {  	_ =	swait.ge [sflag:s5], $0x1000  }
0xba: {  	[sflag:s5] =	ssyncset.done $0x0  }
0xbb: {  	[sflag:s5] =	ssyncadd.s32 $0xFFFFF000  }
0xbc: {  	_ =	swait.ge [sflag:s7], $0x4000  }
0xbd: {  	[sflag:s7] =	ssyncset.done $0x0  }
0xbe: {  	[sflag:s7] =	ssyncadd.s32 $0xFFFFC000  }
0xbf: {  	[tilespmem:s6], [sflag:$0x1] =	stream.indirect.gather [hbm4b:s4+s8], $0x20, s17, s8, $0xb8;
	[tilespmem:$0x8800] =	vst v63  }
0xc0: {  	_ = 	snop  }
0xc1: {  	[tilespmem:s10], [sflag:$0x1] =	stream.indirect.gather [hbm4b:s4+s8], $0x20, s18, s8, $0xb8;
	[tilespmem:$0x8800] =	vst v63  }
0xc2: {  	_ = 	snop  }
0xc3: {  	[tilespmem:s11], [sflag:$0x1] =	stream.indirect.gather [hbm4b:s4+s8], $0x20, s19, s8, $0xb8;
	[tilespmem:$0x8800] =	vst v63  }
0xc4: {  	_ = 	snop  }
0xc5: {  	[tilespmem:s12], [sflag:$0x1] =	stream.indirect.gather [hbm4b:s4+s8], $0x20, s16, s8, $0xb8;
	[tilespmem:$0x8800] =	vst v63  }
0xc6: {  	s0 =	rddreg [dreg:$0x5]  }
0xc7: {  	[hbm4b:s0+s2] =	stream.linear.scatter [tilespmem:s9], [sflag:$0x2], $0x4000, $0x38;
	[tilespmem:$0x8800] =	vst v63  }
0xc8: {  	_ =	swait.ge [sflag:s5], $0x1000  }
0xc9: {  	[sflag:s5] =	ssyncset.done $0x0  }
0xca: {  	[sflag:s5] =	ssyncadd.s32 $0xFFFFF000  }
0xcb: {  	_ =	swait.ge [sflag:s5], $0x1000  }
0xcc: {  	[sflag:s5] =	ssyncset.done $0x0  }
0xcd: {  	[sflag:s5] =	ssyncadd.s32 $0xFFFFF000  }
0xce: {  	_ =	swait.ge [sflag:s5], $0x1000  }
0xcf: {  	[sflag:s5] =	ssyncset.done $0x0  }
0xd0: {  	[sflag:s5] =	ssyncadd.s32 $0xFFFFF000  }
0xd1: {  	_ =	swait.ge [sflag:s5], $0x1000  }
0xd2: {  	[sflag:s5] =	ssyncset.done $0x0  }
0xd3: {  	p1 =	sne.s32 s1, $0x1;
	[sflag:s5] =	ssyncadd.s32 $0xFFFFF000  }
0xd4: {  	[hbm4b:s3+s2] =	stream.linear.scatter [tilespmem:s6], [sflag:$0x2], $0x4000, $0x38;
	[tilespmem:$0x8800] =	vst v63  }
.Ltmp2:
0xd5: {  	_ =	swait.ge [sflag:s7], $0x4000;
	(pc) =	sbr.rel @p1 .LBB2_2-.Ltmp2, $4  }
0xd6: {  	[sflag:s7] =	ssyncset.done $0x0  }
0xd7: {  	[sflag:s7] =	ssyncadd.s32 $0xFFFFC000  }
0xd8: {  	_ =	swait.ge [sflag:s7], $0x4000  }
0xd9: {  	s1 =	sadd.s32 $0xFFFFFFFF, s1;
	s0 =	rddreg [dreg:$0x2];
	[sflag:s7] =	ssyncset.done $0x0  }
.LBB2_3:
0xda: {  	[sflag:s7] =	ssyncadd.s32 @p0 $0xFFFFC000  }
0xdb: {  	[tilespmem:s2], [sflag:$0x3] =	stream.linear.gather [hbm4b:s0+s2], $0x800, $0x38;
	[tilespmem:$0x8800] =	vst v63  }
0xdc: {  	_ =	swait.ge [sflag:s29], $0x800  }
0xdd: {  	[sflag:s29] =	ssyncset.done $0x0  }
0xde: {  	[sflag:s29] =	ssyncadd.s32 $0xFFFFF800  }
0xdf: {  	[tilespmem:s9], [sflag:$0x1] =	stream.indirect.gather [hbm4b:s4+s8], $0x20, s2, s8, $0xb8;
	[tilespmem:$0x8800] =	vst v63  }
0xe0: {  	_ = 	snop  }
0xe1: {  	[tilespmem:s13], [sflag:$0x1] =	stream.indirect.gather [hbm4b:s4+s8], $0x20, s8, s8, $0xb8;
	[tilespmem:$0x8800] =	vst v63  }
0xe2: {  	_ = 	snop  }
0xe3: {  	[tilespmem:s14], [sflag:$0x1] =	stream.indirect.gather [hbm4b:s4+s8], $0x20, s30, s8, $0xb8;
	[tilespmem:$0x8800] =	vst v63  }
0xe4: {  	_ = 	snop  }
0xe5: {  	[tilespmem:s15], [sflag:$0x1] =	stream.indirect.gather [hbm4b:s4+s8], $0x20, s31, s8, $0xb8;
	[tilespmem:$0x8800] =	vst v63  }
0xe6: {  	_ =	swait.ge [sflag:s5], $0x1000  }
0xe7: {  	[sflag:s5] =	ssyncset.done $0x0  }
0xe8: {  	[sflag:s5] =	ssyncadd.s32 $0xFFFFF000  }
0xe9: {  	_ =	swait.ge [sflag:s5], $0x1000  }
0xea: {  	[sflag:s5] =	ssyncset.done $0x0  }
0xeb: {  	[sflag:s5] =	ssyncadd.s32 $0xFFFFF000  }
0xec: {  	_ =	swait.ge [sflag:s5], $0x1000  }
0xed: {  	[sflag:s5] =	ssyncset.done $0x0  }
0xee: {  	[sflag:s5] =	ssyncadd.s32 $0xFFFFF000  }
0xef: {  	_ =	swait.ge [sflag:s5], $0x1000  }
0xf0: {  	[sflag:s5] =	ssyncset.done $0x0  }
0xf1: {  	[sflag:s5] =	ssyncadd.s32 $0xFFFFF000  }
0xf2: {  	[tilespmem:s6], [sflag:$0x1] =	stream.indirect.gather [hbm4b:s4+s8], $0x20, s24, s8, $0xb8;
	[tilespmem:$0x8800] =	vst v63  }
0xf3: {  	_ = 	snop  }
0xf4: {  	[tilespmem:s10], [sflag:$0x1] =	stream.indirect.gather [hbm4b:s4+s8], $0x20, s25, s8, $0xb8;
	[tilespmem:$0x8800] =	vst v63  }
0xf5: {  	_ = 	snop  }
0xf6: {  	[tilespmem:s11], [sflag:$0x1] =	stream.indirect.gather [hbm4b:s4+s8], $0x20, s26, s8, $0xb8;
	[tilespmem:$0x8800] =	vst v63  }
0xf7: {  	_ = 	snop  }
0xf8: {  	[tilespmem:s12], [sflag:$0x1] =	stream.indirect.gather [hbm4b:s4+s8], $0x20, s28, s8, $0xb8;
	[tilespmem:$0x8800] =	vst v63  }
0xf9: {  	s26 =	rddreg [dreg:$0x3]  }
0xfa: {  	[hbm4b:s26+s2] =	stream.linear.scatter [tilespmem:s9], [sflag:$0x2], $0x4000, $0x38;
	[tilespmem:$0x8800] =	vst v63  }
0xfb: {  	_ =	swait.ge [sflag:s5], $0x1000  }
0xfc: {  	[sflag:s5] =	ssyncset.done $0x0  }
0xfd: {  	[sflag:s5] =	ssyncadd.s32 $0xFFFFF000  }
0xfe: {  	_ =	swait.ge [sflag:s5], $0x1000  }
0xff: {  	[sflag:s5] =	ssyncset.done $0x0  }
0x100: {  	[sflag:s5] =	ssyncadd.s32 $0xFFFFF000  }
0x101: {  	_ =	swait.ge [sflag:s5], $0x1000  }
0x102: {  	[sflag:s5] =	ssyncset.done $0x0  }
0x103: {  	[sflag:s5] =	ssyncadd.s32 $0xFFFFF000  }
0x104: {  	_ =	swait.ge [sflag:s5], $0x1000  }
0x105: {  	[sflag:s5] =	ssyncset.done $0x0  }
0x106: {  	[sflag:s5] =	ssyncadd.s32 $0xFFFFF000  }
0x107: {  	_ =	swait.ge [sflag:s7], $0x4000  }
0x108: {  	[sflag:s7] =	ssyncset.done $0x0  }
0x109: {  	[sflag:s7] =	ssyncadd.s32 $0xFFFFC000  }
0x10a: {  	[tilespmem:s9], [sflag:$0x1] =	stream.indirect.gather [hbm4b:s4+s8], $0x20, s20, s8, $0xb8;
	[tilespmem:$0x8800] =	vst v63  }
0x10b: {  	_ = 	snop  }
0x10c: {  	[tilespmem:s13], [sflag:$0x1] =	stream.indirect.gather [hbm4b:s4+s8], $0x20, s21, s8, $0xb8;
	[tilespmem:$0x8800] =	vst v63  }
0x10d: {  	_ = 	snop  }
0x10e: {  	[tilespmem:s14], [sflag:$0x1] =	stream.indirect.gather [hbm4b:s4+s8], $0x20, s23, s8, $0xb8;
	[tilespmem:$0x8800] =	vst v63  }
0x10f: {  	_ = 	snop  }
0x110: {  	[tilespmem:s15], [sflag:$0x1] =	stream.indirect.gather [hbm4b:s4+s8], $0x20, s22, s8, $0xb8;
	[tilespmem:$0x8800] =	vst v63  }
0x111: {  	s29 =	rddreg [dreg:$0x4]  }
0x112: {  	[hbm4b:s29+s2] =	stream.linear.scatter [tilespmem:s6], [sflag:$0x2], $0x4000, $0x38;
	[tilespmem:$0x8800] =	vst v63  }
0x113: {  	_ =	swait.ge [sflag:s5], $0x1000  }
0x114: {  	[sflag:s5] =	ssyncset.done $0x0  }
0x115: {  	[sflag:s5] =	ssyncadd.s32 $0xFFFFF000  }
0x116: {  	_ =	swait.ge [sflag:s5], $0x1000  }
0x117: {  	[sflag:s5] =	ssyncset.done $0x0  }
0x118: {  	[sflag:s5] =	ssyncadd.s32 $0xFFFFF000  }
0x119: {  	_ =	swait.ge [sflag:s5], $0x1000  }
0x11a: {  	[sflag:s5] =	ssyncset.done $0x0  }
0x11b: {  	[sflag:s5] =	ssyncadd.s32 $0xFFFFF000  }
0x11c: {  	_ =	swait.ge [sflag:s5], $0x1000  }
0x11d: {  	[sflag:s5] =	ssyncset.done $0x0  }
0x11e: {  	[sflag:s5] =	ssyncadd.s32 $0xFFFFF000  }
0x11f: {  	_ =	swait.ge [sflag:s7], $0x4000  }
0x120: {  	[sflag:s7] =	ssyncset.done $0x0  }
0x121: {  	[sflag:s7] =	ssyncadd.s32 $0xFFFFC000  }
0x122: {  	[tilespmem:s6], [sflag:$0x1] =	stream.indirect.gather [hbm4b:s4+s8], $0x20, s17, s8, $0xb8;
	[tilespmem:$0x8800] =	vst v63  }
0x123: {  	_ = 	snop  }
0x124: {  	[tilespmem:s10], [sflag:$0x1] =	stream.indirect.gather [hbm4b:s4+s8], $0x20, s18, s8, $0xb8;
	[tilespmem:$0x8800] =	vst v63  }
0x125: {  	_ = 	snop  }
0x126: {  	[tilespmem:s11], [sflag:$0x1] =	stream.indirect.gather [hbm4b:s4+s8], $0x20, s19, s8, $0xb8;
	[tilespmem:$0x8800] =	vst v63  }
0x127: {  	_ = 	snop  }
0x128: {  	[tilespmem:s12], [sflag:$0x1] =	stream.indirect.gather [hbm4b:s4+s8], $0x20, s16, s8, $0xb8;
	[tilespmem:$0x8800] =	vst v63  }
0x129: {  	s30 =	rddreg [dreg:$0x5]  }
0x12a: {  	[hbm4b:s30+s2] =	stream.linear.scatter [tilespmem:s9], [sflag:$0x2], $0x4000, $0x38;
	[tilespmem:$0x8800] =	vst v63  }
0x12b: {  	_ =	swait.ge [sflag:s5], $0x1000  }
0x12c: {  	[sflag:s5] =	ssyncset.done $0x0  }
0x12d: {  	[sflag:s5] =	ssyncadd.s32 $0xFFFFF000  }
0x12e: {  	_ =	swait.ge [sflag:s5], $0x1000  }
0x12f: {  	[sflag:s5] =	ssyncset.done $0x0  }
0x130: {  	[sflag:s5] =	ssyncadd.s32 $0xFFFFF000  }
0x131: {  	_ =	swait.ge [sflag:s5], $0x1000  }
0x132: {  	[sflag:s5] =	ssyncset.done $0x0  }
0x133: {  	[sflag:s5] =	ssyncadd.s32 $0xFFFFF000  }
0x134: {  	_ =	swait.ge [sflag:s5], $0x1000  }
0x135: {  	[sflag:s5] =	ssyncset.done $0x0  }
0x136: {  	[sflag:s5] =	ssyncadd.s32 $0xFFFFF000  }
0x137: {  	[hbm4b:s3+s2] =	stream.linear.scatter [tilespmem:s6], [sflag:$0x2], $0x4000, $0x38;
	[tilespmem:$0x8800] =	vst v63  }
0x138: {  	_ =	swait.ge [sflag:s7], $0x4000  }
0x139: {  	[sflag:s7] =	ssyncset.done $0x0  }
0x13a: {  	[sflag:s7] =	ssyncadd.s32 $0xFFFFC000  }
0x13b: {  	_ =	swait.ge [sflag:s7], $0x4000  }
0x13c: {  	[sflag:s7] =	ssyncset.done $0x0  }
0x13d: {  	[sflag:s7] =	ssyncadd.s32 $0xFFFFC000  }
0x13e: {  	_ =	sfence.sel $0x180000  }
0x13f: {  	[bflag:$0x0] =	sbarrier.arrive $0xFFFF  }
0x140: {  	_ =	strace $0x90000047  }
0x141: {  	s31 =	stileid.u32;
	[bflag:$0x2] =	sbarrier.arrive $0xFFFF  }
0x142: {  	p0 =	sne.s32 s31, $0x0;
	s0 =	rddreg [dreg:$0x1]  }
0x143: {  	s0 =	sadd.s32 @!p0 $0x100000, s0  }
0x144: {  	[sflag:s0] =	ssyncadd.tile.s32 @!p0 $0x1;
	_ =	shalt  }
.Lfunc_end2:
_tile_overlayer_lowered:
.L_overlay_start_2:
0x145: {  	(tag) =	ssettag $0x2  }
0x146: {  	s0 =	rddreg [dreg:$0x0];
	s2 =	stileid.u32  }
0x147: {  	s1 =	rddreg [dreg:$0x1];
	p0 =	sne.s32 s2, $0x0  }
0x148: {  	s3 =	rddreg [dreg:$0x2];
	[bflag:$0x3] =	sbarrier.arrive $0xFFFF;
	s2 =	simm.s32 @!p0 $0x1C03  }
0x149: {  	[timem:s3], [sflag:s2] =	dma.local @!p0 [hbm:s0], s1  }
0x14a: {  	s0 =	simm.s32 @!p0 $0x3  }
0x14b: {  	_ =	swait.ge @!p0 [sflag:s0], s1  }
0x14c: {  	s1 =	ssub.s32 @!p0 $0x0, s1;
	[sflag:s0] =	ssyncset.done @!p0 $0x0  }
0x14d: {  	[sflag:s0] =	ssyncadd.s32 @!p0 s1  }
0x14e: {  	[bflag:$0x3] =	sbarrier.arrive $0xFFFF  }
0x14f: {  	_ =	shalt  }

// kernel: kernel.9.cloned.1.call-start
scs
__scs_entry_jumppad:
0x0: {  	(pc) =	sbr.rel $0x88, $3  }
0x1: {  	(tag) =	ssettag $0x0;
	lr =	simm.s32 $0x1  }
0x2: {  	[smem:$0x3F9F] =	sst lr;
	_ =	strace $0xD0000000  }
0x3: {  	_ = 	snop  }
0x4: {  	_ = 	snop  }
0x5: {  	_ = 	snop  }
0x6: {  	_ = 	snop  }
0x7: {  	_ = 	snop  }
__scs_overlays_trampoline_lowered:
0x8: {  	[smem:$0x3FAE] =	sst s0  }
0x9: {  	[smem:$0x3FAF] =	sst s1  }
0xa: {  	[smem:$0x3FB0] =	sst s2  }
0xb: {  	[smem:$0x3FB1] =	sst s3  }
0xc: {  	[smem:$0x3FB2] =	sst s4  }
0xd: {  	[smem:$0x3FB3] =	sst s5  }
0xe: {  	[smem:$0x3FB4] =	sst s6  }
0xf: {  	[smem:$0x3FB5] =	sst s7  }
0x10: {  	[smem:$0x3FB6] =	sst s8  }
0x11: {  	[smem:$0x3FB7] =	sst s9;
	s0 =	simm.s32 @!p0 $0x0  }
0x12: {  	s1 =	sld [smem:$0x3F9D];
	s0 =	simm.s32 @p0 $0x1  }
0x13: {  	[smem:$0x3FB8] =	sst s0;
	s0 =	simm.s32 @!p1 $0x0  }
0x14: {  	s2 =	sld [smem:$0x3F9C];
	s0 =	simm.s32 @p1 $0x1  }
0x15: {  	[smem:$0x3FB9] =	sst s0;
	s0 =	simm.s32 @!p2 $0x0  }
0x16: {  	s3 =	sld [smem:$0x3FDB];
	s0 =	simm.s32 @p2 $0x1  }
0x17: {  	s4 =	simm.s32 $0x1BF5;
	[smem:$0x3FBB] =	sst s0  }
0x18: {  	s0 =	sld [smem:$0x3F9E];
	_ =	swait.ge [sflag:s4], $0x0  }
0x19: {  	s7 =	sld [smem:$0x3F9F]  }
0x1a: {  	s8 =	sadd.s32 $0xFFFFE003, lr  }
0x1b: {  	s9 =	sadd.s32 $0xFFFFFEF7, lr;
	s5 =	simm.s32 $0xFFFFFFFF;
	p2 =	slt.u32 s8, $0xFFFFF086  }
0x1c: {  	p1 =	slt.u32 s9, $0xF7A;
	s5 =	simm.s32 @!p2 $0x0  }
0x1d: {  	s5 =	simm.s32 @p1 $0x1;
	p0 =	seq.s32 s7, s2  }
0x1e: {  	s7 =	smul.u32 @!p0 $0xF7A, s2;
	p2 =	seq.s32 @!p0 s5, $0x0  }
0x1f: {  	s9 =	smul.u32 $0xF7A, s1;
	s8 =	simm.s32 @!p0 $0x1BF5;
	p2 =	por !p2, p0  }
0x20: {  	[sflag:s8] =	ssyncset.s32 @!p0 $0xFFFFF086;
	s6 =	sadd.s32 @!p0 s3, s7;
	s7 =	simm.s32 @!p0 $0x108  }
0x21: {  	s3 =	sadd.s32 s3, s9;
	s6 =	sadd.s32 @!p0 $0x88, s6;
	s7 =	simm.s32 @p2 $0x1082  }
0x22: {  	[simem:s7], [sflag:s8] =	dma.local @!p0 [hbm:s6], $0xF7A  }
0x23: {  	s9 =	sor.u32 $0xD0000000, s2;
	s6 =	simm.s32 $0x108;
	_ =	swait.ge @!p0 [sflag:s8], $0x0  }
0x24: {  	s3 =	sadd.s32 $0x88, s3;
	s6 =	simm.s32 @!p1 $0x1082;
	[sflag:s4] =	ssyncset.s32 $0xFFFFF086  }
0x25: {  	[simem:s6], [sflag:s4] =	dma.local [hbm:s3], $0xF7A  }
0x26: {  	[smem:$0x3F9F] =	sst s1;
	(tag) =	ssettag s2;
	_ =	strace s9  }
0x27: {  	s1 =	sld [smem:$0x3FAF]  }
0x28: {  	s2 =	sld [smem:$0x3FB0]  }
0x29: {  	s4 =	sld [smem:$0x3FB2]  }
0x2a: {  	p0 =	seq.s32 s5, $0x0;
	s5 =	sld [smem:$0x3FB3]  }
0x2b: {  	s6 =	sld [smem:$0x3FB4]  }
0x2c: {  	s7 =	sld [smem:$0x3FB5]  }
0x2d: {  	s3 =	simm.s32 $0x108;
	s8 =	sld [smem:$0x3FB6]  }
0x2e: {  	s3 =	simm.s32 @!p0 $0x1082;
	s9 =	sld [smem:$0x3FB7]  }
0x2f: {  	lr =	sadd.s32 s0, s3;
	s0 =	sld [smem:$0x3FAE]  }
0x30: {  	s3 =	sld [smem:$0x3FB1]  }
0x31: {  	[smem:$0x3FBA] =	sst s10  }
0x32: {  	s10 =	sld [smem:$0x3FB8];
	_ =	sdelay $0x3  }
0x33: {  	p0 =	seq.s32 s10, $0x1;
	s10 =	sld [smem:$0x3FBA];
	_ =	sdelay $0x3  }
0x34: {  	[smem:$0x3FBA] =	sst s10  }
0x35: {  	s10 =	sld [smem:$0x3FB9];
	_ =	sdelay $0x3  }
0x36: {  	p1 =	seq.s32 s10, $0x1;
	s10 =	sld [smem:$0x3FBA];
	_ =	sdelay $0x3  }
0x37: {  	[smem:$0x3FBA] =	sst s10  }
0x38: {  	s10 =	sld [smem:$0x3FBB]  }
0x39: {  	_ = 	snop;
	(pc) =	sbr.ind lr, $3  }
0x3a: {  	_ = 	snop  }
0x3b: {  	_ = 	snop  }
0x3c: {  	p2 =	seq.s32 s10, $0x1;
	s10 =	sld [smem:$0x3FBA]  }
0x3d: {  	_ =	shalt  }
0x3e: {  	_ =	shalt  }
0x3f: {  	_ =	shalt  }
0x40: {  	_ =	shalt  }
0x41: {  	_ =	shalt  }
0x42: {  	_ =	shalt  }
0x43: {  	_ =	shalt  }
0x44: {  	_ =	shalt  }
0x45: {  	_ =	shalt  }
0x46: {  	_ =	shalt  }
0x47: {  	_ =	shalt  }
0x48: {  	_ =	shalt  }
0x49: {  	_ =	shalt  }
0x4a: {  	_ =	shalt  }
0x4b: {  	_ =	shalt  }
0x4c: {  	_ =	shalt  }
0x4d: {  	_ =	shalt  }
0x4e: {  	_ =	shalt  }
0x4f: {  	_ =	shalt  }
0x50: {  	_ =	shalt  }
0x51: {  	_ =	shalt  }
0x52: {  	_ =	shalt  }
0x53: {  	_ =	shalt  }
0x54: {  	_ =	shalt  }
0x55: {  	_ =	shalt  }
0x56: {  	_ =	shalt  }
0x57: {  	_ =	shalt  }
0x58: {  	_ =	shalt  }
0x59: {  	_ =	shalt  }
0x5a: {  	_ =	shalt  }
0x5b: {  	_ =	shalt  }
0x5c: {  	_ =	shalt  }
0x5d: {  	_ =	shalt  }
0x5e: {  	_ =	shalt  }
0x5f: {  	_ =	shalt  }
0x60: {  	_ =	shalt  }
0x61: {  	_ =	shalt  }
0x62: {  	_ =	shalt  }
0x63: {  	_ =	shalt  }
0x64: {  	_ =	shalt  }
0x65: {  	_ =	shalt  }
0x66: {  	_ =	shalt  }
0x67: {  	_ =	shalt  }
0x68: {  	_ =	shalt  }
0x69: {  	_ =	shalt  }
0x6a: {  	_ =	shalt  }
0x6b: {  	_ =	shalt  }
0x6c: {  	_ =	shalt  }
0x6d: {  	_ =	shalt  }
0x6e: {  	_ =	shalt  }
0x6f: {  	_ =	shalt  }
0x70: {  	_ =	shalt  }
0x71: {  	_ =	shalt  }
0x72: {  	_ =	shalt  }
0x73: {  	_ =	shalt  }
0x74: {  	_ =	shalt  }
0x75: {  	_ =	shalt  }
0x76: {  	_ =	shalt  }
0x77: {  	_ =	shalt  }
0x78: {  	_ =	shalt  }
0x79: {  	_ =	shalt  }
0x7a: {  	_ =	shalt  }
0x7b: {  	_ =	shalt  }
0x7c: {  	_ =	shalt  }
0x7d: {  	_ =	shalt  }
0x7e: {  	_ =	shalt  }
0x7f: {  	_ =	shalt  }
0x80: {  	_ =	shalt  }
0x81: {  	_ =	shalt  }
0x82: {  	_ =	shalt  }
0x83: {  	_ =	shalt  }
0x84: {  	_ =	shalt  }
0x85: {  	_ =	shalt  }
0x86: {  	_ =	shalt  }
0x87: {  	_ =	shalt  }
.Lfunc_end0:
.L_simem_size_0:
called_computation.1_lowered:
.L_overlay_start_0:
0x88: {  	s2 =	sld [smem:$0x3FD9]  }
0x89: {  	s3 =	sld [smem:$0x3FFE];
	_ =	sdelay $0x1  }
0x8a: {  	s1 =	srdreg.scid  }
0x8b: {  	s0 =	sand.u32 $0x1, s1  }
0x8c: {  	s14 =	sshll.u32 s0, $0xA;
	s2 =	sadd.s32 s3, s2  }
0x8d: {  	s2 =	sadd.s32 s2, s14  }
0x8e: {  	[smem:$0x3FC6] =	sst s2  }
0x8f: {  	_ = 	snop  }
0x90: {  	s2 =	sld [smem:$0x3FD0];
	_ =	sdelay $0x2  }
0x91: {  	s15 =	simm.s32 $0xA;
	s4 =	simm.s32 $0x10  }
0x92: {  	[smem:s4], [sflag:s15] =	dma.local [hbm:s2], $0x1  }
0x93: {  	_ =	swait.eq [sflag:s15], $0x1  }
0x94: {  	[sflag:s15] =	ssyncset.done $0x0  }
0x95: {  	[sflag:s15] =	ssyncadd.s32 $0xFFFFFFFF  }
0x96: {  	s16 =	sld [smem:$0x11];
	(tm) =	ssettm $0x1  }
0x97: {  	s17 =	sld [smem:$0x3FFB];
	_ =	sdelay $0x3  }
0x98: {  	_ =	strace s17  }
0x99: {  	s3 =	sld [smem:$0x3FFC];
	_ =	sdelay $0x3  }
0x9a: {  	_ =	strace s3  }
0x9b: {  	s3 =	sld [smem:$0x3FFD];
	_ =	sdelay $0x3  }
0x9c: {  	_ =	strace s3  }
0x9d: {  	_ =	strace $0x8FFFFFFF  }
0x9e: {  	s18 =	sld [smem:$0x3FDB];
	_ =	sdelay $0x1  }
0x9f: {  	s19 =	simm.s32 $_scs_section_size  }
0xa0: {  	s5 =	simm.s32 $_size__tile_overlayer_lowered;
	s6 =	simm.s32 $_tile_overlayer_lowered  }
0xa1: {  	s22 =	simm.s32 $0x1BFF;
	s21 =	sshll.u32 s6, $0x1;
	s3 =	sadd.s32 s19, s18  }
0xa2: {  	s7 =	simm.s32 $0x0;
	s20 =	sshll.u32 s5, $0x1;
	s5 =	sadd.s32 s21, s3  }
0xa3: {  	[timem:s7], [sflag:s22] =	dma.local [hbm:s5], s20  }
0xa4: {  	_ =	swait.ge [sflag:s22], s20  }
0xa5: {  	s4 =	ssub.s32 $0x0, s20;
	[sflag:s22] =	ssyncset.done $0x0  }
0xa6: {  	[sflag:s22] =	ssyncadd.s32 s4;
	_ =	sdelay $0x1  }
0xa7: {  	s23 =	simm.s32 $0x1B8B  }
0xa8: {  	_ =	swait.ge [sflag:s23], $0x1  }
0xa9: {  	[sflag:s23] =	ssyncset.done $0x0  }
0xaa: {  	s25 =	simm.s32 $0x1B8E;
	s24 =	sld [smem:$0x3FFE];
	[sflag:s23] =	ssyncadd.s32 $0xFFFFFFFF  }
0xab: {  	s26 =	simm.s32 $execute0_lowered;
	[smem:$0x3FD2] =	sst s25  }
0xac: {  	s5 =	sshll.u32 s26, $0x1;
	_ =	strace $0x80000049;
	[dreg:$0x1] =	wrdreg $0xFFFFFFFF  }
0xad: {  	s28 =	simm.s32 $_size_execute0_lowered;
	s3 =	sadd.s32 s3, s5;
	[dreg:$0x0] =	wrdreg $0x0  }
0xae: {  	s5 =	sshll.u32 s28, $0x1;
	[dreg:$0x2] =	wrdreg s3  }
0xaf: {  	[dreg:$0x3] =	wrdreg s5  }
0xb0: {  	[dreg:$0x4] =	wrdreg $0xC0  }
0xb1: {  	_ =	task [dreg:s7], $0x5FFFF  }
0xb2: {  	[dreg:$0x1] =	wrdreg $0xFFFFFFFF  }
0xb3: {  	[dreg:$0x0] =	wrdreg $0x60  }
0xb4: {  	[dreg:$0x2] =	wrdreg s16  }
0xb5: {  	[dreg:$0x3] =	wrdreg s24  }
0xb6: {  	[dreg:$0x4] =	wrdreg $0x9  }
0xb7: {  	_ =	task.clear_ibuf [dreg:s7], $0x5FFFF;
	_ =	strace $0x90000049  }
0xb8: {  	s29 =	simm.s32 $0x9;
	_ =	strace $0x8000004B  }
0xb9: {  	_ =	swait.ge [sflag:s29], $0x1  }
0xba: {  	[sflag:s29] =	ssyncadd.s32 $0xFFFFFFFF  }
0xbb: {  	_ =	strace $0x9000004B  }
0xbc: {  	_ =	sfence  }
0xbd: {  	s30 =	sld [smem:$0x0];
	_ =	sdelay $0x2  }
0xbe: {  	s31 =	sshll.u32 s1, $0xD;
	s1 =	sshrl.u32 s1, $0x2  }
0xbf: {  	s3 =	sand.u32 $0x4000, s31;
	s1 =	sadd.s32 s1, s30  }
0xc0: {  	s0 =	sor.u32 s3, s0;
	s1 =	sshll.u32 s1, $0x11  }
0xc1: {  	s0 =	sor.u32 s1, s0  }
0xc2: {  	s0 =	sadd.s32 $0x8F2B, s0  }
0xc3: {  	[sflag:s0] =	ssyncadd.remote.s32 $0x1  }
0xc4: {  	_ =	sfence.sel $0xFFFF  }
0xc5: {  	[dreg:$0x0] =	wrdreg $0xFFFFFFFF;
	(pc) =	sbr.abs _section_cstart, $3  }
0xc6: {  	[dreg:$0x1] =	wrdreg $0xFFFFFFFF  }
0xc7: {  	_ =	task.clear_ibuf [dreg:s7], $0x2FFFF;
	_ =	strace $0x9FFFFFFF  }
0xc8: {  	(tm) =	ssettm $0x7FFFFFFF  }
0xc9: {  	_ =	shalt  }
tec
execute0_lowered:
.L_overlay_start_1:
0x0: {  	(tag) =	ssettag $0x1  }
0x1: {  	s0 =	rddreg [dreg:$0x0]  }
0x2: {  	s1 =	rddreg [dreg:$0x1]  }
0x3: {  	s3 =	srdreg.scid;
	s4 =	stileid.u32  }
0x4: {  	s2 =	simm.s32 $0x0;
	s29 =	simm.s32 $0x3;
	s8 =	simm.s32 $0x80  }
0x5: {  	s9 =	simm.s32 $0x800;
	s13 =	simm.s32 $0x1800;
	s30 =	simm.s32 $0x100  }
0x6: {  	s14 =	simm.s32 $0x2800;
	s31 =	simm.s32 $0x180;
	s15 =	simm.s32 $0x3800  }
0x7: {  	s24 =	simm.s32 $0x200;
	s25 =	simm.s32 $0x280;
	s10 =	simm.s32 $0x5800  }
0x8: {  	s26 =	simm.s32 $0x300;
	s11 =	simm.s32 $0x6800;
	s28 =	simm.s32 $0x380  }
0x9: {  	s12 =	simm.s32 $0x7800;
	s7 =	simm.s32 $0x2;
	p0 =	por $0x0, $0x0  }
0xa: {  	s17 =	simm.s32 $0x600;
	s18 =	simm.s32 $0x680;
	s16 =	simm.s32 $0x780  }
0xb: {  	s3 =	sand.u32 $0x1, s3;
	s4 =	sshll.u32 s4, $0x1;
	[smem:$0x7FF] =	sst s2  }
0xc: {  	s4 =	sor.u32 s3, s4;
	_ =	strace $0x8000004A;
	s3 =	ssub.s32 $0x2, s3  }
0xd: {  	s5 =	sshll.u32 s4, $0xD;
	s6 =	sshll.u32 s4, $0x8;
	s20 =	sshrl.u32 s3, $0x1  }
0xe: {  	s4 =	sadd.s32 $0x2C00, s1;
	s1 =	sadd.s32 s5, s1;
	s5 =	ssub.s32 s3, s20  }
0xf: {  	s0 =	sadd.s32 s0, s6;
	s6 =	simm.s32 $0x4800;
	s23 =	smax.u32 s5, $0x1  }
0x10: {  	[dreg:$0x3] =	wrdreg s0;
	s19 =	sadd.s32 $0x43C00, s1;
	p1 =	sne.s32 s23, $0x1  }
.Ltmp0:
0x11: {  	s21 =	sadd.s32 $0x44400, s1;
	[dreg:$0x4] =	wrdreg s19;
	(pc) =	sbr.rel @!p1 .LBB2_3-.Ltmp0, $4  }
0x12: {  	s20 =	simm.s32 $0x400;
	s22 =	sadd.s32 $0x44C00, s1;
	[dreg:$0x5] =	wrdreg s21  }
0x13: {  	s3 =	sadd.s32 $0x45400, s1;
	s5 =	simm.s32 $0x1;
	[dreg:$0x6] =	wrdreg s22  }
0x14: {  	s21 =	simm.s32 $0x480;
	s0 =	sadd.s32 $0xFFFFFFFF, s23;
	s23 =	simm.s32 $0x500  }
0x15: {  	s22 =	simm.s32 $0x580;
	s19 =	simm.s32 $0x700;
	s1 =	rddreg [dreg:$0x3]  }
0x16: {  	[tilespmem:s2], [sflag:$0x3] =	stream.linear.gather [hbm4b:s1+s2], $0x800, $0x38;
	[tilespmem:$0x8800] =	vst v63  }
0x17: {  	_ =	swait.ge [sflag:s29], $0x800  }
0x18: {  	[sflag:s29] =	ssyncset.done $0x0  }
0x19: {  	[sflag:s29] =	ssyncadd.s32 $0xFFFFF800  }
0x1a: {  	[tilespmem:s9], [sflag:$0x1] =	stream.indirect.gather [hbm4b:s4+s8], $0x20, s2, s8, $0xb8;
	[tilespmem:$0x8800] =	vst v63  }
0x1b: {  	_ = 	snop  }
0x1c: {  	[tilespmem:s13], [sflag:$0x1] =	stream.indirect.gather [hbm4b:s4+s8], $0x20, s8, s8, $0xb8;
	[tilespmem:$0x8800] =	vst v63  }
0x1d: {  	_ = 	snop  }
0x1e: {  	[tilespmem:s14], [sflag:$0x1] =	stream.indirect.gather [hbm4b:s4+s8], $0x20, s30, s8, $0xb8;
	[tilespmem:$0x8800] =	vst v63  }
0x1f: {  	_ = 	snop  }
0x20: {  	[tilespmem:s15], [sflag:$0x1] =	stream.indirect.gather [hbm4b:s4+s8], $0x20, s31, s8, $0xb8;
	[tilespmem:$0x8800] =	vst v63  }
0x21: {  	_ =	swait.ge [sflag:s5], $0x1000  }
0x22: {  	[sflag:s5] =	ssyncset.done $0x0  }
0x23: {  	[sflag:s5] =	ssyncadd.s32 $0xFFFFF000  }
0x24: {  	_ =	swait.ge [sflag:s5], $0x1000  }
0x25: {  	[sflag:s5] =	ssyncset.done $0x0  }
0x26: {  	[sflag:s5] =	ssyncadd.s32 $0xFFFFF000  }
0x27: {  	_ =	swait.ge [sflag:s5], $0x1000  }
0x28: {  	[sflag:s5] =	ssyncset.done $0x0  }
0x29: {  	[sflag:s5] =	ssyncadd.s32 $0xFFFFF000  }
0x2a: {  	_ =	swait.ge [sflag:s5], $0x1000  }
0x2b: {  	[sflag:s5] =	ssyncset.done $0x0  }
0x2c: {  	[sflag:s5] =	ssyncadd.s32 $0xFFFFF000  }
0x2d: {  	[tilespmem:s6], [sflag:$0x1] =	stream.indirect.gather [hbm4b:s4+s8], $0x20, s24, s8, $0xb8;
	[tilespmem:$0x8800] =	vst v63  }
0x2e: {  	_ = 	snop  }
0x2f: {  	[tilespmem:s10], [sflag:$0x1] =	stream.indirect.gather [hbm4b:s4+s8], $0x20, s25, s8, $0xb8;
	[tilespmem:$0x8800] =	vst v63  }
0x30: {  	_ = 	snop  }
0x31: {  	[tilespmem:s11], [sflag:$0x1] =	stream.indirect.gather [hbm4b:s4+s8], $0x20, s26, s8, $0xb8;
	[tilespmem:$0x8800] =	vst v63  }
0x32: {  	_ = 	snop  }
0x33: {  	[tilespmem:s12], [sflag:$0x1] =	stream.indirect.gather [hbm4b:s4+s8], $0x20, s28, s8, $0xb8;
	[tilespmem:$0x8800] =	vst v63  }
0x34: {  	s1 =	rddreg [dreg:$0x4]  }
0x35: {  	[hbm4b:s1+s2] =	stream.linear.scatter [tilespmem:s9], [sflag:$0x2], $0x4000, $0x38;
	[tilespmem:$0x8800] =	vst v63  }
0x36: {  	_ =	swait.ge [sflag:s5], $0x1000  }
0x37: {  	[sflag:s5] =	ssyncset.done $0x0  }
0x38: {  	[sflag:s5] =	ssyncadd.s32 $0xFFFFF000  }
0x39: {  	_ =	swait.ge [sflag:s5], $0x1000  }
0x3a: {  	[sflag:s5] =	ssyncset.done $0x0  }
0x3b: {  	[sflag:s5] =	ssyncadd.s32 $0xFFFFF000  }
0x3c: {  	_ =	swait.ge [sflag:s5], $0x1000  }
0x3d: {  	[sflag:s5] =	ssyncset.done $0x0  }
0x3e: {  	[sflag:s5] =	ssyncadd.s32 $0xFFFFF000  }
0x3f: {  	_ =	swait.ge [sflag:s5], $0x1000  }
0x40: {  	[sflag:s5] =	ssyncset.done $0x0  }
0x41: {  	[sflag:s5] =	ssyncadd.s32 $0xFFFFF000  }
0x42: {  	_ =	swait.ge [sflag:s7], $0x4000  }
0x43: {  	[sflag:s7] =	ssyncset.done $0x0  }
0x44: {  	[sflag:s7] =	ssyncadd.s32 $0xFFFFC000  }
0x45: {  	[tilespmem:s9], [sflag:$0x1] =	stream.indirect.gather [hbm4b:s4+s8], $0x20, s20, s8, $0xb8;
	[tilespmem:$0x8800] =	vst v63  }
0x46: {  	_ = 	snop  }
0x47: {  	[tilespmem:s13], [sflag:$0x1] =	stream.indirect.gather [hbm4b:s4+s8], $0x20, s21, s8, $0xb8;
	[tilespmem:$0x8800] =	vst v63  }
0x48: {  	_ = 	snop  }
0x49: {  	[tilespmem:s14], [sflag:$0x1] =	stream.indirect.gather [hbm4b:s4+s8], $0x20, s23, s8, $0xb8;
	[tilespmem:$0x8800] =	vst v63  }
0x4a: {  	_ = 	snop  }
0x4b: {  	[tilespmem:s15], [sflag:$0x1] =	stream.indirect.gather [hbm4b:s4+s8], $0x20, s22, s8, $0xb8;
	[tilespmem:$0x8800] =	vst v63  }
0x4c: {  	s1 =	rddreg [dreg:$0x5]  }
0x4d: {  	[hbm4b:s1+s2] =	stream.linear.scatter [tilespmem:s6], [sflag:$0x2], $0x4000, $0x38;
	[tilespmem:$0x8800] =	vst v63  }
0x4e: {  	_ =	swait.ge [sflag:s5], $0x1000  }
0x4f: {  	[sflag:s5] =	ssyncset.done $0x0  }
0x50: {  	[sflag:s5] =	ssyncadd.s32 $0xFFFFF000  }
0x51: {  	_ =	swait.ge [sflag:s5], $0x1000  }
0x52: {  	[sflag:s5] =	ssyncset.done $0x0  }
0x53: {  	[sflag:s5] =	ssyncadd.s32 $0xFFFFF000  }
0x54: {  	_ =	swait.ge [sflag:s5], $0x1000  }
0x55: {  	[sflag:s5] =	ssyncset.done $0x0  }
0x56: {  	[sflag:s5] =	ssyncadd.s32 $0xFFFFF000  }
0x57: {  	_ =	swait.ge [sflag:s5], $0x1000  }
0x58: {  	[sflag:s5] =	ssyncset.done $0x0  }
0x59: {  	[sflag:s5] =	ssyncadd.s32 $0xFFFFF000  }
0x5a: {  	_ =	swait.ge [sflag:s7], $0x4000  }
0x5b: {  	[sflag:s7] =	ssyncset.done $0x0  }
0x5c: {  	[sflag:s7] =	ssyncadd.s32 $0xFFFFC000  }
0x5d: {  	[tilespmem:s6], [sflag:$0x1] =	stream.indirect.gather [hbm4b:s4+s8], $0x20, s17, s8, $0xb8;
	[tilespmem:$0x8800] =	vst v63  }
0x5e: {  	_ = 	snop  }
0x5f: {  	[tilespmem:s10], [sflag:$0x1] =	stream.indirect.gather [hbm4b:s4+s8], $0x20, s18, s8, $0xb8;
	[tilespmem:$0x8800] =	vst v63  }
0x60: {  	_ = 	snop  }
0x61: {  	[tilespmem:s11], [sflag:$0x1] =	stream.indirect.gather [hbm4b:s4+s8], $0x20, s19, s8, $0xb8;
	[tilespmem:$0x8800] =	vst v63  }
0x62: {  	_ = 	snop  }
0x63: {  	[tilespmem:s12], [sflag:$0x1] =	stream.indirect.gather [hbm4b:s4+s8], $0x20, s16, s8, $0xb8;
	[tilespmem:$0x8800] =	vst v63  }
0x64: {  	s1 =	rddreg [dreg:$0x6]  }
0x65: {  	[hbm4b:s1+s2] =	stream.linear.scatter [tilespmem:s9], [sflag:$0x2], $0x4000, $0x38;
	[tilespmem:$0x8800] =	vst v63  }
0x66: {  	_ =	swait.ge [sflag:s5], $0x1000  }
0x67: {  	[sflag:s5] =	ssyncset.done $0x0  }
0x68: {  	[sflag:s5] =	ssyncadd.s32 $0xFFFFF000  }
0x69: {  	_ =	swait.ge [sflag:s5], $0x1000  }
0x6a: {  	[sflag:s5] =	ssyncset.done $0x0  }
0x6b: {  	[sflag:s5] =	ssyncadd.s32 $0xFFFFF000  }
0x6c: {  	_ =	swait.ge [sflag:s5], $0x1000  }
0x6d: {  	[sflag:s5] =	ssyncset.done $0x0  }
0x6e: {  	[sflag:s5] =	ssyncadd.s32 $0xFFFFF000  }
0x6f: {  	_ =	swait.ge [sflag:s5], $0x1000  }
0x70: {  	[sflag:s5] =	ssyncset.done $0x0  }
0x71: {  	p1 =	sne.s32 s0, $0x1;
	[sflag:s5] =	ssyncadd.s32 $0xFFFFF000  }
0x72: {  	[hbm4b:s3+s2] =	stream.linear.scatter [tilespmem:s6], [sflag:$0x2], $0x4000, $0x38;
	[tilespmem:$0x8800] =	vst v63  }
.Ltmp1:
0x73: {  	_ =	swait.ge [sflag:s7], $0x4000;
	(pc) =	sbr.rel @!p1 .LBB2_3-.Ltmp1, $4  }
0x74: {  	[sflag:s7] =	ssyncset.done $0x0  }
0x75: {  	[sflag:s7] =	ssyncadd.s32 $0xFFFFC000  }
0x76: {  	s0 =	sadd.s32 $0xFFFFFFFF, s0;
	_ =	swait.ge [sflag:s7], $0x4000  }
0x77: {  	p0 =	por $0x1, $0x1;
	s1 =	rddreg [dreg:$0x3];
	[sflag:s7] =	ssyncset.done $0x0  }
.LBB2_2:
0x78: {  	[sflag:s7] =	ssyncadd.s32 $0xFFFFC000  }
0x79: {  	[tilespmem:s2], [sflag:$0x3] =	stream.linear.gather [hbm4b:s1+s2], $0x800, $0x38;
	[tilespmem:$0x8800] =	vst v63  }
0x7a: {  	_ =	swait.ge [sflag:s29], $0x800  }
0x7b: {  	[sflag:s29] =	ssyncset.done $0x0  }
0x7c: {  	[sflag:s29] =	ssyncadd.s32 $0xFFFFF800  }
0x7d: {  	[tilespmem:s9], [sflag:$0x1] =	stream.indirect.gather [hbm4b:s4+s8], $0x20, s2, s8, $0xb8;
	[tilespmem:$0x8800] =	vst v63  }
0x7e: {  	_ = 	snop  }
0x7f: {  	[tilespmem:s13], [sflag:$0x1] =	stream.indirect.gather [hbm4b:s4+s8], $0x20, s8, s8, $0xb8;
	[tilespmem:$0x8800] =	vst v63  }
0x80: {  	_ = 	snop  }
0x81: {  	[tilespmem:s14], [sflag:$0x1] =	stream.indirect.gather [hbm4b:s4+s8], $0x20, s30, s8, $0xb8;
	[tilespmem:$0x8800] =	vst v63  }
0x82: {  	_ = 	snop  }
0x83: {  	[tilespmem:s15], [sflag:$0x1] =	stream.indirect.gather [hbm4b:s4+s8], $0x20, s31, s8, $0xb8;
	[tilespmem:$0x8800] =	vst v63  }
0x84: {  	_ =	swait.ge [sflag:s5], $0x1000  }
0x85: {  	[sflag:s5] =	ssyncset.done $0x0  }
0x86: {  	[sflag:s5] =	ssyncadd.s32 $0xFFFFF000  }
0x87: {  	_ =	swait.ge [sflag:s5], $0x1000  }
0x88: {  	[sflag:s5] =	ssyncset.done $0x0  }
0x89: {  	[sflag:s5] =	ssyncadd.s32 $0xFFFFF000  }
0x8a: {  	_ =	swait.ge [sflag:s5], $0x1000  }
0x8b: {  	[sflag:s5] =	ssyncset.done $0x0  }
0x8c: {  	[sflag:s5] =	ssyncadd.s32 $0xFFFFF000  }
0x8d: {  	_ =	swait.ge [sflag:s5], $0x1000  }
0x8e: {  	[sflag:s5] =	ssyncset.done $0x0  }
0x8f: {  	[sflag:s5] =	ssyncadd.s32 $0xFFFFF000  }
0x90: {  	[tilespmem:s6], [sflag:$0x1] =	stream.indirect.gather [hbm4b:s4+s8], $0x20, s24, s8, $0xb8;
	[tilespmem:$0x8800] =	vst v63  }
0x91: {  	_ = 	snop  }
0x92: {  	[tilespmem:s10], [sflag:$0x1] =	stream.indirect.gather [hbm4b:s4+s8], $0x20, s25, s8, $0xb8;
	[tilespmem:$0x8800] =	vst v63  }
0x93: {  	_ = 	snop  }
0x94: {  	[tilespmem:s11], [sflag:$0x1] =	stream.indirect.gather [hbm4b:s4+s8], $0x20, s26, s8, $0xb8;
	[tilespmem:$0x8800] =	vst v63  }
0x95: {  	_ = 	snop  }
0x96: {  	[tilespmem:s12], [sflag:$0x1] =	stream.indirect.gather [hbm4b:s4+s8], $0x20, s28, s8, $0xb8;
	[tilespmem:$0x8800] =	vst v63  }
0x97: {  	s1 =	rddreg [dreg:$0x4]  }
0x98: {  	[hbm4b:s1+s2] =	stream.linear.scatter [tilespmem:s9], [sflag:$0x2], $0x4000, $0x38;
	[tilespmem:$0x8800] =	vst v63  }
0x99: {  	_ =	swait.ge [sflag:s5], $0x1000  }
0x9a: {  	[sflag:s5] =	ssyncset.done $0x0  }
0x9b: {  	[sflag:s5] =	ssyncadd.s32 $0xFFFFF000  }
0x9c: {  	_ =	swait.ge [sflag:s5], $0x1000  }
0x9d: {  	[sflag:s5] =	ssyncset.done $0x0  }
0x9e: {  	[sflag:s5] =	ssyncadd.s32 $0xFFFFF000  }
0x9f: {  	_ =	swait.ge [sflag:s5], $0x1000  }
0xa0: {  	[sflag:s5] =	ssyncset.done $0x0  }
0xa1: {  	[sflag:s5] =	ssyncadd.s32 $0xFFFFF000  }
0xa2: {  	_ =	swait.ge [sflag:s5], $0x1000  }
0xa3: {  	[sflag:s5] =	ssyncset.done $0x0  }
0xa4: {  	[sflag:s5] =	ssyncadd.s32 $0xFFFFF000  }
0xa5: {  	_ =	swait.ge [sflag:s7], $0x4000  }
0xa6: {  	[sflag:s7] =	ssyncset.done $0x0  }
0xa7: {  	[sflag:s7] =	ssyncadd.s32 $0xFFFFC000  }
0xa8: {  	[tilespmem:s9], [sflag:$0x1] =	stream.indirect.gather [hbm4b:s4+s8], $0x20, s20, s8, $0xb8;
	[tilespmem:$0x8800] =	vst v63  }
0xa9: {  	_ = 	snop  }
0xaa: {  	[tilespmem:s13], [sflag:$0x1] =	stream.indirect.gather [hbm4b:s4+s8], $0x20, s21, s8, $0xb8;
	[tilespmem:$0x8800] =	vst v63  }
0xab: {  	_ = 	snop  }
0xac: {  	[tilespmem:s14], [sflag:$0x1] =	stream.indirect.gather [hbm4b:s4+s8], $0x20, s23, s8, $0xb8;
	[tilespmem:$0x8800] =	vst v63  }
0xad: {  	_ = 	snop  }
0xae: {  	[tilespmem:s15], [sflag:$0x1] =	stream.indirect.gather [hbm4b:s4+s8], $0x20, s22, s8, $0xb8;
	[tilespmem:$0x8800] =	vst v63  }
0xaf: {  	s1 =	rddreg [dreg:$0x5]  }
0xb0: {  	[hbm4b:s1+s2] =	stream.linear.scatter [tilespmem:s6], [sflag:$0x2], $0x4000, $0x38;
	[tilespmem:$0x8800] =	vst v63  }
0xb1: {  	_ =	swait.ge [sflag:s5], $0x1000  }
0xb2: {  	[sflag:s5] =	ssyncset.done $0x0  }
0xb3: {  	[sflag:s5] =	ssyncadd.s32 $0xFFFFF000  }
0xb4: {  	_ =	swait.ge [sflag:s5], $0x1000  }
0xb5: {  	[sflag:s5] =	ssyncset.done $0x0  }
0xb6: {  	[sflag:s5] =	ssyncadd.s32 $0xFFFFF000  }
0xb7: {  	_ =	swait.ge [sflag:s5], $0x1000  }
0xb8: {  	[sflag:s5] =	ssyncset.done $0x0  }
0xb9: {  	[sflag:s5] =	ssyncadd.s32 $0xFFFFF000  }
0xba: {  	_ =	swait.ge [sflag:s5], $0x1000  }
0xbb: {  	[sflag:s5] =	ssyncset.done $0x0  }
0xbc: {  	[sflag:s5] =	ssyncadd.s32 $0xFFFFF000  }
0xbd: {  	_ =	swait.ge [sflag:s7], $0x4000  }
0xbe: {  	[sflag:s7] =	ssyncset.done $0x0  }
0xbf: {  	[sflag:s7] =	ssyncadd.s32 $0xFFFFC000  }
0xc0: {  	[tilespmem:s6], [sflag:$0x1] =	stream.indirect.gather [hbm4b:s4+s8], $0x20, s17, s8, $0xb8;
	[tilespmem:$0x8800] =	vst v63  }
0xc1: {  	_ = 	snop  }
0xc2: {  	[tilespmem:s10], [sflag:$0x1] =	stream.indirect.gather [hbm4b:s4+s8], $0x20, s18, s8, $0xb8;
	[tilespmem:$0x8800] =	vst v63  }
0xc3: {  	_ = 	snop  }
0xc4: {  	[tilespmem:s11], [sflag:$0x1] =	stream.indirect.gather [hbm4b:s4+s8], $0x20, s19, s8, $0xb8;
	[tilespmem:$0x8800] =	vst v63  }
0xc5: {  	_ = 	snop  }
0xc6: {  	[tilespmem:s12], [sflag:$0x1] =	stream.indirect.gather [hbm4b:s4+s8], $0x20, s16, s8, $0xb8;
	[tilespmem:$0x8800] =	vst v63  }
0xc7: {  	s1 =	rddreg [dreg:$0x6]  }
0xc8: {  	[hbm4b:s1+s2] =	stream.linear.scatter [tilespmem:s9], [sflag:$0x2], $0x4000, $0x38;
	[tilespmem:$0x8800] =	vst v63  }
0xc9: {  	_ =	swait.ge [sflag:s5], $0x1000  }
0xca: {  	[sflag:s5] =	ssyncset.done $0x0  }
0xcb: {  	[sflag:s5] =	ssyncadd.s32 $0xFFFFF000  }
0xcc: {  	_ =	swait.ge [sflag:s5], $0x1000  }
0xcd: {  	[sflag:s5] =	ssyncset.done $0x0  }
0xce: {  	[sflag:s5] =	ssyncadd.s32 $0xFFFFF000  }
0xcf: {  	_ =	swait.ge [sflag:s5], $0x1000  }
0xd0: {  	[sflag:s5] =	ssyncset.done $0x0  }
0xd1: {  	[sflag:s5] =	ssyncadd.s32 $0xFFFFF000  }
0xd2: {  	_ =	swait.ge [sflag:s5], $0x1000  }
0xd3: {  	[sflag:s5] =	ssyncset.done $0x0  }
0xd4: {  	p1 =	sne.s32 s0, $0x1;
	[sflag:s5] =	ssyncadd.s32 $0xFFFFF000  }
0xd5: {  	[hbm4b:s3+s2] =	stream.linear.scatter [tilespmem:s6], [sflag:$0x2], $0x4000, $0x38;
	[tilespmem:$0x8800] =	vst v63  }
.Ltmp2:
0xd6: {  	_ =	swait.ge [sflag:s7], $0x4000;
	(pc) =	sbr.rel @p1 .LBB2_2-.Ltmp2, $4  }
0xd7: {  	[sflag:s7] =	ssyncset.done $0x0  }
0xd8: {  	[sflag:s7] =	ssyncadd.s32 $0xFFFFC000  }
0xd9: {  	_ =	swait.ge [sflag:s7], $0x4000  }
0xda: {  	s0 =	sadd.s32 $0xFFFFFFFF, s0;
	s1 =	rddreg [dreg:$0x3];
	[sflag:s7] =	ssyncset.done $0x0  }
.LBB2_3:
0xdb: {  	[sflag:s7] =	ssyncadd.s32 @p0 $0xFFFFC000  }
0xdc: {  	[tilespmem:s2], [sflag:$0x3] =	stream.linear.gather [hbm4b:s1+s2], $0x800, $0x38;
	[tilespmem:$0x8800] =	vst v63  }
0xdd: {  	_ =	swait.ge [sflag:s29], $0x800  }
0xde: {  	[sflag:s29] =	ssyncset.done $0x0  }
0xdf: {  	[sflag:s29] =	ssyncadd.s32 $0xFFFFF800  }
0xe0: {  	[tilespmem:s9], [sflag:$0x1] =	stream.indirect.gather [hbm4b:s4+s8], $0x20, s2, s8, $0xb8;
	[tilespmem:$0x8800] =	vst v63  }
0xe1: {  	_ = 	snop  }
0xe2: {  	[tilespmem:s13], [sflag:$0x1] =	stream.indirect.gather [hbm4b:s4+s8], $0x20, s8, s8, $0xb8;
	[tilespmem:$0x8800] =	vst v63  }
0xe3: {  	_ = 	snop  }
0xe4: {  	[tilespmem:s14], [sflag:$0x1] =	stream.indirect.gather [hbm4b:s4+s8], $0x20, s30, s8, $0xb8;
	[tilespmem:$0x8800] =	vst v63  }
0xe5: {  	_ = 	snop  }
0xe6: {  	[tilespmem:s15], [sflag:$0x1] =	stream.indirect.gather [hbm4b:s4+s8], $0x20, s31, s8, $0xb8;
	[tilespmem:$0x8800] =	vst v63  }
0xe7: {  	_ =	swait.ge [sflag:s5], $0x1000  }
0xe8: {  	[sflag:s5] =	ssyncset.done $0x0  }
0xe9: {  	[sflag:s5] =	ssyncadd.s32 $0xFFFFF000  }
0xea: {  	_ =	swait.ge [sflag:s5], $0x1000  }
0xeb: {  	[sflag:s5] =	ssyncset.done $0x0  }
0xec: {  	[sflag:s5] =	ssyncadd.s32 $0xFFFFF000  }
0xed: {  	_ =	swait.ge [sflag:s5], $0x1000  }
0xee: {  	[sflag:s5] =	ssyncset.done $0x0  }
0xef: {  	[sflag:s5] =	ssyncadd.s32 $0xFFFFF000  }
0xf0: {  	_ =	swait.ge [sflag:s5], $0x1000  }
0xf1: {  	[sflag:s5] =	ssyncset.done $0x0  }
0xf2: {  	[sflag:s5] =	ssyncadd.s32 $0xFFFFF000  }
0xf3: {  	[tilespmem:s6], [sflag:$0x1] =	stream.indirect.gather [hbm4b:s4+s8], $0x20, s24, s8, $0xb8;
	[tilespmem:$0x8800] =	vst v63  }
0xf4: {  	_ = 	snop  }
0xf5: {  	[tilespmem:s10], [sflag:$0x1] =	stream.indirect.gather [hbm4b:s4+s8], $0x20, s25, s8, $0xb8;
	[tilespmem:$0x8800] =	vst v63  }
0xf6: {  	_ = 	snop  }
0xf7: {  	[tilespmem:s11], [sflag:$0x1] =	stream.indirect.gather [hbm4b:s4+s8], $0x20, s26, s8, $0xb8;
	[tilespmem:$0x8800] =	vst v63  }
0xf8: {  	_ = 	snop  }
0xf9: {  	[tilespmem:s12], [sflag:$0x1] =	stream.indirect.gather [hbm4b:s4+s8], $0x20, s28, s8, $0xb8;
	[tilespmem:$0x8800] =	vst v63  }
0xfa: {  	s0 =	rddreg [dreg:$0x4]  }
0xfb: {  	[hbm4b:s0+s2] =	stream.linear.scatter [tilespmem:s9], [sflag:$0x2], $0x4000, $0x38;
	[tilespmem:$0x8800] =	vst v63  }
0xfc: {  	_ =	swait.ge [sflag:s5], $0x1000  }
0xfd: {  	[sflag:s5] =	ssyncset.done $0x0  }
0xfe: {  	[sflag:s5] =	ssyncadd.s32 $0xFFFFF000  }
0xff: {  	_ =	swait.ge [sflag:s5], $0x1000  }
0x100: {  	[sflag:s5] =	ssyncset.done $0x0  }
0x101: {  	[sflag:s5] =	ssyncadd.s32 $0xFFFFF000  }
0x102: {  	_ =	swait.ge [sflag:s5], $0x1000  }
0x103: {  	[sflag:s5] =	ssyncset.done $0x0  }
0x104: {  	[sflag:s5] =	ssyncadd.s32 $0xFFFFF000  }
0x105: {  	_ =	swait.ge [sflag:s5], $0x1000  }
0x106: {  	[sflag:s5] =	ssyncset.done $0x0  }
0x107: {  	[sflag:s5] =	ssyncadd.s32 $0xFFFFF000  }
0x108: {  	_ =	swait.ge [sflag:s7], $0x4000  }
0x109: {  	[sflag:s7] =	ssyncset.done $0x0  }
0x10a: {  	[sflag:s7] =	ssyncadd.s32 $0xFFFFC000  }
0x10b: {  	[tilespmem:s9], [sflag:$0x1] =	stream.indirect.gather [hbm4b:s4+s8], $0x20, s20, s8, $0xb8;
	[tilespmem:$0x8800] =	vst v63  }
0x10c: {  	_ = 	snop  }
0x10d: {  	[tilespmem:s13], [sflag:$0x1] =	stream.indirect.gather [hbm4b:s4+s8], $0x20, s21, s8, $0xb8;
	[tilespmem:$0x8800] =	vst v63  }
0x10e: {  	_ = 	snop  }
0x10f: {  	[tilespmem:s14], [sflag:$0x1] =	stream.indirect.gather [hbm4b:s4+s8], $0x20, s23, s8, $0xb8;
	[tilespmem:$0x8800] =	vst v63  }
0x110: {  	_ = 	snop  }
0x111: {  	[tilespmem:s15], [sflag:$0x1] =	stream.indirect.gather [hbm4b:s4+s8], $0x20, s22, s8, $0xb8;
	[tilespmem:$0x8800] =	vst v63  }
0x112: {  	s29 =	rddreg [dreg:$0x5]  }
0x113: {  	[hbm4b:s29+s2] =	stream.linear.scatter [tilespmem:s6], [sflag:$0x2], $0x4000, $0x38;
	[tilespmem:$0x8800] =	vst v63  }
0x114: {  	_ =	swait.ge [sflag:s5], $0x1000  }
0x115: {  	[sflag:s5] =	ssyncset.done $0x0  }
0x116: {  	[sflag:s5] =	ssyncadd.s32 $0xFFFFF000  }
0x117: {  	_ =	swait.ge [sflag:s5], $0x1000  }
0x118: {  	[sflag:s5] =	ssyncset.done $0x0  }
0x119: {  	[sflag:s5] =	ssyncadd.s32 $0xFFFFF000  }
0x11a: {  	_ =	swait.ge [sflag:s5], $0x1000  }
0x11b: {  	[sflag:s5] =	ssyncset.done $0x0  }
0x11c: {  	[sflag:s5] =	ssyncadd.s32 $0xFFFFF000  }
0x11d: {  	_ =	swait.ge [sflag:s5], $0x1000  }
0x11e: {  	[sflag:s5] =	ssyncset.done $0x0  }
0x11f: {  	[sflag:s5] =	ssyncadd.s32 $0xFFFFF000  }
0x120: {  	_ =	swait.ge [sflag:s7], $0x4000  }
0x121: {  	[sflag:s7] =	ssyncset.done $0x0  }
0x122: {  	[sflag:s7] =	ssyncadd.s32 $0xFFFFC000  }
0x123: {  	[tilespmem:s6], [sflag:$0x1] =	stream.indirect.gather [hbm4b:s4+s8], $0x20, s17, s8, $0xb8;
	[tilespmem:$0x8800] =	vst v63  }
0x124: {  	_ = 	snop  }
0x125: {  	[tilespmem:s10], [sflag:$0x1] =	stream.indirect.gather [hbm4b:s4+s8], $0x20, s18, s8, $0xb8;
	[tilespmem:$0x8800] =	vst v63  }
0x126: {  	_ = 	snop  }
0x127: {  	[tilespmem:s11], [sflag:$0x1] =	stream.indirect.gather [hbm4b:s4+s8], $0x20, s19, s8, $0xb8;
	[tilespmem:$0x8800] =	vst v63  }
0x128: {  	_ = 	snop  }
0x129: {  	[tilespmem:s12], [sflag:$0x1] =	stream.indirect.gather [hbm4b:s4+s8], $0x20, s16, s8, $0xb8;
	[tilespmem:$0x8800] =	vst v63  }
0x12a: {  	s30 =	rddreg [dreg:$0x6]  }
0x12b: {  	[hbm4b:s30+s2] =	stream.linear.scatter [tilespmem:s9], [sflag:$0x2], $0x4000, $0x38;
	[tilespmem:$0x8800] =	vst v63  }
0x12c: {  	_ =	swait.ge [sflag:s5], $0x1000  }
0x12d: {  	[sflag:s5] =	ssyncset.done $0x0  }
0x12e: {  	[sflag:s5] =	ssyncadd.s32 $0xFFFFF000  }
0x12f: {  	_ =	swait.ge [sflag:s5], $0x1000  }
0x130: {  	[sflag:s5] =	ssyncset.done $0x0  }
0x131: {  	[sflag:s5] =	ssyncadd.s32 $0xFFFFF000  }
0x132: {  	_ =	swait.ge [sflag:s5], $0x1000  }
0x133: {  	[sflag:s5] =	ssyncset.done $0x0  }
0x134: {  	[sflag:s5] =	ssyncadd.s32 $0xFFFFF000  }
0x135: {  	_ =	swait.ge [sflag:s5], $0x1000  }
0x136: {  	[sflag:s5] =	ssyncset.done $0x0  }
0x137: {  	[sflag:s5] =	ssyncadd.s32 $0xFFFFF000  }
0x138: {  	[hbm4b:s3+s2] =	stream.linear.scatter [tilespmem:s6], [sflag:$0x2], $0x4000, $0x38;
	[tilespmem:$0x8800] =	vst v63  }
0x139: {  	_ =	swait.ge [sflag:s7], $0x4000  }
0x13a: {  	[sflag:s7] =	ssyncset.done $0x0  }
0x13b: {  	[sflag:s7] =	ssyncadd.s32 $0xFFFFC000  }
0x13c: {  	_ =	swait.ge [sflag:s7], $0x4000  }
0x13d: {  	[sflag:s7] =	ssyncset.done $0x0  }
0x13e: {  	[sflag:s7] =	ssyncadd.s32 $0xFFFFC000  }
0x13f: {  	_ =	sfence.sel $0x180000  }
0x140: {  	[bflag:$0x0] =	sbarrier.arrive $0xFFFF  }
0x141: {  	_ =	strace $0x9000004A  }
0x142: {  	s31 =	stileid.u32;
	[bflag:$0x2] =	sbarrier.arrive $0xFFFF  }
0x143: {  	p0 =	sne.s32 s31, $0x0;
	s0 =	rddreg [dreg:$0x2]  }
0x144: {  	s0 =	sadd.s32 @!p0 $0x100000, s0  }
0x145: {  	[sflag:s0] =	ssyncadd.tile.s32 @!p0 $0x1;
	_ =	shalt  }
.Lfunc_end2:
_tile_overlayer_lowered:
.L_overlay_start_2:
0x146: {  	(tag) =	ssettag $0x2  }
0x147: {  	s0 =	rddreg [dreg:$0x0];
	s2 =	stileid.u32  }
0x148: {  	s1 =	rddreg [dreg:$0x1];
	p0 =	sne.s32 s2, $0x0  }
0x149: {  	s3 =	rddreg [dreg:$0x2];
	[bflag:$0x3] =	sbarrier.arrive $0xFFFF;
	s2 =	simm.s32 @!p0 $0x1C03  }
0x14a: {  	[timem:s3], [sflag:s2] =	dma.local @!p0 [hbm:s0], s1  }
0x14b: {  	s0 =	simm.s32 @!p0 $0x3  }
0x14c: {  	_ =	swait.ge @!p0 [sflag:s0], s1  }
0x14d: {  	s1 =	ssub.s32 @!p0 $0x0, s1;
	[sflag:s0] =	ssyncset.done @!p0 $0x0  }
0x14e: {  	[sflag:s0] =	ssyncadd.s32 @!p0 s1  }
0x14f: {  	[bflag:$0x3] =	sbarrier.arrive $0xFFFF  }
0x150: {  	_ =	shalt  }

</sc_bundles>
